<compile_context>
chip_gen: v7x
topology: tpu7x:2x2x1
jax: 0.10.2.dev20260603
libtpu: 0.0.44.dev20260713+nightly
codegen_flags: <defaults>
</compile_context>

<pallas_src>
import functools

import jax
import jax.numpy as jnp
from jax import lax
from jax.experimental import pallas as pl
from jax.experimental.pallas import tpu as pltpu
from jax.experimental.pallas import tpu_sc as plsc

B, NP, DIM = 4, 1024, 128
K = 16
HID, NPROP = 64, 5
NG = 2
NNODE = B * NP
NEDGE = NNODE * K

_INTERPRET = False



def _knn_body(xyz_ref, xyzt_ref, out_ref):
    d2 = jnp.zeros((NP, NP), jnp.float32)
    for c in range(3):
        col = xyz_ref[0, :, c : c + 1]
        row = xyzt_ref[0, c : c + 1, :]
        diff = col - row
        d2 = d2 + diff * diff
    ii = lax.broadcasted_iota(jnp.int32, (NP, NP), 0)
    jj = lax.broadcasted_iota(jnp.int32, (NP, NP), 1)
    d2 = jnp.where(ii == jj, d2 + 1e10, d2)
    rows = []
    m = jnp.min(d2, axis=0, keepdims=True)
    for r in range(K):
        cand = jnp.where(d2 == m, ii, NP)
        sel = jnp.min(cand, axis=0, keepdims=True)
        rows.append(sel)
        if r + 1 < K:
            d2 = jnp.where(ii == sel, jnp.float32(1e30), d2)
            m = jnp.min(d2, axis=0, keepdims=True)
    b = pl.program_id(0)
    out_ref[0] = jnp.concatenate(rows, axis=0) + b * NP


def _knn_call(xyzp, xyzt):
    return pl.pallas_call(
        _knn_body,
        grid=(B,),
        in_specs=[
            pl.BlockSpec((1, NP, 8), lambda b: (b, 0, 0)),
            pl.BlockSpec((1, 8, NP), lambda b: (b, 0, 0)),
        ],
        out_specs=pl.BlockSpec((1, K, NP), lambda b: (b, 0, 0)),
        out_shape=jax.ShapeDtypeStruct((B, K, NP), jnp.int32),
        interpret=_INTERPRET,
    )(xyzp, xyzt)



_NC, _NS = 2, 16
_NW = _NC * _NS
_CHUNK = 128


def _make_gather(n_rows, d):
    per_w = n_rows // _NW
    n_chunks = per_w // _CHUNK
    mesh = plsc.VectorSubcoreMesh(core_axis_name="c", subcore_axis_name="s")

    @functools.partial(
        pl.kernel,
        mesh=mesh,
        out_type=jax.ShapeDtypeStruct((n_rows, d), jnp.float32),
        scratch_types=[
            pltpu.VMEM((per_w,), jnp.int32),
            pltpu.VMEM((_CHUNK, d), jnp.float32),
            pltpu.VMEM((_CHUNK, d), jnp.float32),
            pltpu.SemaphoreType.DMA,
            pltpu.SemaphoreType.DMA,
            pltpu.SemaphoreType.DMA,
            pltpu.SemaphoreType.DMA,
        ],
    )
    def gk(idx_hbm, table_hbm, out_hbm, idx_v, b0, b1, sg0, sg1, ss0, ss1):
        wid = lax.axis_index("s") * _NC + lax.axis_index("c")
        base = wid * per_w
        bufs = (b0, b1)
        gsem = (sg0, sg1)
        ssem = (ss0, ss1)
        pltpu.sync_copy(idx_hbm.at[pl.ds(base, per_w)], idx_v)
        cp_g = {}
        cp_s = {}
        cp_g[0] = pltpu.async_copy(
            table_hbm.at[idx_v.at[pl.ds(0, _CHUNK)]], bufs[0], gsem[0])
        for c in range(n_chunks):
            cp_g[c].wait()
            cp_s[c] = pltpu.async_copy(
                bufs[c % 2], out_hbm.at[pl.ds(base + c * _CHUNK, _CHUNK)],
                ssem[c % 2])
            if c + 1 < n_chunks:
                if c >= 1:
                    cp_s[c - 1].wait()
                cp_g[c + 1] = pltpu.async_copy(
                    table_hbm.at[idx_v.at[pl.ds((c + 1) * _CHUNK, _CHUNK)]],
                    bufs[(c + 1) % 2], gsem[(c + 1) % 2])
        cp_s[n_chunks - 1].wait()
        if n_chunks >= 2:
            cp_s[n_chunks - 2].wait()

    return gk


_gather_kernel = None


def _gather_call(src, table):
    global _gather_kernel
    if _gather_kernel is None:
        _gather_kernel = _make_gather(NEDGE, DIM)
    return _gather_kernel(src, table)



_TN = 512


def _msg_body(xd_ref, xg_ref, wft_ref, wfb_ref, wst_ref, wsb_ref,
              bf_ref, bs_ref, out_ref):
    xd = xd_ref[0]
    xg = xg_ref[0, :, :, :].reshape(K * _TN, DIM)
    p = jnp.dot(xd, wft_ref[...], preferred_element_type=jnp.float32) + bf_ref[...]
    r = jnp.dot(xd, wst_ref[...], preferred_element_type=jnp.float32) + bs_ref[...]
    q = jnp.dot(xg, wfb_ref[...], preferred_element_type=jnp.float32)
    s = jnp.dot(xg, wsb_ref[...], preferred_element_type=jnp.float32)
    a = q.reshape(K, _TN, DIM) + p.reshape(1, _TN, DIM)
    t = s.reshape(K, _TN, DIM) + r.reshape(1, _TN, DIM)
    sig = 1.0 / (1.0 + jnp.exp(-a))
    sp = jnp.maximum(t, 0.0) + jnp.log1p(jnp.exp(-jnp.abs(t)))
    out_ref[0] = jnp.max(sig * sp, axis=0)


def _msg_call(xd, xg, wft, wfb, wst, wsb, bf, bs):
    nt = NNODE // _TN
    npb = NP // _TN
    return pl.pallas_call(
        _msg_body,
        grid=(nt,),
        in_specs=[
            pl.BlockSpec((1, _TN, DIM), lambda t: (t, 0, 0)),
            pl.BlockSpec((1, K, _TN, DIM),
                         lambda t: (t // npb, 0, t % npb, 0)),
            pl.BlockSpec((DIM, DIM), lambda t: (0, 0)),
            pl.BlockSpec((DIM, DIM), lambda t: (0, 0)),
            pl.BlockSpec((DIM, DIM), lambda t: (0, 0)),
            pl.BlockSpec((DIM, DIM), lambda t: (0, 0)),
            pl.BlockSpec((1, DIM), lambda t: (0, 0)),
            pl.BlockSpec((1, DIM), lambda t: (0, 0)),
        ],
        out_specs=pl.BlockSpec((1, _TN, DIM), lambda t: (t, 0, 0)),
        out_shape=jax.ShapeDtypeStruct((nt, _TN, DIM), jnp.float32),
        interpret=_INTERPRET,
    )(xd, xg, wft, wfb, wst, wsb, bf, bs)




def _cross_body(agg0_ref, ab0_ref, xb0_ref, agg1_ref, ab1_ref, xb1_ref,
                gamma_ref, beta_ref,
                wh_ref, bh_ref, wo_ref, bo_ref, o0_ref, o1_ref):
    fs = []
    for agg_ref, ab_ref, xb_ref in ((agg0_ref, ab0_ref, xb0_ref),
                                    (agg1_ref, ab1_ref, xb1_ref)):
        a = agg_ref[...]
        mu = jnp.mean(a, axis=0, keepdims=True)
        var = jnp.mean((a - mu) ** 2, axis=0, keepdims=True)
        nrm = (ab_ref[0] - mu) / jnp.sqrt(var + 1e-5) * gamma_ref[...] \
            + beta_ref[...]
        fs.append(xb_ref[0] + nrm)
    f0, f1 = fs
    for l in range(NPROP):
        wh_t = wh_ref[l, :DIM, :]
        wh_b = wh_ref[l, DIM:, :]
        bh = bh_ref[l]
        wo = wo_ref[l]
        bo = bo_ref[l]
        s = lax.dot_general(f0, f1, (((1,), (1,)), ((), ())),
                            preferred_element_type=jnp.float32)
        m0 = jnp.max(s, axis=1, keepdims=True)
        e0 = jnp.exp(s - m0)
        a0 = e0 / jnp.sum(e0, axis=1, keepdims=True)
        m1 = jnp.max(s, axis=0, keepdims=True)
        e1 = jnp.exp(s - m1)
        a1 = e1 / jnp.sum(e1, axis=0, keepdims=True)
        att0 = jnp.dot(a0, f1, preferred_element_type=jnp.float32)
        att1 = lax.dot_general(a1, f0, (((0,), (0,)), ((), ())),
                               preferred_element_type=jnp.float32)
        mu0 = f0 - att0
        mu1 = f1 - att1
        h0 = jax.nn.relu(
            jnp.dot(f0, wh_t, preferred_element_type=jnp.float32)
            + jnp.dot(mu0, wh_b, preferred_element_type=jnp.float32) + bh)
        h1 = jax.nn.relu(
            jnp.dot(f1, wh_t, preferred_element_type=jnp.float32)
            + jnp.dot(mu1, wh_b, preferred_element_type=jnp.float32) + bh)
        f0 = f0 + jnp.dot(h0, wo, preferred_element_type=jnp.float32) + bo
        f1 = f1 + jnp.dot(h1, wo, preferred_element_type=jnp.float32) + bo
    o0_ref[0] = f0
    o1_ref[0] = f1


def _cross_call(agg0, x0, agg1, x1, gamma, beta, wh, bh, wo, bo):
    full = pl.BlockSpec((NNODE, DIM), lambda b: (0, 0))
    batch = pl.BlockSpec((1, NP, DIM), lambda b: (b, 0, 0))
    return pl.pallas_call(
        _cross_body,
        grid=(B,),
        in_specs=[
            full, batch, batch,
            full, batch, batch,
            pl.BlockSpec((1, DIM), lambda b: (0, 0)),
            pl.BlockSpec((1, DIM), lambda b: (0, 0)),
            pl.BlockSpec((NPROP, 2 * DIM, HID), lambda b: (0, 0, 0)),
            pl.BlockSpec((NPROP, 1, HID), lambda b: (0, 0, 0)),
            pl.BlockSpec((NPROP, HID, DIM), lambda b: (0, 0, 0)),
            pl.BlockSpec((NPROP, 1, DIM), lambda b: (0, 0, 0)),
        ],
        out_specs=[
            pl.BlockSpec((1, NP, DIM), lambda b: (b, 0, 0)),
            pl.BlockSpec((1, NP, DIM), lambda b: (b, 0, 0)),
        ],
        out_shape=[
            jax.ShapeDtypeStruct((B, NP, DIM), jnp.float32),
            jax.ShapeDtypeStruct((B, NP, DIM), jnp.float32),
        ],
        interpret=_INTERPRET,
    )(agg0, agg0.reshape(B, NP, DIM), x0.reshape(B, NP, DIM),
      agg1, agg1.reshape(B, NP, DIM), x1.reshape(B, NP, DIM),
      gamma, beta, wh, bh, wo, bo)




def kernel(input_xyz, coord_xyz, input_f, coord_f, Wf, bf, Ws, bs,
           gamma, beta, Wh, bh, Wo, bo):
    x0 = input_f.reshape(NNODE, DIM)
    x1 = coord_f.reshape(NNODE, DIM)

    wft, wfb = Wf[:DIM], Wf[DIM:]
    wst, wsb = Ws[:DIM], Ws[DIM:]
    bf2 = bf.reshape(1, DIM)
    bs2 = bs.reshape(1, DIM)
    nt = NNODE // _TN

    aggs = []
    pad = jnp.zeros((B, NP, 5), jnp.float32)
    for xyz, x in ((input_xyz, x0), (coord_xyz, x1)):
        xyzp = jnp.concatenate([xyz, pad], axis=-1)
        xyzt = jnp.swapaxes(xyzp, 1, 2)
        idx = _knn_call(xyzp, xyzt)
        xg = _gather_call(idx.reshape(-1), x)
        agg = _msg_call(
            x.reshape(nt, _TN, DIM),
            xg.reshape(B, K, NP, DIM),
            wft, wfb, wst, wsb, bf2, bs2,
        )
        aggs.append(agg.reshape(NNODE, DIM))

    o0, o1 = _cross_call(aggs[0], x0, aggs[1], x1,
                         gamma.reshape(1, DIM), beta.reshape(1, DIM),
                         Wh, bh.reshape(NPROP, 1, HID),
                         Wo, bo.reshape(NPROP, 1, DIM))
    return o0.reshape(-1, DIM), o1.reshape(-1, DIM)

# --- scband reference (transcript-rebuilt; emitter-appended) ---
"""Pipeline reference for scband-gnnattention-32272384262237 (READ-ONLY COPY).

The authoritative reference and input builder live on the scoring server;
editing this copy changes nothing except your own understanding.
"""

import jax, jax.numpy as jnp
import numpy as np

B, NP, DIM = 4, 1024, 128
K_IN, K_CO = 16, 16
HID, NPROP = 64, 5


def _knn_edges(xyz, k):
    b, n, _ = xyz.shape
    d2 = jnp.sum((xyz[:, :, None, :] - xyz[:, None, :, :]) ** 2, axis=-1)
    d2 = d2 + jnp.eye(n, dtype=d2.dtype)[None] * 1e10
    _, idx = jax.lax.top_k(-d2, k)
    offs = (jnp.arange(b) * n)[:, None, None]
    src = (idx + offs).reshape(-1)
    dst = (jnp.broadcast_to(jnp.arange(n)[None, :, None], (b, n, k)) + offs).reshape(-1)
    return src, dst


def _cgconv(x, src, dst, Wf, bf, Ws, bs, gamma, beta):
    z = jnp.concatenate([x[dst], x[src]], axis=-1)
    msg = jax.nn.sigmoid(z @ Wf + bf) * jax.nn.softplus(z @ Ws + bs)
    agg = jax.ops.segment_max(msg, dst, num_segments=x.shape[0])
    agg = jnp.where(jnp.isfinite(agg), agg, 0.0)
    mu = jnp.mean(agg, axis=0)
    var = jnp.var(agg, axis=0)
    agg = (agg - mu) / jnp.sqrt(var + 1e-5) * gamma + beta
    return x + agg


def _cross_prop(f0, f1, Wh, bh, Wo, bo):
    for l in range(NPROP):
        s = jnp.einsum('bnd,bmd->bnm', f0, f1)
        a0 = jax.nn.softmax(s, axis=-1)
        a1 = jax.nn.softmax(s, axis=1)
        att0 = jnp.einsum('bnm,bmd->bnd', a0, f1)
        att1 = jnp.einsum('bnm,bnd->bmd', a1, f0)
        mu0 = f0 - att0
        mu1 = f1 - att1
        h0 = jax.nn.relu(jnp.concatenate([f0, mu0], axis=-1) @ Wh[l] + bh[l]) @ Wo[l] + bo[l]
        h1 = jax.nn.relu(jnp.concatenate([f1, mu1], axis=-1) @ Wh[l] + bh[l]) @ Wo[l] + bo[l]
        f0 = f0 + h0
        f1 = f1 + h1
    return f0, f1


def setup_inputs(seed: int = 0):
    key = jax.random.key(seed)
    ks = jax.random.split(key, 8)
    return {
        'input_xyz': jax.random.normal(ks[0], (B, NP, 3), dtype=jnp.float32),
        'coord_xyz': jax.random.normal(ks[1], (B, NP, 3), dtype=jnp.float32),
        'input_f': jax.random.normal(ks[2], (B, NP, DIM), dtype=jnp.float32),
        'coord_f': jax.random.normal(ks[3], (B, NP, DIM), dtype=jnp.float32),
        'Wf': jax.random.normal(ks[4], (2 * DIM, DIM), dtype=jnp.float32) * 0.05,
        'bf': jnp.zeros((DIM,), dtype=jnp.float32),
        'Ws': jax.random.normal(ks[5], (2 * DIM, DIM), dtype=jnp.float32) * 0.05,
        'bs': jnp.zeros((DIM,), dtype=jnp.float32),
        'gamma': jnp.ones((DIM,), dtype=jnp.float32),
        'beta': jnp.zeros((DIM,), dtype=jnp.float32),
        'Wh': jax.random.normal(ks[6], (NPROP, 2 * DIM, HID), dtype=jnp.float32) * 0.05,
        'bh': jnp.zeros((NPROP, HID), dtype=jnp.float32),
        'Wo': jax.random.normal(ks[7], (NPROP, HID, DIM), dtype=jnp.float32) * 0.05,
        'bo': jnp.zeros((NPROP, DIM), dtype=jnp.float32),
    }


def reference(input_xyz, coord_xyz, input_f, coord_f, Wf, bf, Ws, bs, gamma, beta, Wh, bh, Wo, bo):
    f0 = input_f.reshape(-1, DIM)
    f1 = coord_f.reshape(-1, DIM)
    src0, dst0 = _knn_edges(input_xyz, K_IN)
    src1, dst1 = _knn_edges(coord_xyz, K_CO)
    f0 = _cgconv(f0, src0, dst0, Wf, bf, Ws, bs, gamma, beta)
    f1 = _cgconv(f1, src1, dst1, Wf, bf, Ws, bs, gamma, beta)
    f0b, f1b = _cross_prop(f0.reshape(B, NP, DIM), f1.reshape(B, NP, DIM), Wh, bh, Wo, bo)
    return (f0b.reshape(-1, DIM), f1b.reshape(-1, DIM))

if __name__ == "__main__":
    import jax
    _d = setup_inputs()
    print(jax.jit(kernel)(*tuple(_d.values())))

</pallas_src>

<mosaic_0001>
#map = affine_map<(d0, d1) -> (0)>
#map1 = affine_map<(d0, d1) -> (0, 0)>
module attributes {stable_mosaic.version = 14 : i64} {
  func.func @gk(%arg0: i32, %arg1: i32, %arg2: memref<65536xi32, #tpu.memory_space<hbm>>, %arg3: memref<4096x128xf32, #tpu.memory_space<hbm>>, %arg4: memref<65536x128xf32, #tpu.memory_space<hbm>>, %arg5: memref<2048xi32, #tpu.memory_space<vmem>>, %arg6: memref<128x128xf32, #tpu.memory_space<vmem>>, %arg7: memref<128x128xf32, #tpu.memory_space<vmem>>, %arg8: memref<!tpu.dma_semaphore, #tpu.memory_space<semaphore_mem>>, %arg9: memref<!tpu.dma_semaphore, #tpu.memory_space<semaphore_mem>>, %arg10: memref<!tpu.dma_semaphore, #tpu.memory_space<semaphore_mem>>, %arg11: memref<!tpu.dma_semaphore, #tpu.memory_space<semaphore_mem>>) attributes {dimension_semantics = [#tpu.dimension_semantics<core_parallel>, #tpu.dimension_semantics<subcore_parallel>], iteration_bounds = array<i64: 2, 16>, scalar_prefetch = 0 : i64, scratch_operands = 7 : i64, tpu.core_type = #tpu.core_type<sc_vector_subcore>, window_params = [{transform_indices = #map}, {transform_indices = #map1}, {transform_indices = #map1}]} {
    %mul3A = arith.constant 2 : i32
    %mul3A_0 = arith.muli %arg1, %mul3A : i32
    %add3A = arith.addi %mul3A_0, %arg0 : i32
    %mul3A_1 = arith.constant 2048 : i32
    %mul3A_2 = arith.muli %add3A, %mul3A_1 : i32
    "tpu.region"() ({
      %run_scoped3A = tpu.sem_alloc : memref<!tpu.dma_semaphore, #tpu.memory_space<semaphore_mem>>
      %dma_start3A_321 = tpu.memref_slice %arg2[%mul3A_2] : memref<65536xi32, #tpu.memory_space<hbm>> -> memref<2048xi32, #tpu.memory_space<hbm>>
      %dma_start3A_322 = tpu.memref_slice %arg2[%mul3A_2] : memref<65536xi32, #tpu.memory_space<hbm>> -> memref<2048xi32, #tpu.memory_space<hbm>>
      tpu.enqueue_dma source(%dma_start3A_322 : memref<2048xi32, #tpu.memory_space<hbm>>) target(%arg5 : memref<2048xi32, #tpu.memory_space<vmem>>) target_semaphore(%run_scoped3A : memref<!tpu.dma_semaphore, #tpu.memory_space<semaphore_mem>>)
      %dma_wait3A_323 = tpu.memref_slice %arg2[%mul3A_2] : memref<65536xi32, #tpu.memory_space<hbm>> -> memref<2048xi32, #tpu.memory_space<hbm>>
      %dma_wait3A_324 = tpu.memref_slice %arg2[%mul3A_2] : memref<65536xi32, #tpu.memory_space<hbm>> -> memref<2048xi32, #tpu.memory_space<hbm>>
      tpu.wait_dma2 semaphore(%run_scoped3A : memref<!tpu.dma_semaphore, #tpu.memory_space<semaphore_mem>>) src(%dma_wait3A_324 : memref<2048xi32, #tpu.memory_space<hbm>>) dst(%arg5 : memref<2048xi32, #tpu.memory_space<vmem>>)
      tpu.yield
    }) : () -> ()
    %dma_start3A = arith.constant 0 : i32
    %dma_start3A_3 = tpu.memref_slice %arg5[%dma_start3A] : memref<2048xi32, #tpu.memory_space<vmem>> -> memref<128xi32, #tpu.memory_space<vmem>>
    %dma_start3A_4 = arith.constant 0 : i32
    %dma_start3A_5 = arith.constant 0 : i32
    %dma_start3A_6 = tpu.memref_slice %arg3[%dma_start3A_4, %dma_start3A_5] : memref<4096x128xf32, #tpu.memory_space<hbm>> -> memref<4096x128xf32, #tpu.memory_space<hbm>>
    tpu.enqueue_indirect_dma source(%dma_start3A_6 : memref<4096x128xf32, #tpu.memory_space<hbm>>) target(%arg6 : memref<128x128xf32, #tpu.memory_space<vmem>>) offsets(%dma_start3A_3 : memref<128xi32, #tpu.memory_space<vmem>>) semaphore(%arg8 : memref<!tpu.dma_semaphore, #tpu.memory_space<semaphore_mem>>)
    %dma_wait3A = arith.constant 0 : i32
    %dma_wait3A_7 = tpu.memref_slice %arg5[%dma_wait3A] : memref<2048xi32, #tpu.memory_space<vmem>> -> memref<128xi32, #tpu.memory_space<vmem>>
    %dma_wait3A_8 = arith.constant 0 : i32
    %dma_wait3A_9 = arith.constant 0 : i32
    %dma_wait3A_10 = tpu.memref_slice %arg3[%dma_wait3A_8, %dma_wait3A_9] : memref<4096x128xf32, #tpu.memory_space<hbm>> -> memref<4096x128xf32, #tpu.memory_space<hbm>>
    tpu.wait_indirect_dma semaphore(%arg8 : memref<!tpu.dma_semaphore, #tpu.memory_space<semaphore_mem>>) src(%dma_wait3A_10 : memref<4096x128xf32, #tpu.memory_space<hbm>>) dst(%arg6 : memref<128x128xf32, #tpu.memory_space<vmem>>)
    %add3A_11 = arith.constant 0 : i32
    %add3A_12 = arith.addi %mul3A_2, %add3A_11 : i32
    %dma_start3A_13 = arith.constant 0 : i32
    %dma_start3A_14 = tpu.memref_slice %arg4[%add3A_12, %dma_start3A_13] : memref<65536x128xf32, #tpu.memory_space<hbm>> -> memref<128x128xf32, #tpu.memory_space<hbm>>
    %dma_start3A_15 = arith.constant 0 : i32
    %dma_start3A_16 = tpu.memref_slice %arg4[%add3A_12, %dma_start3A_15] : memref<65536x128xf32, #tpu.memory_space<hbm>> -> memref<128x128xf32, #tpu.memory_space<hbm>>
    tpu.enqueue_dma source(%arg6 : memref<128x128xf32, #tpu.memory_space<vmem>>) target(%dma_start3A_16 : memref<128x128xf32, #tpu.memory_space<hbm>>) target_semaphore(%arg10 : memref<!tpu.dma_semaphore, #tpu.memory_space<semaphore_mem>>)
    %dma_start3A_17 = arith.constant 128 : i32
    %dma_start3A_18 = tpu.memref_slice %arg5[%dma_start3A_17] : memref<2048xi32, #tpu.memory_space<vmem>> -> memref<128xi32, #tpu.memory_space<vmem>>
    %dma_start3A_19 = arith.constant 0 : i32
    %dma_start3A_20 = arith.constant 0 : i32
    %dma_start3A_21 = tpu.memref_slice %arg3[%dma_start3A_19, %dma_start3A_20] : memref<4096x128xf32, #tpu.memory_space<hbm>> -> memref<4096x128xf32, #tpu.memory_space<hbm>>
    tpu.enqueue_indirect_dma source(%dma_start3A_21 : memref<4096x128xf32, #tpu.memory_space<hbm>>) target(%arg7 : memref<128x128xf32, #tpu.memory_space<vmem>>) offsets(%dma_start3A_18 : memref<128xi32, #tpu.memory_space<vmem>>) semaphore(%arg9 : memref<!tpu.dma_semaphore, #tpu.memory_space<semaphore_mem>>)
    %dma_wait3A_22 = arith.constant 128 : i32
    %dma_wait3A_23 = tpu.memref_slice %arg5[%dma_wait3A_22] : memref<2048xi32, #tpu.memory_space<vmem>> -> memref<128xi32, #tpu.memory_space<vmem>>
    %dma_wait3A_24 = arith.constant 0 : i32
    %dma_wait3A_25 = arith.constant 0 : i32
    %dma_wait3A_26 = tpu.memref_slice %arg3[%dma_wait3A_24, %dma_wait3A_25] : memref<4096x128xf32, #tpu.memory_space<hbm>> -> memref<4096x128xf32, #tpu.memory_space<hbm>>
    tpu.wait_indirect_dma semaphore(%arg9 : memref<!tpu.dma_semaphore, #tpu.memory_space<semaphore_mem>>) src(%dma_wait3A_26 : memref<4096x128xf32, #tpu.memory_space<hbm>>) dst(%arg7 : memref<128x128xf32, #tpu.memory_space<vmem>>)
    %add3A_27 = arith.constant 128 : i32
    %add3A_28 = arith.addi %mul3A_2, %add3A_27 : i32
    %dma_start3A_29 = arith.constant 0 : i32
    %dma_start3A_30 = tpu.memref_slice %arg4[%add3A_28, %dma_start3A_29] : memref<65536x128xf32, #tpu.memory_space<hbm>> -> memref<128x128xf32, #tpu.memory_space<hbm>>
    %dma_start3A_31 = arith.constant 0 : i32
    %dma_start3A_32 = tpu.memref_slice %arg4[%add3A_28, %dma_start3A_31] : memref<65536x128xf32, #tpu.memory_space<hbm>> -> memref<128x128xf32, #tpu.memory_space<hbm>>
    tpu.enqueue_dma source(%arg7 : memref<128x128xf32, #tpu.memory_space<vmem>>) target(%dma_start3A_32 : memref<128x128xf32, #tpu.memory_space<hbm>>) target_semaphore(%arg11 : memref<!tpu.dma_semaphore, #tpu.memory_space<semaphore_mem>>)
    %dma_wait3A_33 = arith.constant 0 : i32
    %dma_wait3A_34 = tpu.memref_slice %arg4[%add3A_12, %dma_wait3A_33] : memref<65536x128xf32, #tpu.memory_space<hbm>> -> memref<128x128xf32, #tpu.memory_space<hbm>>
    %dma_wait3A_35 = arith.constant 0 : i32
    %dma_wait3A_36 = tpu.memref_slice %arg4[%add3A_12, %dma_wait3A_35] : memref<65536x128xf32, #tpu.memory_space<hbm>> -> memref<128x128xf32, #tpu.memory_space<hbm>>
    tpu.wait_dma2 semaphore(%arg10 : memref<!tpu.dma_semaphore, #tpu.memory_space<semaphore_mem>>) src(%arg6 : memref<128x128xf32, #tpu.memory_space<vmem>>) dst(%dma_wait3A_36 : memref<128x128xf32, #tpu.memory_space<hbm>>)
    %dma_start3A_37 = arith.constant 256 : i32
    %dma_start3A_38 = tpu.memref_slice %arg5[%dma_start3A_37] : memref<2048xi32, #tpu.memory_space<vmem>> -> memref<128xi32, #tpu.memory_space<vmem>>
    %dma_start3A_39 = arith.constant 0 : i32
    %dma_start3A_40 = arith.constant 0 : i32
    %dma_start3A_41 = tpu.memref_slice %arg3[%dma_start3A_39, %dma_start3A_40] : memref<4096x128xf32, #tpu.memory_space<hbm>> -> memref<4096x128xf32, #tpu.memory_space<hbm>>
    tpu.enqueue_indirect_dma source(%dma_start3A_41 : memref<4096x128xf32, #tpu.memory_space<hbm>>) target(%arg6 : memref<128x128xf32, #tpu.memory_space<vmem>>) offsets(%dma_start3A_38 : memref<128xi32, #tpu.memory_space<vmem>>) semaphore(%arg8 : memref<!tpu.dma_semaphore, #tpu.memory_space<semaphore_mem>>)
    %dma_wait3A_42 = arith.constant 256 : i32
    %dma_wait3A_43 = tpu.memref_slice %arg5[%dma_wait3A_42] : memref<2048xi32, #tpu.memory_space<vmem>> -> memref<128xi32, #tpu.memory_space<vmem>>
    %dma_wait3A_44 = arith.constant 0 : i32
    %dma_wait3A_45 = arith.constant 0 : i32
    %dma_wait3A_46 = tpu.memref_slice %arg3[%dma_wait3A_44, %dma_wait3A_45] : memref<4096x128xf32, #tpu.memory_space<hbm>> -> memref<4096x128xf32, #tpu.memory_space<hbm>>
    tpu.wait_indirect_dma semaphore(%arg8 : memref<!tpu.dma_semaphore, #tpu.memory_space<semaphore_mem>>) src(%dma_wait3A_46 : memref<4096x128xf32, #tpu.memory_space<hbm>>) dst(%arg6 : memref<128x128xf32, #tpu.memory_space<vmem>>)
    %add3A_47 = arith.constant 256 : i32
    %add3A_48 = arith.addi %mul3A_2, %add3A_47 : i32
    %dma_start3A_49 = arith.constant 0 : i32
    %dma_start3A_50 = tpu.memref_slice %arg4[%add3A_48, %dma_start3A_49] : memref<65536x128xf32, #tpu.memory_space<hbm>> -> memref<128x128xf32, #tpu.memory_space<hbm>>
    %dma_start3A_51 = arith.constant 0 : i32
    %dma_start3A_52 = tpu.memref_slice %arg4[%add3A_48, %dma_start3A_51] : memref<65536x128xf32, #tpu.memory_space<hbm>> -> memref<128x128xf32, #tpu.memory_space<hbm>>
    tpu.enqueue_dma source(%arg6 : memref<128x128xf32, #tpu.memory_space<vmem>>) target(%dma_start3A_52 : memref<128x128xf32, #tpu.memory_space<hbm>>) target_semaphore(%arg10 : memref<!tpu.dma_semaphore, #tpu.memory_space<semaphore_mem>>)
    %dma_wait3A_53 = arith.constant 0 : i32
    %dma_wait3A_54 = tpu.memref_slice %arg4[%add3A_28, %dma_wait3A_53] : memref<65536x128xf32, #tpu.memory_space<hbm>> -> memref<128x128xf32, #tpu.memory_space<hbm>>
    %dma_wait3A_55 = arith.constant 0 : i32
    %dma_wait3A_56 = tpu.memref_slice %arg4[%add3A_28, %dma_wait3A_55] : memref<65536x128xf32, #tpu.memory_space<hbm>> -> memref<128x128xf32, #tpu.memory_space<hbm>>
    tpu.wait_dma2 semaphore(%arg11 : memref<!tpu.dma_semaphore, #tpu.memory_space<semaphore_mem>>) src(%arg7 : memref<128x128xf32, #tpu.memory_space<vmem>>) dst(%dma_wait3A_56 : memref<128x128xf32, #tpu.memory_space<hbm>>)
    %dma_start3A_57 = arith.constant 384 : i32
    %dma_start3A_58 = tpu.memref_slice %arg5[%dma_start3A_57] : memref<2048xi32, #tpu.memory_space<vmem>> -> memref<128xi32, #tpu.memory_space<vmem>>
    %dma_start3A_59 = arith.constant 0 : i32
    %dma_start3A_60 = arith.constant 0 : i32
    %dma_start3A_61 = tpu.memref_slice %arg3[%dma_start3A_59, %dma_start3A_60] : memref<4096x128xf32, #tpu.memory_space<hbm>> -> memref<4096x128xf32, #tpu.memory_space<hbm>>
    tpu.enqueue_indirect_dma source(%dma_start3A_61 : memref<4096x128xf32, #tpu.memory_space<hbm>>) target(%arg7 : memref<128x128xf32, #tpu.memory_space<vmem>>) offsets(%dma_start3A_58 : memref<128xi32, #tpu.memory_space<vmem>>) semaphore(%arg9 : memref<!tpu.dma_semaphore, #tpu.memory_space<semaphore_mem>>)
    %dma_wait3A_62 = arith.constant 384 : i32
    %dma_wait3A_63 = tpu.memref_slice %arg5[%dma_wait3A_62] : memref<2048xi32, #tpu.memory_space<vmem>> -> memref<128xi32, #tpu.memory_space<vmem>>
    %dma_wait3A_64 = arith.constant 0 : i32
    %dma_wait3A_65 = arith.constant 0 : i32
    %dma_wait3A_66 = tpu.memref_slice %arg3[%dma_wait3A_64, %dma_wait3A_65] : memref<4096x128xf32, #tpu.memory_space<hbm>> -> memref<4096x128xf32, #tpu.memory_space<hbm>>
    tpu.wait_indirect_dma semaphore(%arg9 : memref<!tpu.dma_semaphore, #tpu.memory_space<semaphore_mem>>) src(%dma_wait3A_66 : memref<4096x128xf32, #tpu.memory_space<hbm>>) dst(%arg7 : memref<128x128xf32, #tpu.memory_space<vmem>>)
    %add3A_67 = arith.constant 384 : i32
    %add3A_68 = arith.addi %mul3A_2, %add3A_67 : i32
    %dma_start3A_69 = arith.constant 0 : i32
    %dma_start3A_70 = tpu.memref_slice %arg4[%add3A_68, %dma_start3A_69] : memref<65536x128xf32, #tpu.memory_space<hbm>> -> memref<128x128xf32, #tpu.memory_space<hbm>>
    %dma_start3A_71 = arith.constant 0 : i32
    %dma_start3A_72 = tpu.memref_slice %arg4[%add3A_68, %dma_start3A_71] : memref<65536x128xf32, #tpu.memory_space<hbm>> -> memref<128x128xf32, #tpu.memory_space<hbm>>
    tpu.enqueue_dma source(%arg7 : memref<128x128xf32, #tpu.memory_space<vmem>>) target(%dma_start3A_72 : memref<128x128xf32, #tpu.memory_space<hbm>>) target_semaphore(%arg11 : memref<!tpu.dma_semaphore, #tpu.memory_space<semaphore_mem>>)
    %dma_wait3A_73 = arith.constant 0 : i32
    %dma_wait3A_74 = tpu.memref_slice %arg4[%add3A_48, %dma_wait3A_73] : memref<65536x128xf32, #tpu.memory_space<hbm>> -> memref<128x128xf32, #tpu.memory_space<hbm>>
    %dma_wait3A_75 = arith.constant 0 : i32
    %dma_wait3A_76 = tpu.memref_slice %arg4[%add3A_48, %dma_wait3A_75] : memref<65536x128xf32, #tpu.memory_space<hbm>> -> memref<128x128xf32, #tpu.memory_space<hbm>>
    tpu.wait_dma2 semaphore(%arg10 : memref<!tpu.dma_semaphore, #tpu.memory_space<semaphore_mem>>) src(%arg6 : memref<128x128xf32, #tpu.memory_space<vmem>>) dst(%dma_wait3A_76 : memref<128x128xf32, #tpu.memory_space<hbm>>)
    %dma_start3A_77 = arith.constant 512 : i32
    %dma_start3A_78 = tpu.memref_slice %arg5[%dma_start3A_77] : memref<2048xi32, #tpu.memory_space<vmem>> -> memref<128xi32, #tpu.memory_space<vmem>>
    %dma_start3A_79 = arith.constant 0 : i32
    %dma_start3A_80 = arith.constant 0 : i32
    %dma_start3A_81 = tpu.memref_slice %arg3[%dma_start3A_79, %dma_start3A_80] : memref<4096x128xf32, #tpu.memory_space<hbm>> -> memref<4096x128xf32, #tpu.memory_space<hbm>>
    tpu.enqueue_indirect_dma source(%dma_start3A_81 : memref<4096x128xf32, #tpu.memory_space<hbm>>) target(%arg6 : memref<128x128xf32, #tpu.memory_space<vmem>>) offsets(%dma_start3A_78 : memref<128xi32, #tpu.memory_space<vmem>>) semaphore(%arg8 : memref<!tpu.dma_semaphore, #tpu.memory_space<semaphore_mem>>)
    %dma_wait3A_82 = arith.constant 512 : i32
    %dma_wait3A_83 = tpu.memref_slice %arg5[%dma_wait3A_82] : memref<2048xi32, #tpu.memory_space<vmem>> -> memref<128xi32, #tpu.memory_space<vmem>>
    %dma_wait3A_84 = arith.constant 0 : i32
    %dma_wait3A_85 = arith.constant 0 : i32
    %dma_wait3A_86 = tpu.memref_slice %arg3[%dma_wait3A_84, %dma_wait3A_85] : memref<4096x128xf32, #tpu.memory_space<hbm>> -> memref<4096x128xf32, #tpu.memory_space<hbm>>
    tpu.wait_indirect_dma semaphore(%arg8 : memref<!tpu.dma_semaphore, #tpu.memory_space<semaphore_mem>>) src(%dma_wait3A_86 : memref<4096x128xf32, #tpu.memory_space<hbm>>) dst(%arg6 : memref<128x128xf32, #tpu.memory_space<vmem>>)
    %add3A_87 = arith.constant 512 : i32
    %add3A_88 = arith.addi %mul3A_2, %add3A_87 : i32
    %dma_start3A_89 = arith.constant 0 : i32
    %dma_start3A_90 = tpu.memref_slice %arg4[%add3A_88, %dma_start3A_89] : memref<65536x128xf32, #tpu.memory_space<hbm>> -> memref<128x128xf32, #tpu.memory_space<hbm>>
    %dma_start3A_91 = arith.constant 0 : i32
    %dma_start3A_92 = tpu.memref_slice %arg4[%add3A_88, %dma_start3A_91] : memref<65536x128xf32, #tpu.memory_space<hbm>> -> memref<128x128xf32, #tpu.memory_space<hbm>>
    tpu.enqueue_dma source(%arg6 : memref<128x128xf32, #tpu.memory_space<vmem>>) target(%dma_start3A_92 : memref<128x128xf32, #tpu.memory_space<hbm>>) target_semaphore(%arg10 : memref<!tpu.dma_semaphore, #tpu.memory_space<semaphore_mem>>)
    %dma_wait3A_93 = arith.constant 0 : i32
    %dma_wait3A_94 = tpu.memref_slice %arg4[%add3A_68, %dma_wait3A_93] : memref<65536x128xf32, #tpu.memory_space<hbm>> -> memref<128x128xf32, #tpu.memory_space<hbm>>
    %dma_wait3A_95 = arith.constant 0 : i32
    %dma_wait3A_96 = tpu.memref_slice %arg4[%add3A_68, %dma_wait3A_95] : memref<65536x128xf32, #tpu.memory_space<hbm>> -> memref<128x128xf32, #tpu.memory_space<hbm>>
    tpu.wait_dma2 semaphore(%arg11 : memref<!tpu.dma_semaphore, #tpu.memory_space<semaphore_mem>>) src(%arg7 : memref<128x128xf32, #tpu.memory_space<vmem>>) dst(%dma_wait3A_96 : memref<128x128xf32, #tpu.memory_space<hbm>>)
    %dma_start3A_97 = arith.constant 640 : i32
    %dma_start3A_98 = tpu.memref_slice %arg5[%dma_start3A_97] : memref<2048xi32, #tpu.memory_space<vmem>> -> memref<128xi32, #tpu.memory_space<vmem>>
    %dma_start3A_99 = arith.constant 0 : i32
    %dma_start3A_100 = arith.constant 0 : i32
    %dma_start3A_101 = tpu.memref_slice %arg3[%dma_start3A_99, %dma_start3A_100] : memref<4096x128xf32, #tpu.memory_space<hbm>> -> memref<4096x128xf32, #tpu.memory_space<hbm>>
    tpu.enqueue_indirect_dma source(%dma_start3A_101 : memref<4096x128xf32, #tpu.memory_space<hbm>>) target(%arg7 : memref<128x128xf32, #tpu.memory_space<vmem>>) offsets(%dma_start3A_98 : memref<128xi32, #tpu.memory_space<vmem>>) semaphore(%arg9 : memref<!tpu.dma_semaphore, #tpu.memory_space<semaphore_mem>>)
    %dma_wait3A_102 = arith.constant 640 : i32
    %dma_wait3A_103 = tpu.memref_slice %arg5[%dma_wait3A_102] : memref<2048xi32, #tpu.memory_space<vmem>> -> memref<128xi32, #tpu.memory_space<vmem>>
    %dma_wait3A_104 = arith.constant 0 : i32
    %dma_wait3A_105 = arith.constant 0 : i32
    %dma_wait3A_106 = tpu.memref_slice %arg3[%dma_wait3A_104, %dma_wait3A_105] : memref<4096x128xf32, #tpu.memory_space<hbm>> -> memref<4096x128xf32, #tpu.memory_space<hbm>>
    tpu.wait_indirect_dma semaphore(%arg9 : memref<!tpu.dma_semaphore, #tpu.memory_space<semaphore_mem>>) src(%dma_wait3A_106 : memref<4096x128xf32, #tpu.memory_space<hbm>>) dst(%arg7 : memref<128x128xf32, #tpu.memory_space<vmem>>)
    %add3A_107 = arith.constant 640 : i32
    %add3A_108 = arith.addi %mul3A_2, %add3A_107 : i32
    %dma_start3A_109 = arith.constant 0 : i32
    %dma_start3A_110 = tpu.memref_slice %arg4[%add3A_108, %dma_start3A_109] : memref<65536x128xf32, #tpu.memory_space<hbm>> -> memref<128x128xf32, #tpu.memory_space<hbm>>
    %dma_start3A_111 = arith.constant 0 : i32
    %dma_start3A_112 = tpu.memref_slice %arg4[%add3A_108, %dma_start3A_111] : memref<65536x128xf32, #tpu.memory_space<hbm>> -> memref<128x128xf32, #tpu.memory_space<hbm>>
    tpu.enqueue_dma source(%arg7 : memref<128x128xf32, #tpu.memory_space<vmem>>) target(%dma_start3A_112 : memref<128x128xf32, #tpu.memory_space<hbm>>) target_semaphore(%arg11 : memref<!tpu.dma_semaphore, #tpu.memory_space<semaphore_mem>>)
    %dma_wait3A_113 = arith.constant 0 : i32
    %dma_wait3A_114 = tpu.memref_slice %arg4[%add3A_88, %dma_wait3A_113] : memref<65536x128xf32, #tpu.memory_space<hbm>> -> memref<128x128xf32, #tpu.memory_space<hbm>>
    %dma_wait3A_115 = arith.constant 0 : i32
    %dma_wait3A_116 = tpu.memref_slice %arg4[%add3A_88, %dma_wait3A_115] : memref<65536x128xf32, #tpu.memory_space<hbm>> -> memref<128x128xf32, #tpu.memory_space<hbm>>
    tpu.wait_dma2 semaphore(%arg10 : memref<!tpu.dma_semaphore, #tpu.memory_space<semaphore_mem>>) src(%arg6 : memref<128x128xf32, #tpu.memory_space<vmem>>) dst(%dma_wait3A_116 : memref<128x128xf32, #tpu.memory_space<hbm>>)
    %dma_start3A_117 = arith.constant 768 : i32
    %dma_start3A_118 = tpu.memref_slice %arg5[%dma_start3A_117] : memref<2048xi32, #tpu.memory_space<vmem>> -> memref<128xi32, #tpu.memory_space<vmem>>
    %dma_start3A_119 = arith.constant 0 : i32
    %dma_start3A_120 = arith.constant 0 : i32
    %dma_start3A_121 = tpu.memref_slice %arg3[%dma_start3A_119, %dma_start3A_120] : memref<4096x128xf32, #tpu.memory_space<hbm>> -> memref<4096x128xf32, #tpu.memory_space<hbm>>
    tpu.enqueue_indirect_dma source(%dma_start3A_121 : memref<4096x128xf32, #tpu.memory_space<hbm>>) target(%arg6 : memref<128x128xf32, #tpu.memory_space<vmem>>) offsets(%dma_start3A_118 : memref<128xi32, #tpu.memory_space<vmem>>) semaphore(%arg8 : memref<!tpu.dma_semaphore, #tpu.memory_space<semaphore_mem>>)
    %dma_wait3A_122 = arith.constant 768 : i32
    %dma_wait3A_123 = tpu.memref_slice %arg5[%dma_wait3A_122] : memref<2048xi32, #tpu.memory_space<vmem>> -> memref<128xi32, #tpu.memory_space<vmem>>
    %dma_wait3A_124 = arith.constant 0 : i32
    %dma_wait3A_125 = arith.constant 0 : i32
    %dma_wait3A_126 = tpu.memref_slice %arg3[%dma_wait3A_124, %dma_wait3A_125] : memref<4096x128xf32, #tpu.memory_space<hbm>> -> memref<4096x128xf32, #tpu.memory_space<hbm>>
    tpu.wait_indirect_dma semaphore(%arg8 : memref<!tpu.dma_semaphore, #tpu.memory_space<semaphore_mem>>) src(%dma_wait3A_126 : memref<4096x128xf32, #tpu.memory_space<hbm>>) dst(%arg6 : memref<128x128xf32, #tpu.memory_space<vmem>>)
    %add3A_127 = arith.constant 768 : i32
    %add3A_128 = arith.addi %mul3A_2, %add3A_127 : i32
    %dma_start3A_129 = arith.constant 0 : i32
    %dma_start3A_130 = tpu.memref_slice %arg4[%add3A_128, %dma_start3A_129] : memref<65536x128xf32, #tpu.memory_space<hbm>> -> memref<128x128xf32, #tpu.memory_space<hbm>>
    %dma_start3A_131 = arith.constant 0 : i32
    %dma_start3A_132 = tpu.memref_slice %arg4[%add3A_128, %dma_start3A_131] : memref<65536x128xf32, #tpu.memory_space<hbm>> -> memref<128x128xf32, #tpu.memory_space<hbm>>
    tpu.enqueue_dma source(%arg6 : memref<128x128xf32, #tpu.memory_space<vmem>>) target(%dma_start3A_132 : memref<128x128xf32, #tpu.memory_space<hbm>>) target_semaphore(%arg10 : memref<!tpu.dma_semaphore, #tpu.memory_space<semaphore_mem>>)
    %dma_wait3A_133 = arith.constant 0 : i32
    %dma_wait3A_134 = tpu.memref_slice %arg4[%add3A_108, %dma_wait3A_133] : memref<65536x128xf32, #tpu.memory_space<hbm>> -> memref<128x128xf32, #tpu.memory_space<hbm>>
    %dma_wait3A_135 = arith.constant 0 : i32
    %dma_wait3A_136 = tpu.memref_slice %arg4[%add3A_108, %dma_wait3A_135] : memref<65536x128xf32, #tpu.memory_space<hbm>> -> memref<128x128xf32, #tpu.memory_space<hbm>>
    tpu.wait_dma2 semaphore(%arg11 : memref<!tpu.dma_semaphore, #tpu.memory_space<semaphore_mem>>) src(%arg7 : memref<128x128xf32, #tpu.memory_space<vmem>>) dst(%dma_wait3A_136 : memref<128x128xf32, #tpu.memory_space<hbm>>)
    %dma_start3A_137 = arith.constant 896 : i32
    %dma_start3A_138 = tpu.memref_slice %arg5[%dma_start3A_137] : memref<2048xi32, #tpu.memory_space<vmem>> -> memref<128xi32, #tpu.memory_space<vmem>>
    %dma_start3A_139 = arith.constant 0 : i32
    %dma_start3A_140 = arith.constant 0 : i32
    %dma_start3A_141 = tpu.memref_slice %arg3[%dma_start3A_139, %dma_start3A_140] : memref<4096x128xf32, #tpu.memory_space<hbm>> -> memref<4096x128xf32, #tpu.memory_space<hbm>>
    tpu.enqueue_indirect_dma source(%dma_start3A_141 : memref<4096x128xf32, #tpu.memory_space<hbm>>) target(%arg7 : memref<128x128xf32, #tpu.memory_space<vmem>>) offsets(%dma_start3A_138 : memref<128xi32, #tpu.memory_space<vmem>>) semaphore(%arg9 : memref<!tpu.dma_semaphore, #tpu.memory_space<semaphore_mem>>)
    %dma_wait3A_142 = arith.constant 896 : i32
    %dma_wait3A_143 = tpu.memref_slice %arg5[%dma_wait3A_142] : memref<2048xi32, #tpu.memory_space<vmem>> -> memref<128xi32, #tpu.memory_space<vmem>>
    %dma_wait3A_144 = arith.constant 0 : i32
    %dma_wait3A_145 = arith.constant 0 : i32
    %dma_wait3A_146 = tpu.memref_slice %arg3[%dma_wait3A_144, %dma_wait3A_145] : memref<4096x128xf32, #tpu.memory_space<hbm>> -> memref<4096x128xf32, #tpu.memory_space<hbm>>
    tpu.wait_indirect_dma semaphore(%arg9 : memref<!tpu.dma_semaphore, #tpu.memory_space<semaphore_mem>>) src(%dma_wait3A_146 : memref<4096x128xf32, #tpu.memory_space<hbm>>) dst(%arg7 : memref<128x128xf32, #tpu.memory_space<vmem>>)
    %add3A_147 = arith.constant 896 : i32
    %add3A_148 = arith.addi %mul3A_2, %add3A_147 : i32
    %dma_start3A_149 = arith.constant 0 : i32
    %dma_start3A_150 = tpu.memref_slice %arg4[%add3A_148, %dma_start3A_149] : memref<65536x128xf32, #tpu.memory_space<hbm>> -> memref<128x128xf32, #tpu.memory_space<hbm>>
    %dma_start3A_151 = arith.constant 0 : i32
    %dma_start3A_152 = tpu.memref_slice %arg4[%add3A_148, %dma_start3A_151] : memref<65536x128xf32, #tpu.memory_space<hbm>> -> memref<128x128xf32, #tpu.memory_space<hbm>>
    tpu.enqueue_dma source(%arg7 : memref<128x128xf32, #tpu.memory_space<vmem>>) target(%dma_start3A_152 : memref<128x128xf32, #tpu.memory_space<hbm>>) target_semaphore(%arg11 : memref<!tpu.dma_semaphore, #tpu.memory_space<semaphore_mem>>)
    %dma_wait3A_153 = arith.constant 0 : i32
    %dma_wait3A_154 = tpu.memref_slice %arg4[%add3A_128, %dma_wait3A_153] : memref<65536x128xf32, #tpu.memory_space<hbm>> -> memref<128x128xf32, #tpu.memory_space<hbm>>
    %dma_wait3A_155 = arith.constant 0 : i32
    %dma_wait3A_156 = tpu.memref_slice %arg4[%add3A_128, %dma_wait3A_155] : memref<65536x128xf32, #tpu.memory_space<hbm>> -> memref<128x128xf32, #tpu.memory_space<hbm>>
    tpu.wait_dma2 semaphore(%arg10 : memref<!tpu.dma_semaphore, #tpu.memory_space<semaphore_mem>>) src(%arg6 : memref<128x128xf32, #tpu.memory_space<vmem>>) dst(%dma_wait3A_156 : memref<128x128xf32, #tpu.memory_space<hbm>>)
    %dma_start3A_157 = arith.constant 1024 : i32
    %dma_start3A_158 = tpu.memref_slice %arg5[%dma_start3A_157] : memref<2048xi32, #tpu.memory_space<vmem>> -> memref<128xi32, #tpu.memory_space<vmem>>
    %dma_start3A_159 = arith.constant 0 : i32
    %dma_start3A_160 = arith.constant 0 : i32
    %dma_start3A_161 = tpu.memref_slice %arg3[%dma_start3A_159, %dma_start3A_160] : memref<4096x128xf32, #tpu.memory_space<hbm>> -> memref<4096x128xf32, #tpu.memory_space<hbm>>
    tpu.enqueue_indirect_dma source(%dma_start3A_161 : memref<4096x128xf32, #tpu.memory_space<hbm>>) target(%arg6 : memref<128x128xf32, #tpu.memory_space<vmem>>) offsets(%dma_start3A_158 : memref<128xi32, #tpu.memory_space<vmem>>) semaphore(%arg8 : memref<!tpu.dma_semaphore, #tpu.memory_space<semaphore_mem>>)
    %dma_wait3A_162 = arith.constant 1024 : i32
    %dma_wait3A_163 = tpu.memref_slice %arg5[%dma_wait3A_162] : memref<2048xi32, #tpu.memory_space<vmem>> -> memref<128xi32, #tpu.memory_space<vmem>>
    %dma_wait3A_164 = arith.constant 0 : i32
    %dma_wait3A_165 = arith.constant 0 : i32
    %dma_wait3A_166 = tpu.memref_slice %arg3[%dma_wait3A_164, %dma_wait3A_165] : memref<4096x128xf32, #tpu.memory_space<hbm>> -> memref<4096x128xf32, #tpu.memory_space<hbm>>
    tpu.wait_indirect_dma semaphore(%arg8 : memref<!tpu.dma_semaphore, #tpu.memory_space<semaphore_mem>>) src(%dma_wait3A_166 : memref<4096x128xf32, #tpu.memory_space<hbm>>) dst(%arg6 : memref<128x128xf32, #tpu.memory_space<vmem>>)
    %add3A_167 = arith.constant 1024 : i32
    %add3A_168 = arith.addi %mul3A_2, %add3A_167 : i32
    %dma_start3A_169 = arith.constant 0 : i32
    %dma_start3A_170 = tpu.memref_slice %arg4[%add3A_168, %dma_start3A_169] : memref<65536x128xf32, #tpu.memory_space<hbm>> -> memref<128x128xf32, #tpu.memory_space<hbm>>
    %dma_start3A_171 = arith.constant 0 : i32
    %dma_start3A_172 = tpu.memref_slice %arg4[%add3A_168, %dma_start3A_171] : memref<65536x128xf32, #tpu.memory_space<hbm>> -> memref<128x128xf32, #tpu.memory_space<hbm>>
    tpu.enqueue_dma source(%arg6 : memref<128x128xf32, #tpu.memory_space<vmem>>) target(%dma_start3A_172 : memref<128x128xf32, #tpu.memory_space<hbm>>) target_semaphore(%arg10 : memref<!tpu.dma_semaphore, #tpu.memory_space<semaphore_mem>>)
    %dma_wait3A_173 = arith.constant 0 : i32
    %dma_wait3A_174 = tpu.memref_slice %arg4[%add3A_148, %dma_wait3A_173] : memref<65536x128xf32, #tpu.memory_space<hbm>> -> memref<128x128xf32, #tpu.memory_space<hbm>>
    %dma_wait3A_175 = arith.constant 0 : i32
    %dma_wait3A_176 = tpu.memref_slice %arg4[%add3A_148, %dma_wait3A_175] : memref<65536x128xf32, #tpu.memory_space<hbm>> -> memref<128x128xf32, #tpu.memory_space<hbm>>
    tpu.wait_dma2 semaphore(%arg11 : memref<!tpu.dma_semaphore, #tpu.memory_space<semaphore_mem>>) src(%arg7 : memref<128x128xf32, #tpu.memory_space<vmem>>) dst(%dma_wait3A_176 : memref<128x128xf32, #tpu.memory_space<hbm>>)
    %dma_start3A_177 = arith.constant 1152 : i32
    %dma_start3A_178 = tpu.memref_slice %arg5[%dma_start3A_177] : memref<2048xi32, #tpu.memory_space<vmem>> -> memref<128xi32, #tpu.memory_space<vmem>>
    %dma_start3A_179 = arith.constant 0 : i32
    %dma_start3A_180 = arith.constant 0 : i32
    %dma_start3A_181 = tpu.memref_slice %arg3[%dma_start3A_179, %dma_start3A_180] : memref<4096x128xf32, #tpu.memory_space<hbm>> -> memref<4096x128xf32, #tpu.memory_space<hbm>>
    tpu.enqueue_indirect_dma source(%dma_start3A_181 : memref<4096x128xf32, #tpu.memory_space<hbm>>) target(%arg7 : memref<128x128xf32, #tpu.memory_space<vmem>>) offsets(%dma_start3A_178 : memref<128xi32, #tpu.memory_space<vmem>>) semaphore(%arg9 : memref<!tpu.dma_semaphore, #tpu.memory_space<semaphore_mem>>)
    %dma_wait3A_182 = arith.constant 1152 : i32
    %dma_wait3A_183 = tpu.memref_slice %arg5[%dma_wait3A_182] : memref<2048xi32, #tpu.memory_space<vmem>> -> memref<128xi32, #tpu.memory_space<vmem>>
    %dma_wait3A_184 = arith.constant 0 : i32
    %dma_wait3A_185 = arith.constant 0 : i32
    %dma_wait3A_186 = tpu.memref_slice %arg3[%dma_wait3A_184, %dma_wait3A_185] : memref<4096x128xf32, #tpu.memory_space<hbm>> -> memref<4096x128xf32, #tpu.memory_space<hbm>>
    tpu.wait_indirect_dma semaphore(%arg9 : memref<!tpu.dma_semaphore, #tpu.memory_space<semaphore_mem>>) src(%dma_wait3A_186 : memref<4096x128xf32, #tpu.memory_space<hbm>>) dst(%arg7 : memref<128x128xf32, #tpu.memory_space<vmem>>)
    %add3A_187 = arith.constant 1152 : i32
    %add3A_188 = arith.addi %mul3A_2, %add3A_187 : i32
    %dma_start3A_189 = arith.constant 0 : i32
    %dma_start3A_190 = tpu.memref_slice %arg4[%add3A_188, %dma_start3A_189] : memref<65536x128xf32, #tpu.memory_space<hbm>> -> memref<128x128xf32, #tpu.memory_space<hbm>>
    %dma_start3A_191 = arith.constant 0 : i32
    %dma_start3A_192 = tpu.memref_slice %arg4[%add3A_188, %dma_start3A_191] : memref<65536x128xf32, #tpu.memory_space<hbm>> -> memref<128x128xf32, #tpu.memory_space<hbm>>
    tpu.enqueue_dma source(%arg7 : memref<128x128xf32, #tpu.memory_space<vmem>>) target(%dma_start3A_192 : memref<128x128xf32, #tpu.memory_space<hbm>>) target_semaphore(%arg11 : memref<!tpu.dma_semaphore, #tpu.memory_space<semaphore_mem>>)
    %dma_wait3A_193 = arith.constant 0 : i32
    %dma_wait3A_194 = tpu.memref_slice %arg4[%add3A_168, %dma_wait3A_193] : memref<65536x128xf32, #tpu.memory_space<hbm>> -> memref<128x128xf32, #tpu.memory_space<hbm>>
    %dma_wait3A_195 = arith.constant 0 : i32
    %dma_wait3A_196 = tpu.memref_slice %arg4[%add3A_168, %dma_wait3A_195] : memref<65536x128xf32, #tpu.memory_space<hbm>> -> memref<128x128xf32, #tpu.memory_space<hbm>>
    tpu.wait_dma2 semaphore(%arg10 : memref<!tpu.dma_semaphore, #tpu.memory_space<semaphore_mem>>) src(%arg6 : memref<128x128xf32, #tpu.memory_space<vmem>>) dst(%dma_wait3A_196 : memref<128x128xf32, #tpu.memory_space<hbm>>)
    %dma_start3A_197 = arith.constant 1280 : i32
    %dma_start3A_198 = tpu.memref_slice %arg5[%dma_start3A_197] : memref<2048xi32, #tpu.memory_space<vmem>> -> memref<128xi32, #tpu.memory_space<vmem>>
    %dma_start3A_199 = arith.constant 0 : i32
    %dma_start3A_200 = arith.constant 0 : i32
    %dma_start3A_201 = tpu.memref_slice %arg3[%dma_start3A_199, %dma_start3A_200] : memref<4096x128xf32, #tpu.memory_space<hbm>> -> memref<4096x128xf32, #tpu.memory_space<hbm>>
    tpu.enqueue_indirect_dma source(%dma_start3A_201 : memref<4096x128xf32, #tpu.memory_space<hbm>>) target(%arg6 : memref<128x128xf32, #tpu.memory_space<vmem>>) offsets(%dma_start3A_198 : memref<128xi32, #tpu.memory_space<vmem>>) semaphore(%arg8 : memref<!tpu.dma_semaphore, #tpu.memory_space<semaphore_mem>>)
    %dma_wait3A_202 = arith.constant 1280 : i32
    %dma_wait3A_203 = tpu.memref_slice %arg5[%dma_wait3A_202] : memref<2048xi32, #tpu.memory_space<vmem>> -> memref<128xi32, #tpu.memory_space<vmem>>
    %dma_wait3A_204 = arith.constant 0 : i32
    %dma_wait3A_205 = arith.constant 0 : i32
    %dma_wait3A_206 = tpu.memref_slice %arg3[%dma_wait3A_204, %dma_wait3A_205] : memref<4096x128xf32, #tpu.memory_space<hbm>> -> memref<4096x128xf32, #tpu.memory_space<hbm>>
    tpu.wait_indirect_dma semaphore(%arg8 : memref<!tpu.dma_semaphore, #tpu.memory_space<semaphore_mem>>) src(%dma_wait3A_206 : memref<4096x128xf32, #tpu.memory_space<hbm>>) dst(%arg6 : memref<128x128xf32, #tpu.memory_space<vmem>>)
    %add3A_207 = arith.constant 1280 : i32
    %add3A_208 = arith.addi %mul3A_2, %add3A_207 : i32
    %dma_start3A_209 = arith.constant 0 : i32
    %dma_start3A_210 = tpu.memref_slice %arg4[%add3A_208, %dma_start3A_209] : memref<65536x128xf32, #tpu.memory_space<hbm>> -> memref<128x128xf32, #tpu.memory_space<hbm>>
    %dma_start3A_211 = arith.constant 0 : i32
    %dma_start3A_212 = tpu.memref_slice %arg4[%add3A_208, %dma_start3A_211] : memref<65536x128xf32, #tpu.memory_space<hbm>> -> memref<128x128xf32, #tpu.memory_space<hbm>>
    tpu.enqueue_dma source(%arg6 : memref<128x128xf32, #tpu.memory_space<vmem>>) target(%dma_start3A_212 : memref<128x128xf32, #tpu.memory_space<hbm>>) target_semaphore(%arg10 : memref<!tpu.dma_semaphore, #tpu.memory_space<semaphore_mem>>)
    %dma_wait3A_213 = arith.constant 0 : i32
    %dma_wait3A_214 = tpu.memref_slice %arg4[%add3A_188, %dma_wait3A_213] : memref<65536x128xf32, #tpu.memory_space<hbm>> -> memref<128x128xf32, #tpu.memory_space<hbm>>
    %dma_wait3A_215 = arith.constant 0 : i32
    %dma_wait3A_216 = tpu.memref_slice %arg4[%add3A_188, %dma_wait3A_215] : memref<65536x128xf32, #tpu.memory_space<hbm>> -> memref<128x128xf32, #tpu.memory_space<hbm>>
    tpu.wait_dma2 semaphore(%arg11 : memref<!tpu.dma_semaphore, #tpu.memory_space<semaphore_mem>>) src(%arg7 : memref<128x128xf32, #tpu.memory_space<vmem>>) dst(%dma_wait3A_216 : memref<128x128xf32, #tpu.memory_space<hbm>>)
    %dma_start3A_217 = arith.constant 1408 : i32
    %dma_start3A_218 = tpu.memref_slice %arg5[%dma_start3A_217] : memref<2048xi32, #tpu.memory_space<vmem>> -> memref<128xi32, #tpu.memory_space<vmem>>
    %dma_start3A_219 = arith.constant 0 : i32
    %dma_start3A_220 = arith.constant 0 : i32
    %dma_start3A_221 = tpu.memref_slice %arg3[%dma_start3A_219, %dma_start3A_220] : memref<4096x128xf32, #tpu.memory_space<hbm>> -> memref<4096x128xf32, #tpu.memory_space<hbm>>
    tpu.enqueue_indirect_dma source(%dma_start3A_221 : memref<4096x128xf32, #tpu.memory_space<hbm>>) target(%arg7 : memref<128x128xf32, #tpu.memory_space<vmem>>) offsets(%dma_start3A_218 : memref<128xi32, #tpu.memory_space<vmem>>) semaphore(%arg9 : memref<!tpu.dma_semaphore, #tpu.memory_space<semaphore_mem>>)
    %dma_wait3A_222 = arith.constant 1408 : i32
    %dma_wait3A_223 = tpu.memref_slice %arg5[%dma_wait3A_222] : memref<2048xi32, #tpu.memory_space<vmem>> -> memref<128xi32, #tpu.memory_space<vmem>>
    %dma_wait3A_224 = arith.constant 0 : i32
    %dma_wait3A_225 = arith.constant 0 : i32
    %dma_wait3A_226 = tpu.memref_slice %arg3[%dma_wait3A_224, %dma_wait3A_225] : memref<4096x128xf32, #tpu.memory_space<hbm>> -> memref<4096x128xf32, #tpu.memory_space<hbm>>
    tpu.wait_indirect_dma semaphore(%arg9 : memref<!tpu.dma_semaphore, #tpu.memory_space<semaphore_mem>>) src(%dma_wait3A_226 : memref<4096x128xf32, #tpu.memory_space<hbm>>) dst(%arg7 : memref<128x128xf32, #tpu.memory_space<vmem>>)
    %add3A_227 = arith.constant 1408 : i32
    %add3A_228 = arith.addi %mul3A_2, %add3A_227 : i32
    %dma_start3A_229 = arith.constant 0 : i32
    %dma_start3A_230 = tpu.memref_slice %arg4[%add3A_228, %dma_start3A_229] : memref<65536x128xf32, #tpu.memory_space<hbm>> -> memref<128x128xf32, #tpu.memory_space<hbm>>
    %dma_start3A_231 = arith.constant 0 : i32
    %dma_start3A_232 = tpu.memref_slice %arg4[%add3A_228, %dma_start3A_231] : memref<65536x128xf32, #tpu.memory_space<hbm>> -> memref<128x128xf32, #tpu.memory_space<hbm>>
    tpu.enqueue_dma source(%arg7 : memref<128x128xf32, #tpu.memory_space<vmem>>) target(%dma_start3A_232 : memref<128x128xf32, #tpu.memory_space<hbm>>) target_semaphore(%arg11 : memref<!tpu.dma_semaphore, #tpu.memory_space<semaphore_mem>>)
    %dma_wait3A_233 = arith.constant 0 : i32
    %dma_wait3A_234 = tpu.memref_slice %arg4[%add3A_208, %dma_wait3A_233] : memref<65536x128xf32, #tpu.memory_space<hbm>> -> memref<128x128xf32, #tpu.memory_space<hbm>>
    %dma_wait3A_235 = arith.constant 0 : i32
    %dma_wait3A_236 = tpu.memref_slice %arg4[%add3A_208, %dma_wait3A_235] : memref<65536x128xf32, #tpu.memory_space<hbm>> -> memref<128x128xf32, #tpu.memory_space<hbm>>
    tpu.wait_dma2 semaphore(%arg10 : memref<!tpu.dma_semaphore, #tpu.memory_space<semaphore_mem>>) src(%arg6 : memref<128x128xf32, #tpu.memory_space<vmem>>) dst(%dma_wait3A_236 : memref<128x128xf32, #tpu.memory_space<hbm>>)
    %dma_start3A_237 = arith.constant 1536 : i32
    %dma_start3A_238 = tpu.memref_slice %arg5[%dma_start3A_237] : memref<2048xi32, #tpu.memory_space<vmem>> -> memref<128xi32, #tpu.memory_space<vmem>>
    %dma_start3A_239 = arith.constant 0 : i32
    %dma_start3A_240 = arith.constant 0 : i32
    %dma_start3A_241 = tpu.memref_slice %arg3[%dma_start3A_239, %dma_start3A_240] : memref<4096x128xf32, #tpu.memory_space<hbm>> -> memref<4096x128xf32, #tpu.memory_space<hbm>>
    tpu.enqueue_indirect_dma source(%dma_start3A_241 : memref<4096x128xf32, #tpu.memory_space<hbm>>) target(%arg6 : memref<128x128xf32, #tpu.memory_space<vmem>>) offsets(%dma_start3A_238 : memref<128xi32, #tpu.memory_space<vmem>>) semaphore(%arg8 : memref<!tpu.dma_semaphore, #tpu.memory_space<semaphore_mem>>)
    %dma_wait3A_242 = arith.constant 1536 : i32
    %dma_wait3A_243 = tpu.memref_slice %arg5[%dma_wait3A_242] : memref<2048xi32, #tpu.memory_space<vmem>> -> memref<128xi32, #tpu.memory_space<vmem>>
    %dma_wait3A_244 = arith.constant 0 : i32
    %dma_wait3A_245 = arith.constant 0 : i32
    %dma_wait3A_246 = tpu.memref_slice %arg3[%dma_wait3A_244, %dma_wait3A_245] : memref<4096x128xf32, #tpu.memory_space<hbm>> -> memref<4096x128xf32, #tpu.memory_space<hbm>>
    tpu.wait_indirect_dma semaphore(%arg8 : memref<!tpu.dma_semaphore, #tpu.memory_space<semaphore_mem>>) src(%dma_wait3A_246 : memref<4096x128xf32, #tpu.memory_space<hbm>>) dst(%arg6 : memref<128x128xf32, #tpu.memory_space<vmem>>)
    %add3A_247 = arith.constant 1536 : i32
    %add3A_248 = arith.addi %mul3A_2, %add3A_247 : i32
    %dma_start3A_249 = arith.constant 0 : i32
    %dma_start3A_250 = tpu.memref_slice %arg4[%add3A_248, %dma_start3A_249] : memref<65536x128xf32, #tpu.memory_space<hbm>> -> memref<128x128xf32, #tpu.memory_space<hbm>>
    %dma_start3A_251 = arith.constant 0 : i32
    %dma_start3A_252 = tpu.memref_slice %arg4[%add3A_248, %dma_start3A_251] : memref<65536x128xf32, #tpu.memory_space<hbm>> -> memref<128x128xf32, #tpu.memory_space<hbm>>
    tpu.enqueue_dma source(%arg6 : memref<128x128xf32, #tpu.memory_space<vmem>>) target(%dma_start3A_252 : memref<128x128xf32, #tpu.memory_space<hbm>>) target_semaphore(%arg10 : memref<!tpu.dma_semaphore, #tpu.memory_space<semaphore_mem>>)
    %dma_wait3A_253 = arith.constant 0 : i32
    %dma_wait3A_254 = tpu.memref_slice %arg4[%add3A_228, %dma_wait3A_253] : memref<65536x128xf32, #tpu.memory_space<hbm>> -> memref<128x128xf32, #tpu.memory_space<hbm>>
    %dma_wait3A_255 = arith.constant 0 : i32
    %dma_wait3A_256 = tpu.memref_slice %arg4[%add3A_228, %dma_wait3A_255] : memref<65536x128xf32, #tpu.memory_space<hbm>> -> memref<128x128xf32, #tpu.memory_space<hbm>>
    tpu.wait_dma2 semaphore(%arg11 : memref<!tpu.dma_semaphore, #tpu.memory_space<semaphore_mem>>) src(%arg7 : memref<128x128xf32, #tpu.memory_space<vmem>>) dst(%dma_wait3A_256 : memref<128x128xf32, #tpu.memory_space<hbm>>)
    %dma_start3A_257 = arith.constant 1664 : i32
    %dma_start3A_258 = tpu.memref_slice %arg5[%dma_start3A_257] : memref<2048xi32, #tpu.memory_space<vmem>> -> memref<128xi32, #tpu.memory_space<vmem>>
    %dma_start3A_259 = arith.constant 0 : i32
    %dma_start3A_260 = arith.constant 0 : i32
    %dma_start3A_261 = tpu.memref_slice %arg3[%dma_start3A_259, %dma_start3A_260] : memref<4096x128xf32, #tpu.memory_space<hbm>> -> memref<4096x128xf32, #tpu.memory_space<hbm>>
    tpu.enqueue_indirect_dma source(%dma_start3A_261 : memref<4096x128xf32, #tpu.memory_space<hbm>>) target(%arg7 : memref<128x128xf32, #tpu.memory_space<vmem>>) offsets(%dma_start3A_258 : memref<128xi32, #tpu.memory_space<vmem>>) semaphore(%arg9 : memref<!tpu.dma_semaphore, #tpu.memory_space<semaphore_mem>>)
    %dma_wait3A_262 = arith.constant 1664 : i32
    %dma_wait3A_263 = tpu.memref_slice %arg5[%dma_wait3A_262] : memref<2048xi32, #tpu.memory_space<vmem>> -> memref<128xi32, #tpu.memory_space<vmem>>
    %dma_wait3A_264 = arith.constant 0 : i32
    %dma_wait3A_265 = arith.constant 0 : i32
    %dma_wait3A_266 = tpu.memref_slice %arg3[%dma_wait3A_264, %dma_wait3A_265] : memref<4096x128xf32, #tpu.memory_space<hbm>> -> memref<4096x128xf32, #tpu.memory_space<hbm>>
    tpu.wait_indirect_dma semaphore(%arg9 : memref<!tpu.dma_semaphore, #tpu.memory_space<semaphore_mem>>) src(%dma_wait3A_266 : memref<4096x128xf32, #tpu.memory_space<hbm>>) dst(%arg7 : memref<128x128xf32, #tpu.memory_space<vmem>>)
    %add3A_267 = arith.constant 1664 : i32
    %add3A_268 = arith.addi %mul3A_2, %add3A_267 : i32
    %dma_start3A_269 = arith.constant 0 : i32
    %dma_start3A_270 = tpu.memref_slice %arg4[%add3A_268, %dma_start3A_269] : memref<65536x128xf32, #tpu.memory_space<hbm>> -> memref<128x128xf32, #tpu.memory_space<hbm>>
    %dma_start3A_271 = arith.constant 0 : i32
    %dma_start3A_272 = tpu.memref_slice %arg4[%add3A_268, %dma_start3A_271] : memref<65536x128xf32, #tpu.memory_space<hbm>> -> memref<128x128xf32, #tpu.memory_space<hbm>>
    tpu.enqueue_dma source(%arg7 : memref<128x128xf32, #tpu.memory_space<vmem>>) target(%dma_start3A_272 : memref<128x128xf32, #tpu.memory_space<hbm>>) target_semaphore(%arg11 : memref<!tpu.dma_semaphore, #tpu.memory_space<semaphore_mem>>)
    %dma_wait3A_273 = arith.constant 0 : i32
    %dma_wait3A_274 = tpu.memref_slice %arg4[%add3A_248, %dma_wait3A_273] : memref<65536x128xf32, #tpu.memory_space<hbm>> -> memref<128x128xf32, #tpu.memory_space<hbm>>
    %dma_wait3A_275 = arith.constant 0 : i32
    %dma_wait3A_276 = tpu.memref_slice %arg4[%add3A_248, %dma_wait3A_275] : memref<65536x128xf32, #tpu.memory_space<hbm>> -> memref<128x128xf32, #tpu.memory_space<hbm>>
    tpu.wait_dma2 semaphore(%arg10 : memref<!tpu.dma_semaphore, #tpu.memory_space<semaphore_mem>>) src(%arg6 : memref<128x128xf32, #tpu.memory_space<vmem>>) dst(%dma_wait3A_276 : memref<128x128xf32, #tpu.memory_space<hbm>>)
    %dma_start3A_277 = arith.constant 1792 : i32
    %dma_start3A_278 = tpu.memref_slice %arg5[%dma_start3A_277] : memref<2048xi32, #tpu.memory_space<vmem>> -> memref<128xi32, #tpu.memory_space<vmem>>
    %dma_start3A_279 = arith.constant 0 : i32
    %dma_start3A_280 = arith.constant 0 : i32
    %dma_start3A_281 = tpu.memref_slice %arg3[%dma_start3A_279, %dma_start3A_280] : memref<4096x128xf32, #tpu.memory_space<hbm>> -> memref<4096x128xf32, #tpu.memory_space<hbm>>
    tpu.enqueue_indirect_dma source(%dma_start3A_281 : memref<4096x128xf32, #tpu.memory_space<hbm>>) target(%arg6 : memref<128x128xf32, #tpu.memory_space<vmem>>) offsets(%dma_start3A_278 : memref<128xi32, #tpu.memory_space<vmem>>) semaphore(%arg8 : memref<!tpu.dma_semaphore, #tpu.memory_space<semaphore_mem>>)
    %dma_wait3A_282 = arith.constant 1792 : i32
    %dma_wait3A_283 = tpu.memref_slice %arg5[%dma_wait3A_282] : memref<2048xi32, #tpu.memory_space<vmem>> -> memref<128xi32, #tpu.memory_space<vmem>>
    %dma_wait3A_284 = arith.constant 0 : i32
    %dma_wait3A_285 = arith.constant 0 : i32
    %dma_wait3A_286 = tpu.memref_slice %arg3[%dma_wait3A_284, %dma_wait3A_285] : memref<4096x128xf32, #tpu.memory_space<hbm>> -> memref<4096x128xf32, #tpu.memory_space<hbm>>
    tpu.wait_indirect_dma semaphore(%arg8 : memref<!tpu.dma_semaphore, #tpu.memory_space<semaphore_mem>>) src(%dma_wait3A_286 : memref<4096x128xf32, #tpu.memory_space<hbm>>) dst(%arg6 : memref<128x128xf32, #tpu.memory_space<vmem>>)
    %add3A_287 = arith.constant 1792 : i32
    %add3A_288 = arith.addi %mul3A_2, %add3A_287 : i32
    %dma_start3A_289 = arith.constant 0 : i32
    %dma_start3A_290 = tpu.memref_slice %arg4[%add3A_288, %dma_start3A_289] : memref<65536x128xf32, #tpu.memory_space<hbm>> -> memref<128x128xf32, #tpu.memory_space<hbm>>
    %dma_start3A_291 = arith.constant 0 : i32
    %dma_start3A_292 = tpu.memref_slice %arg4[%add3A_288, %dma_start3A_291] : memref<65536x128xf32, #tpu.memory_space<hbm>> -> memref<128x128xf32, #tpu.memory_space<hbm>>
    tpu.enqueue_dma source(%arg6 : memref<128x128xf32, #tpu.memory_space<vmem>>) target(%dma_start3A_292 : memref<128x128xf32, #tpu.memory_space<hbm>>) target_semaphore(%arg10 : memref<!tpu.dma_semaphore, #tpu.memory_space<semaphore_mem>>)
    %dma_wait3A_293 = arith.constant 0 : i32
    %dma_wait3A_294 = tpu.memref_slice %arg4[%add3A_268, %dma_wait3A_293] : memref<65536x128xf32, #tpu.memory_space<hbm>> -> memref<128x128xf32, #tpu.memory_space<hbm>>
    %dma_wait3A_295 = arith.constant 0 : i32
    %dma_wait3A_296 = tpu.memref_slice %arg4[%add3A_268, %dma_wait3A_295] : memref<65536x128xf32, #tpu.memory_space<hbm>> -> memref<128x128xf32, #tpu.memory_space<hbm>>
    tpu.wait_dma2 semaphore(%arg11 : memref<!tpu.dma_semaphore, #tpu.memory_space<semaphore_mem>>) src(%arg7 : memref<128x128xf32, #tpu.memory_space<vmem>>) dst(%dma_wait3A_296 : memref<128x128xf32, #tpu.memory_space<hbm>>)
    %dma_start3A_297 = arith.constant 1920 : i32
    %dma_start3A_298 = tpu.memref_slice %arg5[%dma_start3A_297] : memref<2048xi32, #tpu.memory_space<vmem>> -> memref<128xi32, #tpu.memory_space<vmem>>
    %dma_start3A_299 = arith.constant 0 : i32
    %dma_start3A_300 = arith.constant 0 : i32
    %dma_start3A_301 = tpu.memref_slice %arg3[%dma_start3A_299, %dma_start3A_300] : memref<4096x128xf32, #tpu.memory_space<hbm>> -> memref<4096x128xf32, #tpu.memory_space<hbm>>
    tpu.enqueue_indirect_dma source(%dma_start3A_301 : memref<4096x128xf32, #tpu.memory_space<hbm>>) target(%arg7 : memref<128x128xf32, #tpu.memory_space<vmem>>) offsets(%dma_start3A_298 : memref<128xi32, #tpu.memory_space<vmem>>) semaphore(%arg9 : memref<!tpu.dma_semaphore, #tpu.memory_space<semaphore_mem>>)
    %dma_wait3A_302 = arith.constant 1920 : i32
    %dma_wait3A_303 = tpu.memref_slice %arg5[%dma_wait3A_302] : memref<2048xi32, #tpu.memory_space<vmem>> -> memref<128xi32, #tpu.memory_space<vmem>>
    %dma_wait3A_304 = arith.constant 0 : i32
    %dma_wait3A_305 = arith.constant 0 : i32
    %dma_wait3A_306 = tpu.memref_slice %arg3[%dma_wait3A_304, %dma_wait3A_305] : memref<4096x128xf32, #tpu.memory_space<hbm>> -> memref<4096x128xf32, #tpu.memory_space<hbm>>
    tpu.wait_indirect_dma semaphore(%arg9 : memref<!tpu.dma_semaphore, #tpu.memory_space<semaphore_mem>>) src(%dma_wait3A_306 : memref<4096x128xf32, #tpu.memory_space<hbm>>) dst(%arg7 : memref<128x128xf32, #tpu.memory_space<vmem>>)
    %add3A_307 = arith.constant 1920 : i32
    %add3A_308 = arith.addi %mul3A_2, %add3A_307 : i32
    %dma_start3A_309 = arith.constant 0 : i32
    %dma_start3A_310 = tpu.memref_slice %arg4[%add3A_308, %dma_start3A_309] : memref<65536x128xf32, #tpu.memory_space<hbm>> -> memref<128x128xf32, #tpu.memory_space<hbm>>
    %dma_start3A_311 = arith.constant 0 : i32
    %dma_start3A_312 = tpu.memref_slice %arg4[%add3A_308, %dma_start3A_311] : memref<65536x128xf32, #tpu.memory_space<hbm>> -> memref<128x128xf32, #tpu.memory_space<hbm>>
    tpu.enqueue_dma source(%arg7 : memref<128x128xf32, #tpu.memory_space<vmem>>) target(%dma_start3A_312 : memref<128x128xf32, #tpu.memory_space<hbm>>) target_semaphore(%arg11 : memref<!tpu.dma_semaphore, #tpu.memory_space<semaphore_mem>>)
    %dma_wait3A_313 = arith.constant 0 : i32
    %dma_wait3A_314 = tpu.memref_slice %arg4[%add3A_308, %dma_wait3A_313] : memref<65536x128xf32, #tpu.memory_space<hbm>> -> memref<128x128xf32, #tpu.memory_space<hbm>>
    %dma_wait3A_315 = arith.constant 0 : i32
    %dma_wait3A_316 = tpu.memref_slice %arg4[%add3A_308, %dma_wait3A_315] : memref<65536x128xf32, #tpu.memory_space<hbm>> -> memref<128x128xf32, #tpu.memory_space<hbm>>
    tpu.wait_dma2 semaphore(%arg11 : memref<!tpu.dma_semaphore, #tpu.memory_space<semaphore_mem>>) src(%arg7 : memref<128x128xf32, #tpu.memory_space<vmem>>) dst(%dma_wait3A_316 : memref<128x128xf32, #tpu.memory_space<hbm>>)
    %dma_wait3A_317 = arith.constant 0 : i32
    %dma_wait3A_318 = tpu.memref_slice %arg4[%add3A_288, %dma_wait3A_317] : memref<65536x128xf32, #tpu.memory_space<hbm>> -> memref<128x128xf32, #tpu.memory_space<hbm>>
    %dma_wait3A_319 = arith.constant 0 : i32
    %dma_wait3A_320 = tpu.memref_slice %arg4[%add3A_288, %dma_wait3A_319] : memref<65536x128xf32, #tpu.memory_space<hbm>> -> memref<128x128xf32, #tpu.memory_space<hbm>>
    tpu.wait_dma2 semaphore(%arg10 : memref<!tpu.dma_semaphore, #tpu.memory_space<semaphore_mem>>) src(%arg6 : memref<128x128xf32, #tpu.memory_space<vmem>>) dst(%dma_wait3A_320 : memref<128x128xf32, #tpu.memory_space<hbm>>)
    return
  }
}

#map = affine_map<(d0, d1) -> (0)>
#map1 = affine_map<(d0, d1) -> (0, 0)>
module attributes {stable_mosaic.version = 14 : i64} {
  func.func @gk(%arg0: i32, %arg1: i32, %arg2: memref<65536xi32, #tpu.memory_space<hbm>>, %arg3: memref<4096x128xf32, #tpu.memory_space<hbm>>, %arg4: memref<65536x128xf32, #tpu.memory_space<hbm>>, %arg5: memref<2048xi32, #tpu.memory_space<vmem>>, %arg6: memref<128x128xf32, #tpu.memory_space<vmem>>, %arg7: memref<128x128xf32, #tpu.memory_space<vmem>>, %arg8: memref<!tpu.dma_semaphore, #tpu.memory_space<semaphore_mem>>, %arg9: memref<!tpu.dma_semaphore, #tpu.memory_space<semaphore_mem>>, %arg10: memref<!tpu.dma_semaphore, #tpu.memory_space<semaphore_mem>>, %arg11: memref<!tpu.dma_semaphore, #tpu.memory_space<semaphore_mem>>) attributes {dimension_semantics = [#tpu.dimension_semantics<core_parallel>, #tpu.dimension_semantics<subcore_parallel>], iteration_bounds = array<i64: 2, 16>, scalar_prefetch = 0 : i64, scratch_operands = 7 : i64, tpu.core_type = #tpu.core_type<sc_vector_subcore>, window_params = [{transform_indices = #map}, {transform_indices = #map1}, {transform_indices = #map1}]} {
    %mul3A = arith.constant 2 : i32
    %mul3A_0 = arith.muli %arg1, %mul3A : i32
    %add3A = arith.addi %mul3A_0, %arg0 : i32
    %mul3A_1 = arith.constant 2048 : i32
    %mul3A_2 = arith.muli %add3A, %mul3A_1 : i32
    "tpu.region"() ({
      %run_scoped3A = tpu.sem_alloc : memref<!tpu.dma_semaphore, #tpu.memory_space<semaphore_mem>>
      %dma_start3A_321 = tpu.memref_slice %arg2[%mul3A_2] : memref<65536xi32, #tpu.memory_space<hbm>> -> memref<2048xi32, #tpu.memory_space<hbm>>
      %dma_start3A_322 = tpu.memref_slice %arg2[%mul3A_2] : memref<65536xi32, #tpu.memory_space<hbm>> -> memref<2048xi32, #tpu.memory_space<hbm>>
      tpu.enqueue_dma source(%dma_start3A_322 : memref<2048xi32, #tpu.memory_space<hbm>>) target(%arg5 : memref<2048xi32, #tpu.memory_space<vmem>>) target_semaphore(%run_scoped3A : memref<!tpu.dma_semaphore, #tpu.memory_space<semaphore_mem>>)
      %dma_wait3A_323 = tpu.memref_slice %arg2[%mul3A_2] : memref<65536xi32, #tpu.memory_space<hbm>> -> memref<2048xi32, #tpu.memory_space<hbm>>
      %dma_wait3A_324 = tpu.memref_slice %arg2[%mul3A_2] : memref<65536xi32, #tpu.memory_space<hbm>> -> memref<2048xi32, #tpu.memory_space<hbm>>
      tpu.wait_dma2 semaphore(%run_scoped3A : memref<!tpu.dma_semaphore, #tpu.memory_space<semaphore_mem>>) src(%dma_wait3A_324 : memref<2048xi32, #tpu.memory_space<hbm>>) dst(%arg5 : memref<2048xi32, #tpu.memory_space<vmem>>)
      tpu.yield
    }) : () -> ()
    %dma_start3A = arith.constant 0 : i32
    %dma_start3A_3 = tpu.memref_slice %arg5[%dma_start3A] : memref<2048xi32, #tpu.memory_space<vmem>> -> memref<128xi32, #tpu.memory_space<vmem>>
    %dma_start3A_4 = arith.constant 0 : i32
    %dma_start3A_5 = arith.constant 0 : i32
    %dma_start3A_6 = tpu.memref_slice %arg3[%dma_start3A_4, %dma_start3A_5] : memref<4096x128xf32, #tpu.memory_space<hbm>> -> memref<4096x128xf32, #tpu.memory_space<hbm>>
    tpu.enqueue_indirect_dma source(%dma_start3A_6 : memref<4096x128xf32, #tpu.memory_space<hbm>>) target(%arg6 : memref<128x128xf32, #tpu.memory_space<vmem>>) offsets(%dma_start3A_3 : memref<128xi32, #tpu.memory_space<vmem>>) semaphore(%arg8 : memref<!tpu.dma_semaphore, #tpu.memory_space<semaphore_mem>>)
    %dma_wait3A = arith.constant 0 : i32
    %dma_wait3A_7 = tpu.memref_slice %arg5[%dma_wait3A] : memref<2048xi32, #tpu.memory_space<vmem>> -> memref<128xi32, #tpu.memory_space<vmem>>
    %dma_wait3A_8 = arith.constant 0 : i32
    %dma_wait3A_9 = arith.constant 0 : i32
    %dma_wait3A_10 = tpu.memref_slice %arg3[%dma_wait3A_8, %dma_wait3A_9] : memref<4096x128xf32, #tpu.memory_space<hbm>> -> memref<4096x128xf32, #tpu.memory_space<hbm>>
    tpu.wait_indirect_dma semaphore(%arg8 : memref<!tpu.dma_semaphore, #tpu.memory_space<semaphore_mem>>) src(%dma_wait3A_10 : memref<4096x128xf32, #tpu.memory_space<hbm>>) dst(%arg6 : memref<128x128xf32, #tpu.memory_space<vmem>>)
    %add3A_11 = arith.constant 0 : i32
    %add3A_12 = arith.addi %mul3A_2, %add3A_11 : i32
    %dma_start3A_13 = arith.constant 0 : i32
    %dma_start3A_14 = tpu.memref_slice %arg4[%add3A_12, %dma_start3A_13] : memref<65536x128xf32, #tpu.memory_space<hbm>> -> memref<128x128xf32, #tpu.memory_space<hbm>>
    %dma_start3A_15 = arith.constant 0 : i32
    %dma_start3A_16 = tpu.memref_slice %arg4[%add3A_12, %dma_start3A_15] : memref<65536x128xf32, #tpu.memory_space<hbm>> -> memref<128x128xf32, #tpu.memory_space<hbm>>
    tpu.enqueue_dma source(%arg6 : memref<128x128xf32, #tpu.memory_space<vmem>>) target(%dma_start3A_16 : memref<128x128xf32, #tpu.memory_space<hbm>>) target_semaphore(%arg10 : memref<!tpu.dma_semaphore, #tpu.memory_space<semaphore_mem>>)
    %dma_start3A_17 = arith.constant 128 : i32
    %dma_start3A_18 = tpu.memref_slice %arg5[%dma_start3A_17] : memref<2048xi32, #tpu.memory_space<vmem>> -> memref<128xi32, #tpu.memory_space<vmem>>
    %dma_start3A_19 = arith.constant 0 : i32
    %dma_start3A_20 = arith.constant 0 : i32
    %dma_start3A_21 = tpu.memref_slice %arg3[%dma_start3A_19, %dma_start3A_20] : memref<4096x128xf32, #tpu.memory_space<hbm>> -> memref<4096x128xf32, #tpu.memory_space<hbm>>
    tpu.enqueue_indirect_dma source(%dma_start3A_21 : memref<4096x128xf32, #tpu.memory_space<hbm>>) target(%arg7 : memref<128x128xf32, #tpu.memory_space<vmem>>) offsets(%dma_start3A_18 : memref<128xi32, #tpu.memory_space<vmem>>) semaphore(%arg9 : memref<!tpu.dma_semaphore, #tpu.memory_space<semaphore_mem>>)
    %dma_wait3A_22 = arith.constant 128 : i32
    %dma_wait3A_23 = tpu.memref_slice %arg5[%dma_wait3A_22] : memref<2048xi32, #tpu.memory_space<vmem>> -> memref<128xi32, #tpu.memory_space<vmem>>
    %dma_wait3A_24 = arith.constant 0 : i32
    %dma_wait3A_25 = arith.constant 0 : i32
    %dma_wait3A_26 = tpu.memref_slice %arg3[%dma_wait3A_24, %dma_wait3A_25] : memref<4096x128xf32, #tpu.memory_space<hbm>> -> memref<4096x128xf32, #tpu.memory_space<hbm>>
    tpu.wait_indirect_dma semaphore(%arg9 : memref<!tpu.dma_semaphore, #tpu.memory_space<semaphore_mem>>) src(%dma_wait3A_26 : memref<4096x128xf32, #tpu.memory_space<hbm>>) dst(%arg7 : memref<128x128xf32, #tpu.memory_space<vmem>>)
    %add3A_27 = arith.constant 128 : i32
    %add3A_28 = arith.addi %mul3A_2, %add3A_27 : i32
    %dma_start3A_29 = arith.constant 0 : i32
    %dma_start3A_30 = tpu.memref_slice %arg4[%add3A_28, %dma_start3A_29] : memref<65536x128xf32, #tpu.memory_space<hbm>> -> memref<128x128xf32, #tpu.memory_space<hbm>>
    %dma_start3A_31 = arith.constant 0 : i32
    %dma_start3A_32 = tpu.memref_slice %arg4[%add3A_28, %dma_start3A_31] : memref<65536x128xf32, #tpu.memory_space<hbm>> -> memref<128x128xf32, #tpu.memory_space<hbm>>
    tpu.enqueue_dma source(%arg7 : memref<128x128xf32, #tpu.memory_space<vmem>>) target(%dma_start3A_32 : memref<128x128xf32, #tpu.memory_space<hbm>>) target_semaphore(%arg11 : memref<!tpu.dma_semaphore, #tpu.memory_space<semaphore_mem>>)
    %dma_wait3A_33 = arith.constant 0 : i32
    %dma_wait3A_34 = tpu.memref_slice %arg4[%add3A_12, %dma_wait3A_33] : memref<65536x128xf32, #tpu.memory_space<hbm>> -> memref<128x128xf32, #tpu.memory_space<hbm>>
    %dma_wait3A_35 = arith.constant 0 : i32
    %dma_wait3A_36 = tpu.memref_slice %arg4[%add3A_12, %dma_wait3A_35] : memref<65536x128xf32, #tpu.memory_space<hbm>> -> memref<128x128xf32, #tpu.memory_space<hbm>>
    tpu.wait_dma2 semaphore(%arg10 : memref<!tpu.dma_semaphore, #tpu.memory_space<semaphore_mem>>) src(%arg6 : memref<128x128xf32, #tpu.memory_space<vmem>>) dst(%dma_wait3A_36 : memref<128x128xf32, #tpu.memory_space<hbm>>)
    %dma_start3A_37 = arith.constant 256 : i32
    %dma_start3A_38 = tpu.memref_slice %arg5[%dma_start3A_37] : memref<2048xi32, #tpu.memory_space<vmem>> -> memref<128xi32, #tpu.memory_space<vmem>>
    %dma_start3A_39 = arith.constant 0 : i32
    %dma_start3A_40 = arith.constant 0 : i32
    %dma_start3A_41 = tpu.memref_slice %arg3[%dma_start3A_39, %dma_start3A_40] : memref<4096x128xf32, #tpu.memory_space<hbm>> -> memref<4096x128xf32, #tpu.memory_space<hbm>>
    tpu.enqueue_indirect_dma source(%dma_start3A_41 : memref<4096x128xf32, #tpu.memory_space<hbm>>) target(%arg6 : memref<128x128xf32, #tpu.memory_space<vmem>>) offsets(%dma_start3A_38 : memref<128xi32, #tpu.memory_space<vmem>>) semaphore(%arg8 : memref<!tpu.dma_semaphore, #tpu.memory_space<semaphore_mem>>)
    %dma_wait3A_42 = arith.constant 256 : i32
    %dma_wait3A_43 = tpu.memref_slice %arg5[%dma_wait3A_42] : memref<2048xi32, #tpu.memory_space<vmem>> -> memref<128xi32, #tpu.memory_space<vmem>>
    %dma_wait3A_44 = arith.constant 0 : i32
    %dma_wait3A_45 = arith.constant 0 : i32
    %dma_wait3A_46 = tpu.memref_slice %arg3[%dma_wait3A_44, %dma_wait3A_45] : memref<4096x128xf32, #tpu.memory_space<hbm>> -> memref<4096x128xf32, #tpu.memory_space<hbm>>
    tpu.wait_indirect_dma semaphore(%arg8 : memref<!tpu.dma_semaphore, #tpu.memory_space<semaphore_mem>>) src(%dma_wait3A_46 : memref<4096x128xf32, #tpu.memory_space<hbm>>) dst(%arg6 : memref<128x128xf32, #tpu.memory_space<vmem>>)
    %add3A_47 = arith.constant 256 : i32
    %add3A_48 = arith.addi %mul3A_2, %add3A_47 : i32
    %dma_start3A_49 = arith.constant 0 : i32
    %dma_start3A_50 = tpu.memref_slice %arg4[%add3A_48, %dma_start3A_49] : memref<65536x128xf32, #tpu.memory_space<hbm>> -> memref<128x128xf32, #tpu.memory_space<hbm>>
    %dma_start3A_51 = arith.constant 0 : i32
    %dma_start3A_52 = tpu.memref_slice %arg4[%add3A_48, %dma_start3A_51] : memref<65536x128xf32, #tpu.memory_space<hbm>> -> memref<128x128xf32, #tpu.memory_space<hbm>>
    tpu.enqueue_dma source(%arg6 : memref<128x128xf32, #tpu.memory_space<vmem>>) target(%dma_start3A_52 : memref<128x128xf32, #tpu.memory_space<hbm>>) target_semaphore(%arg10 : memref<!tpu.dma_semaphore, #tpu.memory_space<semaphore_mem>>)
    %dma_wait3A_53 = arith.constant 0 : i32
    %dma_wait3A_54 = tpu.memref_slice %arg4[%add3A_28, %dma_wait3A_53] : memref<65536x128xf32, #tpu.memory_space<hbm>> -> memref<128x128xf32, #tpu.memory_space<hbm>>
    %dma_wait3A_55 = arith.constant 0 : i32
    %dma_wait3A_56 = tpu.memref_slice %arg4[%add3A_28, %dma_wait3A_55] : memref<65536x128xf32, #tpu.memory_space<hbm>> -> memref<128x128xf32, #tpu.memory_space<hbm>>
    tpu.wait_dma2 semaphore(%arg11 : memref<!tpu.dma_semaphore, #tpu.memory_space<semaphore_mem>>) src(%arg7 : memref<128x128xf32, #tpu.memory_space<vmem>>) dst(%dma_wait3A_56 : memref<128x128xf32, #tpu.memory_space<hbm>>)
    %dma_start3A_57 = arith.constant 384 : i32
    %dma_start3A_58 = tpu.memref_slice %arg5[%dma_start3A_57] : memref<2048xi32, #tpu.memory_space<vmem>> -> memref<128xi32, #tpu.memory_space<vmem>>
    %dma_start3A_59 = arith.constant 0 : i32
    %dma_start3A_60 = arith.constant 0 : i32
    %dma_start3A_61 = tpu.memref_slice %arg3[%dma_start3A_59, %dma_start3A_60] : memref<4096x128xf32, #tpu.memory_space<hbm>> -> memref<4096x128xf32, #tpu.memory_space<hbm>>
    tpu.enqueue_indirect_dma source(%dma_start3A_61 : memref<4096x128xf32, #tpu.memory_space<hbm>>) target(%arg7 : memref<128x128xf32, #tpu.memory_space<vmem>>) offsets(%dma_start3A_58 : memref<128xi32, #tpu.memory_space<vmem>>) semaphore(%arg9 : memref<!tpu.dma_semaphore, #tpu.memory_space<semaphore_mem>>)
    %dma_wait3A_62 = arith.constant 384 : i32
    %dma_wait3A_63 = tpu.memref_slice %arg5[%dma_wait3A_62] : memref<2048xi32, #tpu.memory_space<vmem>> -> memref<128xi32, #tpu.memory_space<vmem>>
    %dma_wait3A_64 = arith.constant 0 : i32
    %dma_wait3A_65 = arith.constant 0 : i32
    %dma_wait3A_66 = tpu.memref_slice %arg3[%dma_wait3A_64, %dma_wait3A_65] : memref<4096x128xf32, #tpu.memory_space<hbm>> -> memref<4096x128xf32, #tpu.memory_space<hbm>>
    tpu.wait_indirect_dma semaphore(%arg9 : memref<!tpu.dma_semaphore, #tpu.memory_space<semaphore_mem>>) src(%dma_wait3A_66 : memref<4096x128xf32, #tpu.memory_space<hbm>>) dst(%arg7 : memref<128x128xf32, #tpu.memory_space<vmem>>)
    %add3A_67 = arith.constant 384 : i32
    %add3A_68 = arith.addi %mul3A_2, %add3A_67 : i32
    %dma_start3A_69 = arith.constant 0 : i32
    %dma_start3A_70 = tpu.memref_slice %arg4[%add3A_68, %dma_start3A_69] : memref<65536x128xf32, #tpu.memory_space<hbm>> -> memref<128x128xf32, #tpu.memory_space<hbm>>
    %dma_start3A_71 = arith.constant 0 : i32
    %dma_start3A_72 = tpu.memref_slice %arg4[%add3A_68, %dma_start3A_71] : memref<65536x128xf32, #tpu.memory_space<hbm>> -> memref<128x128xf32, #tpu.memory_space<hbm>>
    tpu.enqueue_dma source(%arg7 : memref<128x128xf32, #tpu.memory_space<vmem>>) target(%dma_start3A_72 : memref<128x128xf32, #tpu.memory_space<hbm>>) target_semaphore(%arg11 : memref<!tpu.dma_semaphore, #tpu.memory_space<semaphore_mem>>)
    %dma_wait3A_73 = arith.constant 0 : i32
    %dma_wait3A_74 = tpu.memref_slice %arg4[%add3A_48, %dma_wait3A_73] : memref<65536x128xf32, #tpu.memory_space<hbm>> -> memref<128x128xf32, #tpu.memory_space<hbm>>
    %dma_wait3A_75 = arith.constant 0 : i32
    %dma_wait3A_76 = tpu.memref_slice %arg4[%add3A_48, %dma_wait3A_75] : memref<65536x128xf32, #tpu.memory_space<hbm>> -> memref<128x128xf32, #tpu.memory_space<hbm>>
    tpu.wait_dma2 semaphore(%arg10 : memref<!tpu.dma_semaphore, #tpu.memory_space<semaphore_mem>>) src(%arg6 : memref<128x128xf32, #tpu.memory_space<vmem>>) dst(%dma_wait3A_76 : memref<128x128xf32, #tpu.memory_space<hbm>>)
    %dma_start3A_77 = arith.constant 512 : i32
    %dma_start3A_78 = tpu.memref_slice %arg5[%dma_start3A_77] : memref<2048xi32, #tpu.memory_space<vmem>> -> memref<128xi32, #tpu.memory_space<vmem>>
    %dma_start3A_79 = arith.constant 0 : i32
    %dma_start3A_80 = arith.constant 0 : i32
    %dma_start3A_81 = tpu.memref_slice %arg3[%dma_start3A_79, %dma_start3A_80] : memref<4096x128xf32, #tpu.memory_space<hbm>> -> memref<4096x128xf32, #tpu.memory_space<hbm>>
    tpu.enqueue_indirect_dma source(%dma_start3A_81 : memref<4096x128xf32, #tpu.memory_space<hbm>>) target(%arg6 : memref<128x128xf32, #tpu.memory_space<vmem>>) offsets(%dma_start3A_78 : memref<128xi32, #tpu.memory_space<vmem>>) semaphore(%arg8 : memref<!tpu.dma_semaphore, #tpu.memory_space<semaphore_mem>>)
    %dma_wait3A_82 = arith.constant 512 : i32
    %dma_wait3A_83 = tpu.memref_slice %arg5[%dma_wait3A_82] : memref<2048xi32, #tpu.memory_space<vmem>> -> memref<128xi32, #tpu.memory_space<vmem>>
    %dma_wait3A_84 = arith.constant 0 : i32
    %dma_wait3A_85 = arith.constant 0 : i32
    %dma_wait3A_86 = tpu.memref_slice %arg3[%dma_wait3A_84, %dma_wait3A_85] : memref<4096x128xf32, #tpu.memory_space<hbm>> -> memref<4096x128xf32, #tpu.memory_space<hbm>>
    tpu.wait_indirect_dma semaphore(%arg8 : memref<!tpu.dma_semaphore, #tpu.memory_space<semaphore_mem>>) src(%dma_wait3A_86 : memref<4096x128xf32, #tpu.memory_space<hbm>>) dst(%arg6 : memref<128x128xf32, #tpu.memory_space<vmem>>)
    %add3A_87 = arith.constant 512 : i32
    %add3A_88 = arith.addi %mul3A_2, %add3A_87 : i32
    %dma_start3A_89 = arith.constant 0 : i32
    %dma_start3A_90 = tpu.memref_slice %arg4[%add3A_88, %dma_start3A_89] : memref<65536x128xf32, #tpu.memory_space<hbm>> -> memref<128x128xf32, #tpu.memory_space<hbm>>
    %dma_start3A_91 = arith.constant 0 : i32
    %dma_start3A_92 = tpu.memref_slice %arg4[%add3A_88, %dma_start3A_91] : memref<65536x128xf32, #tpu.memory_space<hbm>> -> memref<128x128xf32, #tpu.memory_space<hbm>>
    tpu.enqueue_dma source(%arg6 : memref<128x128xf32, #tpu.memory_space<vmem>>) target(%dma_start3A_92 : memref<128x128xf32, #tpu.memory_space<hbm>>) target_semaphore(%arg10 : memref<!tpu.dma_semaphore, #tpu.memory_space<semaphore_mem>>)
    %dma_wait3A_93 = arith.constant 0 : i32
    %dma_wait3A_94 = tpu.memref_slice %arg4[%add3A_68, %dma_wait3A_93] : memref<65536x128xf32, #tpu.memory_space<hbm>> -> memref<128x128xf32, #tpu.memory_space<hbm>>
    %dma_wait3A_95 = arith.constant 0 : i32
    %dma_wait3A_96 = tpu.memref_slice %arg4[%add3A_68, %dma_wait3A_95] : memref<65536x128xf32, #tpu.memory_space<hbm>> -> memref<128x128xf32, #tpu.memory_space<hbm>>
    tpu.wait_dma2 semaphore(%arg11 : memref<!tpu.dma_semaphore, #tpu.memory_space<semaphore_mem>>) src(%arg7 : memref<128x128xf32, #tpu.memory_space<vmem>>) dst(%dma_wait3A_96 : memref<128x128xf32, #tpu.memory_space<hbm>>)
    %dma_start3A_97 = arith.constant 640 : i32
    %dma_start3A_98 = tpu.memref_slice %arg5[%dma_start3A_97] : memref<2048xi32, #tpu.memory_space<vmem>> -> memref<128xi32, #tpu.memory_space<vmem>>
    %dma_start3A_99 = arith.constant 0 : i32
    %dma_start3A_100 = arith.constant 0 : i32
    %dma_start3A_101 = tpu.memref_slice %arg3[%dma_start3A_99, %dma_start3A_100] : memref<4096x128xf32, #tpu.memory_space<hbm>> -> memref<4096x128xf32, #tpu.memory_space<hbm>>
    tpu.enqueue_indirect_dma source(%dma_start3A_101 : memref<4096x128xf32, #tpu.memory_space<hbm>>) target(%arg7 : memref<128x128xf32, #tpu.memory_space<vmem>>) offsets(%dma_start3A_98 : memref<128xi32, #tpu.memory_space<vmem>>) semaphore(%arg9 : memref<!tpu.dma_semaphore, #tpu.memory_space<semaphore_mem>>)
    %dma_wait3A_102 = arith.constant 640 : i32
    %dma_wait3A_103 = tpu.memref_slice %arg5[%dma_wait3A_102] : memref<2048xi32, #tpu.memory_space<vmem>> -> memref<128xi32, #tpu.memory_space<vmem>>
    %dma_wait3A_104 = arith.constant 0 : i32
    %dma_wait3A_105 = arith.constant 0 : i32
    %dma_wait3A_106 = tpu.memref_slice %arg3[%dma_wait3A_104, %dma_wait3A_105] : memref<4096x128xf32, #tpu.memory_space<hbm>> -> memref<4096x128xf32, #tpu.memory_space<hbm>>
    tpu.wait_indirect_dma semaphore(%arg9 : memref<!tpu.dma_semaphore, #tpu.memory_space<semaphore_mem>>) src(%dma_wait3A_106 : memref<4096x128xf32, #tpu.memory_space<hbm>>) dst(%arg7 : memref<128x128xf32, #tpu.memory_space<vmem>>)
    %add3A_107 = arith.constant 640 : i32
    %add3A_108 = arith.addi %mul3A_2, %add3A_107 : i32
    %dma_start3A_109 = arith.constant 0 : i32
    %dma_start3A_110 = tpu.memref_slice %arg4[%add3A_108, %dma_start3A_109] : memref<65536x128xf32, #tpu.memory_space<hbm>> -> memref<128x128xf32, #tpu.memory_space<hbm>>
    %dma_start3A_111 = arith.constant 0 : i32
    %dma_start3A_112 = tpu.memref_slice %arg4[%add3A_108, %dma_start3A_111] : memref<65536x128xf32, #tpu.memory_space<hbm>> -> memref<128x128xf32, #tpu.memory_space<hbm>>
    tpu.enqueue_dma source(%arg7 : memref<128x128xf32, #tpu.memory_space<vmem>>) target(%dma_start3A_112 : memref<128x128xf32, #tpu.memory_space<hbm>>) target_semaphore(%arg11 : memref<!tpu.dma_semaphore, #tpu.memory_space<semaphore_mem>>)
    %dma_wait3A_113 = arith.constant 0 : i32
    %dma_wait3A_114 = tpu.memref_slice %arg4[%add3A_88, %dma_wait3A_113] : memref<65536x128xf32, #tpu.memory_space<hbm>> -> memref<128x128xf32, #tpu.memory_space<hbm>>
    %dma_wait3A_115 = arith.constant 0 : i32
    %dma_wait3A_116 = tpu.memref_slice %arg4[%add3A_88, %dma_wait3A_115] : memref<65536x128xf32, #tpu.memory_space<hbm>> -> memref<128x128xf32, #tpu.memory_space<hbm>>
    tpu.wait_dma2 semaphore(%arg10 : memref<!tpu.dma_semaphore, #tpu.memory_space<semaphore_mem>>) src(%arg6 : memref<128x128xf32, #tpu.memory_space<vmem>>) dst(%dma_wait3A_116 : memref<128x128xf32, #tpu.memory_space<hbm>>)
    %dma_start3A_117 = arith.constant 768 : i32
    %dma_start3A_118 = tpu.memref_slice %arg5[%dma_start3A_117] : memref<2048xi32, #tpu.memory_space<vmem>> -> memref<128xi32, #tpu.memory_space<vmem>>
    %dma_start3A_119 = arith.constant 0 : i32
    %dma_start3A_120 = arith.constant 0 : i32
    %dma_start3A_121 = tpu.memref_slice %arg3[%dma_start3A_119, %dma_start3A_120] : memref<4096x128xf32, #tpu.memory_space<hbm>> -> memref<4096x128xf32, #tpu.memory_space<hbm>>
    tpu.enqueue_indirect_dma source(%dma_start3A_121 : memref<4096x128xf32, #tpu.memory_space<hbm>>) target(%arg6 : memref<128x128xf32, #tpu.memory_space<vmem>>) offsets(%dma_start3A_118 : memref<128xi32, #tpu.memory_space<vmem>>) semaphore(%arg8 : memref<!tpu.dma_semaphore, #tpu.memory_space<semaphore_mem>>)
    %dma_wait3A_122 = arith.constant 768 : i32
    %dma_wait3A_123 = tpu.memref_slice %arg5[%dma_wait3A_122] : memref<2048xi32, #tpu.memory_space<vmem>> -> memref<128xi32, #tpu.memory_space<vmem>>
    %dma_wait3A_124 = arith.constant 0 : i32
    %dma_wait3A_125 = arith.constant 0 : i32
    %dma_wait3A_126 = tpu.memref_slice %arg3[%dma_wait3A_124, %dma_wait3A_125] : memref<4096x128xf32, #tpu.memory_space<hbm>> -> memref<4096x128xf32, #tpu.memory_space<hbm>>
    tpu.wait_indirect_dma semaphore(%arg8 : memref<!tpu.dma_semaphore, #tpu.memory_space<semaphore_mem>>) src(%dma_wait3A_126 : memref<4096x128xf32, #tpu.memory_space<hbm>>) dst(%arg6 : memref<128x128xf32, #tpu.memory_space<vmem>>)
    %add3A_127 = arith.constant 768 : i32
    %add3A_128 = arith.addi %mul3A_2, %add3A_127 : i32
    %dma_start3A_129 = arith.constant 0 : i32
    %dma_start3A_130 = tpu.memref_slice %arg4[%add3A_128, %dma_start3A_129] : memref<65536x128xf32, #tpu.memory_space<hbm>> -> memref<128x128xf32, #tpu.memory_space<hbm>>
    %dma_start3A_131 = arith.constant 0 : i32
    %dma_start3A_132 = tpu.memref_slice %arg4[%add3A_128, %dma_start3A_131] : memref<65536x128xf32, #tpu.memory_space<hbm>> -> memref<128x128xf32, #tpu.memory_space<hbm>>
    tpu.enqueue_dma source(%arg6 : memref<128x128xf32, #tpu.memory_space<vmem>>) target(%dma_start3A_132 : memref<128x128xf32, #tpu.memory_space<hbm>>) target_semaphore(%arg10 : memref<!tpu.dma_semaphore, #tpu.memory_space<semaphore_mem>>)
    %dma_wait3A_133 = arith.constant 0 : i32
    %dma_wait3A_134 = tpu.memref_slice %arg4[%add3A_108, %dma_wait3A_133] : memref<65536x128xf32, #tpu.memory_space<hbm>> -> memref<128x128xf32, #tpu.memory_space<hbm>>
    %dma_wait3A_135 = arith.constant 0 : i32
    %dma_wait3A_136 = tpu.memref_slice %arg4[%add3A_108, %dma_wait3A_135] : memref<65536x128xf32, #tpu.memory_space<hbm>> -> memref<128x128xf32, #tpu.memory_space<hbm>>
    tpu.wait_dma2 semaphore(%arg11 : memref<!tpu.dma_semaphore, #tpu.memory_space<semaphore_mem>>) src(%arg7 : memref<128x128xf32, #tpu.memory_space<vmem>>) dst(%dma_wait3A_136 : memref<128x128xf32, #tpu.memory_space<hbm>>)
    %dma_start3A_137 = arith.constant 896 : i32
    %dma_start3A_138 = tpu.memref_slice %arg5[%dma_start3A_137] : memref<2048xi32, #tpu.memory_space<vmem>> -> memref<128xi32, #tpu.memory_space<vmem>>
    %dma_start3A_139 = arith.constant 0 : i32
    %dma_start3A_140 = arith.constant 0 : i32
    %dma_start3A_141 = tpu.memref_slice %arg3[%dma_start3A_139, %dma_start3A_140] : memref<4096x128xf32, #tpu.memory_space<hbm>> -> memref<4096x128xf32, #tpu.memory_space<hbm>>
    tpu.enqueue_indirect_dma source(%dma_start3A_141 : memref<4096x128xf32, #tpu.memory_space<hbm>>) target(%arg7 : memref<128x128xf32, #tpu.memory_space<vmem>>) offsets(%dma_start3A_138 : memref<128xi32, #tpu.memory_space<vmem>>) semaphore(%arg9 : memref<!tpu.dma_semaphore, #tpu.memory_space<semaphore_mem>>)
    %dma_wait3A_142 = arith.constant 896 : i32
    %dma_wait3A_143 = tpu.memref_slice %arg5[%dma_wait3A_142] : memref<2048xi32, #tpu.memory_space<vmem>> -> memref<128xi32, #tpu.memory_space<vmem>>
    %dma_wait3A_144 = arith.constant 0 : i32
    %dma_wait3A_145 = arith.constant 0 : i32
    %dma_wait3A_146 = tpu.memref_slice %arg3[%dma_wait3A_144, %dma_wait3A_145] : memref<4096x128xf32, #tpu.memory_space<hbm>> -> memref<4096x128xf32, #tpu.memory_space<hbm>>
    tpu.wait_indirect_dma semaphore(%arg9 : memref<!tpu.dma_semaphore, #tpu.memory_space<semaphore_mem>>) src(%dma_wait3A_146 : memref<4096x128xf32, #tpu.memory_space<hbm>>) dst(%arg7 : memref<128x128xf32, #tpu.memory_space<vmem>>)
    %add3A_147 = arith.constant 896 : i32
    %add3A_148 = arith.addi %mul3A_2, %add3A_147 : i32
    %dma_start3A_149 = arith.constant 0 : i32
    %dma_start3A_150 = tpu.memref_slice %arg4[%add3A_148, %dma_start3A_149] : memref<65536x128xf32, #tpu.memory_space<hbm>> -> memref<128x128xf32, #tpu.memory_space<hbm>>
    %dma_start3A_151 = arith.constant 0 : i32
    %dma_start3A_152 = tpu.memref_slice %arg4[%add3A_148, %dma_start3A_151] : memref<65536x128xf32, #tpu.memory_space<hbm>> -> memref<128x128xf32, #tpu.memory_space<hbm>>
    tpu.enqueue_dma source(%arg7 : memref<128x128xf32, #tpu.memory_space<vmem>>) target(%dma_start3A_152 : memref<128x128xf32, #tpu.memory_space<hbm>>) target_semaphore(%arg11 : memref<!tpu.dma_semaphore, #tpu.memory_space<semaphore_mem>>)
    %dma_wait3A_153 = arith.constant 0 : i32
    %dma_wait3A_154 = tpu.memref_slice %arg4[%add3A_128, %dma_wait3A_153] : memref<65536x128xf32, #tpu.memory_space<hbm>> -> memref<128x128xf32, #tpu.memory_space<hbm>>
    %dma_wait3A_155 = arith.constant 0 : i32
    %dma_wait3A_156 = tpu.memref_slice %arg4[%add3A_128, %dma_wait3A_155] : memref<65536x128xf32, #tpu.memory_space<hbm>> -> memref<128x128xf32, #tpu.memory_space<hbm>>
    tpu.wait_dma2 semaphore(%arg10 : memref<!tpu.dma_semaphore, #tpu.memory_space<semaphore_mem>>) src(%arg6 : memref<128x128xf32, #tpu.memory_space<vmem>>) dst(%dma_wait3A_156 : memref<128x128xf32, #tpu.memory_space<hbm>>)
    %dma_start3A_157 = arith.constant 1024 : i32
    %dma_start3A_158 = tpu.memref_slice %arg5[%dma_start3A_157] : memref<2048xi32, #tpu.memory_space<vmem>> -> memref<128xi32, #tpu.memory_space<vmem>>
    %dma_start3A_159 = arith.constant 0 : i32
    %dma_start3A_160 = arith.constant 0 : i32
    %dma_start3A_161 = tpu.memref_slice %arg3[%dma_start3A_159, %dma_start3A_160] : memref<4096x128xf32, #tpu.memory_space<hbm>> -> memref<4096x128xf32, #tpu.memory_space<hbm>>
    tpu.enqueue_indirect_dma source(%dma_start3A_161 : memref<4096x128xf32, #tpu.memory_space<hbm>>) target(%arg6 : memref<128x128xf32, #tpu.memory_space<vmem>>) offsets(%dma_start3A_158 : memref<128xi32, #tpu.memory_space<vmem>>) semaphore(%arg8 : memref<!tpu.dma_semaphore, #tpu.memory_space<semaphore_mem>>)
    %dma_wait3A_162 = arith.constant 1024 : i32
    %dma_wait3A_163 = tpu.memref_slice %arg5[%dma_wait3A_162] : memref<2048xi32, #tpu.memory_space<vmem>> -> memref<128xi32, #tpu.memory_space<vmem>>
    %dma_wait3A_164 = arith.constant 0 : i32
    %dma_wait3A_165 = arith.constant 0 : i32
    %dma_wait3A_166 = tpu.memref_slice %arg3[%dma_wait3A_164, %dma_wait3A_165] : memref<4096x128xf32, #tpu.memory_space<hbm>> -> memref<4096x128xf32, #tpu.memory_space<hbm>>
    tpu.wait_indirect_dma semaphore(%arg8 : memref<!tpu.dma_semaphore, #tpu.memory_space<semaphore_mem>>) src(%dma_wait3A_166 : memref<4096x128xf32, #tpu.memory_space<hbm>>) dst(%arg6 : memref<128x128xf32, #tpu.memory_space<vmem>>)
    %add3A_167 = arith.constant 1024 : i32
    %add3A_168 = arith.addi %mul3A_2, %add3A_167 : i32
    %dma_start3A_169 = arith.constant 0 : i32
    %dma_start3A_170 = tpu.memref_slice %arg4[%add3A_168, %dma_start3A_169] : memref<65536x128xf32, #tpu.memory_space<hbm>> -> memref<128x128xf32, #tpu.memory_space<hbm>>
    %dma_start3A_171 = arith.constant 0 : i32
    %dma_start3A_172 = tpu.memref_slice %arg4[%add3A_168, %dma_start3A_171] : memref<65536x128xf32, #tpu.memory_space<hbm>> -> memref<128x128xf32, #tpu.memory_space<hbm>>
    tpu.enqueue_dma source(%arg6 : memref<128x128xf32, #tpu.memory_space<vmem>>) target(%dma_start3A_172 : memref<128x128xf32, #tpu.memory_space<hbm>>) target_semaphore(%arg10 : memref<!tpu.dma_semaphore, #tpu.memory_space<semaphore_mem>>)
    %dma_wait3A_173 = arith.constant 0 : i32
    %dma_wait3A_174 = tpu.memref_slice %arg4[%add3A_148, %dma_wait3A_173] : memref<65536x128xf32, #tpu.memory_space<hbm>> -> memref<128x128xf32, #tpu.memory_space<hbm>>
    %dma_wait3A_175 = arith.constant 0 : i32
    %dma_wait3A_176 = tpu.memref_slice %arg4[%add3A_148, %dma_wait3A_175] : memref<65536x128xf32, #tpu.memory_space<hbm>> -> memref<128x128xf32, #tpu.memory_space<hbm>>
    tpu.wait_dma2 semaphore(%arg11 : memref<!tpu.dma_semaphore, #tpu.memory_space<semaphore_mem>>) src(%arg7 : memref<128x128xf32, #tpu.memory_space<vmem>>) dst(%dma_wait3A_176 : memref<128x128xf32, #tpu.memory_space<hbm>>)
    %dma_start3A_177 = arith.constant 1152 : i32
    %dma_start3A_178 = tpu.memref_slice %arg5[%dma_start3A_177] : memref<2048xi32, #tpu.memory_space<vmem>> -> memref<128xi32, #tpu.memory_space<vmem>>
    %dma_start3A_179 = arith.constant 0 : i32
    %dma_start3A_180 = arith.constant 0 : i32
    %dma_start3A_181 = tpu.memref_slice %arg3[%dma_start3A_179, %dma_start3A_180] : memref<4096x128xf32, #tpu.memory_space<hbm>> -> memref<4096x128xf32, #tpu.memory_space<hbm>>
    tpu.enqueue_indirect_dma source(%dma_start3A_181 : memref<4096x128xf32, #tpu.memory_space<hbm>>) target(%arg7 : memref<128x128xf32, #tpu.memory_space<vmem>>) offsets(%dma_start3A_178 : memref<128xi32, #tpu.memory_space<vmem>>) semaphore(%arg9 : memref<!tpu.dma_semaphore, #tpu.memory_space<semaphore_mem>>)
    %dma_wait3A_182 = arith.constant 1152 : i32
    %dma_wait3A_183 = tpu.memref_slice %arg5[%dma_wait3A_182] : memref<2048xi32, #tpu.memory_space<vmem>> -> memref<128xi32, #tpu.memory_space<vmem>>
    %dma_wait3A_184 = arith.constant 0 : i32
    %dma_wait3A_185 = arith.constant 0 : i32
    %dma_wait3A_186 = tpu.memref_slice %arg3[%dma_wait3A_184, %dma_wait3A_185] : memref<4096x128xf32, #tpu.memory_space<hbm>> -> memref<4096x128xf32, #tpu.memory_space<hbm>>
    tpu.wait_indirect_dma semaphore(%arg9 : memref<!tpu.dma_semaphore, #tpu.memory_space<semaphore_mem>>) src(%dma_wait3A_186 : memref<4096x128xf32, #tpu.memory_space<hbm>>) dst(%arg7 : memref<128x128xf32, #tpu.memory_space<vmem>>)
    %add3A_187 = arith.constant 1152 : i32
    %add3A_188 = arith.addi %mul3A_2, %add3A_187 : i32
    %dma_start3A_189 = arith.constant 0 : i32
    %dma_start3A_190 = tpu.memref_slice %arg4[%add3A_188, %dma_start3A_189] : memref<65536x128xf32, #tpu.memory_space<hbm>> -> memref<128x128xf32, #tpu.memory_space<hbm>>
    %dma_start3A_191 = arith.constant 0 : i32
    %dma_start3A_192 = tpu.memref_slice %arg4[%add3A_188, %dma_start3A_191] : memref<65536x128xf32, #tpu.memory_space<hbm>> -> memref<128x128xf32, #tpu.memory_space<hbm>>
    tpu.enqueue_dma source(%arg7 : memref<128x128xf32, #tpu.memory_space<vmem>>) target(%dma_start3A_192 : memref<128x128xf32, #tpu.memory_space<hbm>>) target_semaphore(%arg11 : memref<!tpu.dma_semaphore, #tpu.memory_space<semaphore_mem>>)
    %dma_wait3A_193 = arith.constant 0 : i32
    %dma_wait3A_194 = tpu.memref_slice %arg4[%add3A_168, %dma_wait3A_193] : memref<65536x128xf32, #tpu.memory_space<hbm>> -> memref<128x128xf32, #tpu.memory_space<hbm>>
    %dma_wait3A_195 = arith.constant 0 : i32
    %dma_wait3A_196 = tpu.memref_slice %arg4[%add3A_168, %dma_wait3A_195] : memref<65536x128xf32, #tpu.memory_space<hbm>> -> memref<128x128xf32, #tpu.memory_space<hbm>>
    tpu.wait_dma2 semaphore(%arg10 : memref<!tpu.dma_semaphore, #tpu.memory_space<semaphore_mem>>) src(%arg6 : memref<128x128xf32, #tpu.memory_space<vmem>>) dst(%dma_wait3A_196 : memref<128x128xf32, #tpu.memory_space<hbm>>)
    %dma_start3A_197 = arith.constant 1280 : i32
    %dma_start3A_198 = tpu.memref_slice %arg5[%dma_start3A_197] : memref<2048xi32, #tpu.memory_space<vmem>> -> memref<128xi32, #tpu.memory_space<vmem>>
    %dma_start3A_199 = arith.constant 0 : i32
    %dma_start3A_200 = arith.constant 0 : i32
    %dma_start3A_201 = tpu.memref_slice %arg3[%dma_start3A_199, %dma_start3A_200] : memref<4096x128xf32, #tpu.memory_space<hbm>> -> memref<4096x128xf32, #tpu.memory_space<hbm>>
    tpu.enqueue_indirect_dma source(%dma_start3A_201 : memref<4096x128xf32, #tpu.memory_space<hbm>>) target(%arg6 : memref<128x128xf32, #tpu.memory_space<vmem>>) offsets(%dma_start3A_198 : memref<128xi32, #tpu.memory_space<vmem>>) semaphore(%arg8 : memref<!tpu.dma_semaphore, #tpu.memory_space<semaphore_mem>>)
    %dma_wait3A_202 = arith.constant 1280 : i32
    %dma_wait3A_203 = tpu.memref_slice %arg5[%dma_wait3A_202] : memref<2048xi32, #tpu.memory_space<vmem>> -> memref<128xi32, #tpu.memory_space<vmem>>
    %dma_wait3A_204 = arith.constant 0 : i32
    %dma_wait3A_205 = arith.constant 0 : i32
    %dma_wait3A_206 = tpu.memref_slice %arg3[%dma_wait3A_204, %dma_wait3A_205] : memref<4096x128xf32, #tpu.memory_space<hbm>> -> memref<4096x128xf32, #tpu.memory_space<hbm>>
    tpu.wait_indirect_dma semaphore(%arg8 : memref<!tpu.dma_semaphore, #tpu.memory_space<semaphore_mem>>) src(%dma_wait3A_206 : memref<4096x128xf32, #tpu.memory_space<hbm>>) dst(%arg6 : memref<128x128xf32, #tpu.memory_space<vmem>>)
    %add3A_207 = arith.constant 1280 : i32
    %add3A_208 = arith.addi %mul3A_2, %add3A_207 : i32
    %dma_start3A_209 = arith.constant 0 : i32
    %dma_start3A_210 = tpu.memref_slice %arg4[%add3A_208, %dma_start3A_209] : memref<65536x128xf32, #tpu.memory_space<hbm>> -> memref<128x128xf32, #tpu.memory_space<hbm>>
    %dma_start3A_211 = arith.constant 0 : i32
    %dma_start3A_212 = tpu.memref_slice %arg4[%add3A_208, %dma_start3A_211] : memref<65536x128xf32, #tpu.memory_space<hbm>> -> memref<128x128xf32, #tpu.memory_space<hbm>>
    tpu.enqueue_dma source(%arg6 : memref<128x128xf32, #tpu.memory_space<vmem>>) target(%dma_start3A_212 : memref<128x128xf32, #tpu.memory_space<hbm>>) target_semaphore(%arg10 : memref<!tpu.dma_semaphore, #tpu.memory_space<semaphore_mem>>)
    %dma_wait3A_213 = arith.constant 0 : i32
    %dma_wait3A_214 = tpu.memref_slice %arg4[%add3A_188, %dma_wait3A_213] : memref<65536x128xf32, #tpu.memory_space<hbm>> -> memref<128x128xf32, #tpu.memory_space<hbm>>
    %dma_wait3A_215 = arith.constant 0 : i32
    %dma_wait3A_216 = tpu.memref_slice %arg4[%add3A_188, %dma_wait3A_215] : memref<65536x128xf32, #tpu.memory_space<hbm>> -> memref<128x128xf32, #tpu.memory_space<hbm>>
    tpu.wait_dma2 semaphore(%arg11 : memref<!tpu.dma_semaphore, #tpu.memory_space<semaphore_mem>>) src(%arg7 : memref<128x128xf32, #tpu.memory_space<vmem>>) dst(%dma_wait3A_216 : memref<128x128xf32, #tpu.memory_space<hbm>>)
    %dma_start3A_217 = arith.constant 1408 : i32
    %dma_start3A_218 = tpu.memref_slice %arg5[%dma_start3A_217] : memref<2048xi32, #tpu.memory_space<vmem>> -> memref<128xi32, #tpu.memory_space<vmem>>
    %dma_start3A_219 = arith.constant 0 : i32
    %dma_start3A_220 = arith.constant 0 : i32
    %dma_start3A_221 = tpu.memref_slice %arg3[%dma_start3A_219, %dma_start3A_220] : memref<4096x128xf32, #tpu.memory_space<hbm>> -> memref<4096x128xf32, #tpu.memory_space<hbm>>
    tpu.enqueue_indirect_dma source(%dma_start3A_221 : memref<4096x128xf32, #tpu.memory_space<hbm>>) target(%arg7 : memref<128x128xf32, #tpu.memory_space<vmem>>) offsets(%dma_start3A_218 : memref<128xi32, #tpu.memory_space<vmem>>) semaphore(%arg9 : memref<!tpu.dma_semaphore, #tpu.memory_space<semaphore_mem>>)
    %dma_wait3A_222 = arith.constant 1408 : i32
    %dma_wait3A_223 = tpu.memref_slice %arg5[%dma_wait3A_222] : memref<2048xi32, #tpu.memory_space<vmem>> -> memref<128xi32, #tpu.memory_space<vmem>>
    %dma_wait3A_224 = arith.constant 0 : i32
    %dma_wait3A_225 = arith.constant 0 : i32
    %dma_wait3A_226 = tpu.memref_slice %arg3[%dma_wait3A_224, %dma_wait3A_225] : memref<4096x128xf32, #tpu.memory_space<hbm>> -> memref<4096x128xf32, #tpu.memory_space<hbm>>
    tpu.wait_indirect_dma semaphore(%arg9 : memref<!tpu.dma_semaphore, #tpu.memory_space<semaphore_mem>>) src(%dma_wait3A_226 : memref<4096x128xf32, #tpu.memory_space<hbm>>) dst(%arg7 : memref<128x128xf32, #tpu.memory_space<vmem>>)
    %add3A_227 = arith.constant 1408 : i32
    %add3A_228 = arith.addi %mul3A_2, %add3A_227 : i32
    %dma_start3A_229 = arith.constant 0 : i32
    %dma_start3A_230 = tpu.memref_slice %arg4[%add3A_228, %dma_start3A_229] : memref<65536x128xf32, #tpu.memory_space<hbm>> -> memref<128x128xf32, #tpu.memory_space<hbm>>
    %dma_start3A_231 = arith.constant 0 : i32
    %dma_start3A_232 = tpu.memref_slice %arg4[%add3A_228, %dma_start3A_231] : memref<65536x128xf32, #tpu.memory_space<hbm>> -> memref<128x128xf32, #tpu.memory_space<hbm>>
    tpu.enqueue_dma source(%arg7 : memref<128x128xf32, #tpu.memory_space<vmem>>) target(%dma_start3A_232 : memref<128x128xf32, #tpu.memory_space<hbm>>) target_semaphore(%arg11 : memref<!tpu.dma_semaphore, #tpu.memory_space<semaphore_mem>>)
    %dma_wait3A_233 = arith.constant 0 : i32
    %dma_wait3A_234 = tpu.memref_slice %arg4[%add3A_208, %dma_wait3A_233] : memref<65536x128xf32, #tpu.memory_space<hbm>> -> memref<128x128xf32, #tpu.memory_space<hbm>>
    %dma_wait3A_235 = arith.constant 0 : i32
    %dma_wait3A_236 = tpu.memref_slice %arg4[%add3A_208, %dma_wait3A_235] : memref<65536x128xf32, #tpu.memory_space<hbm>> -> memref<128x128xf32, #tpu.memory_space<hbm>>
    tpu.wait_dma2 semaphore(%arg10 : memref<!tpu.dma_semaphore, #tpu.memory_space<semaphore_mem>>) src(%arg6 : memref<128x128xf32, #tpu.memory_space<vmem>>) dst(%dma_wait3A_236 : memref<128x128xf32, #tpu.memory_space<hbm>>)
    %dma_start3A_237 = arith.constant 1536 : i32
    %dma_start3A_238 = tpu.memref_slice %arg5[%dma_start3A_237] : memref<2048xi32, #tpu.memory_space<vmem>> -> memref<128xi32, #tpu.memory_space<vmem>>
    %dma_start3A_239 = arith.constant 0 : i32
    %dma_start3A_240 = arith.constant 0 : i32
    %dma_start3A_241 = tpu.memref_slice %arg3[%dma_start3A_239, %dma_start3A_240] : memref<4096x128xf32, #tpu.memory_space<hbm>> -> memref<4096x128xf32, #tpu.memory_space<hbm>>
    tpu.enqueue_indirect_dma source(%dma_start3A_241 : memref<4096x128xf32, #tpu.memory_space<hbm>>) target(%arg6 : memref<128x128xf32, #tpu.memory_space<vmem>>) offsets(%dma_start3A_238 : memref<128xi32, #tpu.memory_space<vmem>>) semaphore(%arg8 : memref<!tpu.dma_semaphore, #tpu.memory_space<semaphore_mem>>)
    %dma_wait3A_242 = arith.constant 1536 : i32
    %dma_wait3A_243 = tpu.memref_slice %arg5[%dma_wait3A_242] : memref<2048xi32, #tpu.memory_space<vmem>> -> memref<128xi32, #tpu.memory_space<vmem>>
    %dma_wait3A_244 = arith.constant 0 : i32
    %dma_wait3A_245 = arith.constant 0 : i32
    %dma_wait3A_246 = tpu.memref_slice %arg3[%dma_wait3A_244, %dma_wait3A_245] : memref<4096x128xf32, #tpu.memory_space<hbm>> -> memref<4096x128xf32, #tpu.memory_space<hbm>>
    tpu.wait_indirect_dma semaphore(%arg8 : memref<!tpu.dma_semaphore, #tpu.memory_space<semaphore_mem>>) src(%dma_wait3A_246 : memref<4096x128xf32, #tpu.memory_space<hbm>>) dst(%arg6 : memref<128x128xf32, #tpu.memory_space<vmem>>)
    %add3A_247 = arith.constant 1536 : i32
    %add3A_248 = arith.addi %mul3A_2, %add3A_247 : i32
    %dma_start3A_249 = arith.constant 0 : i32
    %dma_start3A_250 = tpu.memref_slice %arg4[%add3A_248, %dma_start3A_249] : memref<65536x128xf32, #tpu.memory_space<hbm>> -> memref<128x128xf32, #tpu.memory_space<hbm>>
    %dma_start3A_251 = arith.constant 0 : i32
    %dma_start3A_252 = tpu.memref_slice %arg4[%add3A_248, %dma_start3A_251] : memref<65536x128xf32, #tpu.memory_space<hbm>> -> memref<128x128xf32, #tpu.memory_space<hbm>>
    tpu.enqueue_dma source(%arg6 : memref<128x128xf32, #tpu.memory_space<vmem>>) target(%dma_start3A_252 : memref<128x128xf32, #tpu.memory_space<hbm>>) target_semaphore(%arg10 : memref<!tpu.dma_semaphore, #tpu.memory_space<semaphore_mem>>)
    %dma_wait3A_253 = arith.constant 0 : i32
    %dma_wait3A_254 = tpu.memref_slice %arg4[%add3A_228, %dma_wait3A_253] : memref<65536x128xf32, #tpu.memory_space<hbm>> -> memref<128x128xf32, #tpu.memory_space<hbm>>
    %dma_wait3A_255 = arith.constant 0 : i32
    %dma_wait3A_256 = tpu.memref_slice %arg4[%add3A_228, %dma_wait3A_255] : memref<65536x128xf32, #tpu.memory_space<hbm>> -> memref<128x128xf32, #tpu.memory_space<hbm>>
    tpu.wait_dma2 semaphore(%arg11 : memref<!tpu.dma_semaphore, #tpu.memory_space<semaphore_mem>>) src(%arg7 : memref<128x128xf32, #tpu.memory_space<vmem>>) dst(%dma_wait3A_256 : memref<128x128xf32, #tpu.memory_space<hbm>>)
    %dma_start3A_257 = arith.constant 1664 : i32
    %dma_start3A_258 = tpu.memref_slice %arg5[%dma_start3A_257] : memref<2048xi32, #tpu.memory_space<vmem>> -> memref<128xi32, #tpu.memory_space<vmem>>
    %dma_start3A_259 = arith.constant 0 : i32
    %dma_start3A_260 = arith.constant 0 : i32
    %dma_start3A_261 = tpu.memref_slice %arg3[%dma_start3A_259, %dma_start3A_260] : memref<4096x128xf32, #tpu.memory_space<hbm>> -> memref<4096x128xf32, #tpu.memory_space<hbm>>
    tpu.enqueue_indirect_dma source(%dma_start3A_261 : memref<4096x128xf32, #tpu.memory_space<hbm>>) target(%arg7 : memref<128x128xf32, #tpu.memory_space<vmem>>) offsets(%dma_start3A_258 : memref<128xi32, #tpu.memory_space<vmem>>) semaphore(%arg9 : memref<!tpu.dma_semaphore, #tpu.memory_space<semaphore_mem>>)
    %dma_wait3A_262 = arith.constant 1664 : i32
    %dma_wait3A_263 = tpu.memref_slice %arg5[%dma_wait3A_262] : memref<2048xi32, #tpu.memory_space<vmem>> -> memref<128xi32, #tpu.memory_space<vmem>>
    %dma_wait3A_264 = arith.constant 0 : i32
    %dma_wait3A_265 = arith.constant 0 : i32
    %dma_wait3A_266 = tpu.memref_slice %arg3[%dma_wait3A_264, %dma_wait3A_265] : memref<4096x128xf32, #tpu.memory_space<hbm>> -> memref<4096x128xf32, #tpu.memory_space<hbm>>
    tpu.wait_indirect_dma semaphore(%arg9 : memref<!tpu.dma_semaphore, #tpu.memory_space<semaphore_mem>>) src(%dma_wait3A_266 : memref<4096x128xf32, #tpu.memory_space<hbm>>) dst(%arg7 : memref<128x128xf32, #tpu.memory_space<vmem>>)
    %add3A_267 = arith.constant 1664 : i32
    %add3A_268 = arith.addi %mul3A_2, %add3A_267 : i32
    %dma_start3A_269 = arith.constant 0 : i32
    %dma_start3A_270 = tpu.memref_slice %arg4[%add3A_268, %dma_start3A_269] : memref<65536x128xf32, #tpu.memory_space<hbm>> -> memref<128x128xf32, #tpu.memory_space<hbm>>
    %dma_start3A_271 = arith.constant 0 : i32
    %dma_start3A_272 = tpu.memref_slice %arg4[%add3A_268, %dma_start3A_271] : memref<65536x128xf32, #tpu.memory_space<hbm>> -> memref<128x128xf32, #tpu.memory_space<hbm>>
    tpu.enqueue_dma source(%arg7 : memref<128x128xf32, #tpu.memory_space<vmem>>) target(%dma_start3A_272 : memref<128x128xf32, #tpu.memory_space<hbm>>) target_semaphore(%arg11 : memref<!tpu.dma_semaphore, #tpu.memory_space<semaphore_mem>>)
    %dma_wait3A_273 = arith.constant 0 : i32
    %dma_wait3A_274 = tpu.memref_slice %arg4[%add3A_248, %dma_wait3A_273] : memref<65536x128xf32, #tpu.memory_space<hbm>> -> memref<128x128xf32, #tpu.memory_space<hbm>>
    %dma_wait3A_275 = arith.constant 0 : i32
    %dma_wait3A_276 = tpu.memref_slice %arg4[%add3A_248, %dma_wait3A_275] : memref<65536x128xf32, #tpu.memory_space<hbm>> -> memref<128x128xf32, #tpu.memory_space<hbm>>
    tpu.wait_dma2 semaphore(%arg10 : memref<!tpu.dma_semaphore, #tpu.memory_space<semaphore_mem>>) src(%arg6 : memref<128x128xf32, #tpu.memory_space<vmem>>) dst(%dma_wait3A_276 : memref<128x128xf32, #tpu.memory_space<hbm>>)
    %dma_start3A_277 = arith.constant 1792 : i32
    %dma_start3A_278 = tpu.memref_slice %arg5[%dma_start3A_277] : memref<2048xi32, #tpu.memory_space<vmem>> -> memref<128xi32, #tpu.memory_space<vmem>>
    %dma_start3A_279 = arith.constant 0 : i32
    %dma_start3A_280 = arith.constant 0 : i32
    %dma_start3A_281 = tpu.memref_slice %arg3[%dma_start3A_279, %dma_start3A_280] : memref<4096x128xf32, #tpu.memory_space<hbm>> -> memref<4096x128xf32, #tpu.memory_space<hbm>>
    tpu.enqueue_indirect_dma source(%dma_start3A_281 : memref<4096x128xf32, #tpu.memory_space<hbm>>) target(%arg6 : memref<128x128xf32, #tpu.memory_space<vmem>>) offsets(%dma_start3A_278 : memref<128xi32, #tpu.memory_space<vmem>>) semaphore(%arg8 : memref<!tpu.dma_semaphore, #tpu.memory_space<semaphore_mem>>)
    %dma_wait3A_282 = arith.constant 1792 : i32
    %dma_wait3A_283 = tpu.memref_slice %arg5[%dma_wait3A_282] : memref<2048xi32, #tpu.memory_space<vmem>> -> memref<128xi32, #tpu.memory_space<vmem>>
    %dma_wait3A_284 = arith.constant 0 : i32
    %dma_wait3A_285 = arith.constant 0 : i32
    %dma_wait3A_286 = tpu.memref_slice %arg3[%dma_wait3A_284, %dma_wait3A_285] : memref<4096x128xf32, #tpu.memory_space<hbm>> -> memref<4096x128xf32, #tpu.memory_space<hbm>>
    tpu.wait_indirect_dma semaphore(%arg8 : memref<!tpu.dma_semaphore, #tpu.memory_space<semaphore_mem>>) src(%dma_wait3A_286 : memref<4096x128xf32, #tpu.memory_space<hbm>>) dst(%arg6 : memref<128x128xf32, #tpu.memory_space<vmem>>)
    %add3A_287 = arith.constant 1792 : i32
    %add3A_288 = arith.addi %mul3A_2, %add3A_287 : i32
    %dma_start3A_289 = arith.constant 0 : i32
    %dma_start3A_290 = tpu.memref_slice %arg4[%add3A_288, %dma_start3A_289] : memref<65536x128xf32, #tpu.memory_space<hbm>> -> memref<128x128xf32, #tpu.memory_space<hbm>>
    %dma_start3A_291 = arith.constant 0 : i32
    %dma_start3A_292 = tpu.memref_slice %arg4[%add3A_288, %dma_start3A_291] : memref<65536x128xf32, #tpu.memory_space<hbm>> -> memref<128x128xf32, #tpu.memory_space<hbm>>
    tpu.enqueue_dma source(%arg6 : memref<128x128xf32, #tpu.memory_space<vmem>>) target(%dma_start3A_292 : memref<128x128xf32, #tpu.memory_space<hbm>>) target_semaphore(%arg10 : memref<!tpu.dma_semaphore, #tpu.memory_space<semaphore_mem>>)
    %dma_wait3A_293 = arith.constant 0 : i32
    %dma_wait3A_294 = tpu.memref_slice %arg4[%add3A_268, %dma_wait3A_293] : memref<65536x128xf32, #tpu.memory_space<hbm>> -> memref<128x128xf32, #tpu.memory_space<hbm>>
    %dma_wait3A_295 = arith.constant 0 : i32
    %dma_wait3A_296 = tpu.memref_slice %arg4[%add3A_268, %dma_wait3A_295] : memref<65536x128xf32, #tpu.memory_space<hbm>> -> memref<128x128xf32, #tpu.memory_space<hbm>>
    tpu.wait_dma2 semaphore(%arg11 : memref<!tpu.dma_semaphore, #tpu.memory_space<semaphore_mem>>) src(%arg7 : memref<128x128xf32, #tpu.memory_space<vmem>>) dst(%dma_wait3A_296 : memref<128x128xf32, #tpu.memory_space<hbm>>)
    %dma_start3A_297 = arith.constant 1920 : i32
    %dma_start3A_298 = tpu.memref_slice %arg5[%dma_start3A_297] : memref<2048xi32, #tpu.memory_space<vmem>> -> memref<128xi32, #tpu.memory_space<vmem>>
    %dma_start3A_299 = arith.constant 0 : i32
    %dma_start3A_300 = arith.constant 0 : i32
    %dma_start3A_301 = tpu.memref_slice %arg3[%dma_start3A_299, %dma_start3A_300] : memref<4096x128xf32, #tpu.memory_space<hbm>> -> memref<4096x128xf32, #tpu.memory_space<hbm>>
    tpu.enqueue_indirect_dma source(%dma_start3A_301 : memref<4096x128xf32, #tpu.memory_space<hbm>>) target(%arg7 : memref<128x128xf32, #tpu.memory_space<vmem>>) offsets(%dma_start3A_298 : memref<128xi32, #tpu.memory_space<vmem>>) semaphore(%arg9 : memref<!tpu.dma_semaphore, #tpu.memory_space<semaphore_mem>>)
    %dma_wait3A_302 = arith.constant 1920 : i32
    %dma_wait3A_303 = tpu.memref_slice %arg5[%dma_wait3A_302] : memref<2048xi32, #tpu.memory_space<vmem>> -> memref<128xi32, #tpu.memory_space<vmem>>
    %dma_wait3A_304 = arith.constant 0 : i32
    %dma_wait3A_305 = arith.constant 0 : i32
    %dma_wait3A_306 = tpu.memref_slice %arg3[%dma_wait3A_304, %dma_wait3A_305] : memref<4096x128xf32, #tpu.memory_space<hbm>> -> memref<4096x128xf32, #tpu.memory_space<hbm>>
    tpu.wait_indirect_dma semaphore(%arg9 : memref<!tpu.dma_semaphore, #tpu.memory_space<semaphore_mem>>) src(%dma_wait3A_306 : memref<4096x128xf32, #tpu.memory_space<hbm>>) dst(%arg7 : memref<128x128xf32, #tpu.memory_space<vmem>>)
    %add3A_307 = arith.constant 1920 : i32
    %add3A_308 = arith.addi %mul3A_2, %add3A_307 : i32
    %dma_start3A_309 = arith.constant 0 : i32
    %dma_start3A_310 = tpu.memref_slice %arg4[%add3A_308, %dma_start3A_309] : memref<65536x128xf32, #tpu.memory_space<hbm>> -> memref<128x128xf32, #tpu.memory_space<hbm>>
    %dma_start3A_311 = arith.constant 0 : i32
    %dma_start3A_312 = tpu.memref_slice %arg4[%add3A_308, %dma_start3A_311] : memref<65536x128xf32, #tpu.memory_space<hbm>> -> memref<128x128xf32, #tpu.memory_space<hbm>>
    tpu.enqueue_dma source(%arg7 : memref<128x128xf32, #tpu.memory_space<vmem>>) target(%dma_start3A_312 : memref<128x128xf32, #tpu.memory_space<hbm>>) target_semaphore(%arg11 : memref<!tpu.dma_semaphore, #tpu.memory_space<semaphore_mem>>)
    %dma_wait3A_313 = arith.constant 0 : i32
    %dma_wait3A_314 = tpu.memref_slice %arg4[%add3A_308, %dma_wait3A_313] : memref<65536x128xf32, #tpu.memory_space<hbm>> -> memref<128x128xf32, #tpu.memory_space<hbm>>
    %dma_wait3A_315 = arith.constant 0 : i32
    %dma_wait3A_316 = tpu.memref_slice %arg4[%add3A_308, %dma_wait3A_315] : memref<65536x128xf32, #tpu.memory_space<hbm>> -> memref<128x128xf32, #tpu.memory_space<hbm>>
    tpu.wait_dma2 semaphore(%arg11 : memref<!tpu.dma_semaphore, #tpu.memory_space<semaphore_mem>>) src(%arg7 : memref<128x128xf32, #tpu.memory_space<vmem>>) dst(%dma_wait3A_316 : memref<128x128xf32, #tpu.memory_space<hbm>>)
    %dma_wait3A_317 = arith.constant 0 : i32
    %dma_wait3A_318 = tpu.memref_slice %arg4[%add3A_288, %dma_wait3A_317] : memref<65536x128xf32, #tpu.memory_space<hbm>> -> memref<128x128xf32, #tpu.memory_space<hbm>>
    %dma_wait3A_319 = arith.constant 0 : i32
    %dma_wait3A_320 = tpu.memref_slice %arg4[%add3A_288, %dma_wait3A_319] : memref<65536x128xf32, #tpu.memory_space<hbm>> -> memref<128x128xf32, #tpu.memory_space<hbm>>
    tpu.wait_dma2 semaphore(%arg10 : memref<!tpu.dma_semaphore, #tpu.memory_space<semaphore_mem>>) src(%arg6 : memref<128x128xf32, #tpu.memory_space<vmem>>) dst(%dma_wait3A_320 : memref<128x128xf32, #tpu.memory_space<hbm>>)
    return
  }
}

module attributes {stable_mosaic.version = 14 : i64} {
  func.func @_knn_body(%arg0: i32, %arg1: memref<1x1024x8xf32, #tpu.memory_space<vmem>>, %arg2: memref<1x8x1024xf32, #tpu.memory_space<vmem>>, %arg3: memref<1x16x1024xi32, #tpu.memory_space<vmem>>) attributes {dimension_semantics = [#tpu.dimension_semantics<arbitrary>], iteration_bounds = array<i64: 4>, scalar_prefetch = 0 : i64, scratch_operands = 0 : i64, tpu.core_type = #tpu.core_type<tc>, window_params = [{transform_indices = @transform_0, window_bounds = array<i64: 1, 1024, 8>}, {transform_indices = @transform_1, window_bounds = array<i64: 1, 8, 1024>}, {transform_indices = @transform_2, window_bounds = array<i64: 1, 16, 1024>}]} {
    %broadcast_in_dim3A = arith.constant 0.000000e+00 : f32
    %broadcast_in_dim3A_0 = vector.broadcast %broadcast_in_dim3A : f32 to vector<1024x1024xf32>
    %get3A = arith.constant 0 : index
    %get3A_1 = arith.constant 0 : index
    %get3A_2 = arith.constant 0 : index
    %get3A_3 = vector.load %arg1[%get3A, %get3A_1, %get3A_2] : memref<1x1024x8xf32, #tpu.memory_space<vmem>>, vector<1x1024x1xf32>
    %get3A_4 = vector.shape_cast %get3A_3 : vector<1x1024x1xf32> to vector<1024x1xf32>
    %get3A_5 = arith.constant 0 : index
    %get3A_6 = arith.constant 0 : index
    %get3A_7 = arith.constant 0 : index
    %get3A_8 = vector.load %arg2[%get3A_5, %get3A_6, %get3A_7] : memref<1x8x1024xf32, #tpu.memory_space<vmem>>, vector<1x1x1024xf32>
    %get3A_9 = vector.shape_cast %get3A_8 : vector<1x1x1024xf32> to vector<1x1024xf32>
    %sub3A = vector.broadcast %get3A_4 : vector<1024x1xf32> to vector<1024x1024xf32>
    %sub3A_10 = vector.broadcast %get3A_9 : vector<1x1024xf32> to vector<1024x1024xf32>
    %sub3A_11 = arith.subf %sub3A, %sub3A_10 : vector<1024x1024xf32>
    %mul3A = arith.mulf %sub3A_11, %sub3A_11 : vector<1024x1024xf32>
    %add3A = arith.addf %broadcast_in_dim3A_0, %mul3A : vector<1024x1024xf32>
    %get3A_12 = arith.constant 0 : index
    %get3A_13 = arith.constant 0 : index
    %get3A_14 = arith.constant 1 : index
    %get3A_15 = vector.load %arg1[%get3A_12, %get3A_13, %get3A_14] : memref<1x1024x8xf32, #tpu.memory_space<vmem>>, vector<1x1024x1xf32>
    %get3A_16 = vector.shape_cast %get3A_15 : vector<1x1024x1xf32> to vector<1024x1xf32>
    %get3A_17 = arith.constant 0 : index
    %get3A_18 = arith.constant 1 : index
    %get3A_19 = arith.constant 0 : index
    %get3A_20 = vector.load %arg2[%get3A_17, %get3A_18, %get3A_19] : memref<1x8x1024xf32, #tpu.memory_space<vmem>>, vector<1x1x1024xf32>
    %get3A_21 = vector.shape_cast %get3A_20 : vector<1x1x1024xf32> to vector<1x1024xf32>
    %sub3A_22 = vector.broadcast %get3A_16 : vector<1024x1xf32> to vector<1024x1024xf32>
    %sub3A_23 = vector.broadcast %get3A_21 : vector<1x1024xf32> to vector<1024x1024xf32>
    %sub3A_24 = arith.subf %sub3A_22, %sub3A_23 : vector<1024x1024xf32>
    %mul3A_25 = arith.mulf %sub3A_24, %sub3A_24 : vector<1024x1024xf32>
    %add3A_26 = arith.addf %add3A, %mul3A_25 : vector<1024x1024xf32>
    %get3A_27 = arith.constant 0 : index
    %get3A_28 = arith.constant 0 : index
    %get3A_29 = arith.constant 2 : index
    %get3A_30 = vector.load %arg1[%get3A_27, %get3A_28, %get3A_29] : memref<1x1024x8xf32, #tpu.memory_space<vmem>>, vector<1x1024x1xf32>
    %get3A_31 = vector.shape_cast %get3A_30 : vector<1x1024x1xf32> to vector<1024x1xf32>
    %get3A_32 = arith.constant 0 : index
    %get3A_33 = arith.constant 2 : index
    %get3A_34 = arith.constant 0 : index
    %get3A_35 = vector.load %arg2[%get3A_32, %get3A_33, %get3A_34] : memref<1x8x1024xf32, #tpu.memory_space<vmem>>, vector<1x1x1024xf32>
    %get3A_36 = vector.shape_cast %get3A_35 : vector<1x1x1024xf32> to vector<1x1024xf32>
    %sub3A_37 = vector.broadcast %get3A_31 : vector<1024x1xf32> to vector<1024x1024xf32>
    %sub3A_38 = vector.broadcast %get3A_36 : vector<1x1024xf32> to vector<1024x1024xf32>
    %sub3A_39 = arith.subf %sub3A_37, %sub3A_38 : vector<1024x1024xf32>
    %mul3A_40 = arith.mulf %sub3A_39, %sub3A_39 : vector<1024x1024xf32>
    %add3A_41 = arith.addf %add3A_26, %mul3A_40 : vector<1024x1024xf32>
    %iota3A = tpu.iota {dimensions = array<i32: 0>} : vector<1024x1024xi32>
    %iota3A_42 = tpu.iota {dimensions = array<i32: 1>} : vector<1024x1024xi32>
    %eq3A = arith.cmpi eq, %iota3A, %iota3A_42 : vector<1024x1024xi32>
    %add3A_43 = arith.constant 1.000000e+10 : f32
    %add3A_44 = vector.broadcast %add3A_43 : f32 to vector<1024x1024xf32>
    %add3A_45 = arith.addf %add3A_41, %add3A_44 : vector<1024x1024xf32>
    %select_n3A = arith.select %eq3A, %add3A_45, %add3A_41 : vector<1024x1024xi1>, vector<1024x1024xf32>
    %reduce_min3A = arith.constant dense<0x7F800000> : vector<1024xf32>
    %reduce_min3A_46 = vector.multi_reduction <minimumf>, %select_n3A, %reduce_min3A [0] : vector<1024x1024xf32> to vector<1024xf32>
    %broadcast_in_dim3A_47 = vector.shape_cast %reduce_min3A_46 : vector<1024xf32> to vector<1x1024xf32>
    %eq3A_48 = vector.broadcast %broadcast_in_dim3A_47 : vector<1x1024xf32> to vector<1024x1024xf32>
    %eq3A_49 = arith.cmpf oeq, %select_n3A, %eq3A_48 : vector<1024x1024xf32>
    %jit3A = arith.constant 1024 : i32
    %broadcast_in_dim3A_50 = vector.broadcast %jit3A : i32 to vector<1024x1024xi32>
    %select_n3A_51 = arith.select %eq3A_49, %iota3A, %broadcast_in_dim3A_50 : vector<1024x1024xi1>, vector<1024x1024xi32>
    %reduce_min3A_52 = arith.constant dense<2147483647> : vector<1024xi32>
    %reduce_min3A_53 = vector.multi_reduction <minsi>, %select_n3A_51, %reduce_min3A_52 [0] : vector<1024x1024xi32> to vector<1024xi32>
    %broadcast_in_dim3A_54 = vector.shape_cast %reduce_min3A_53 : vector<1024xi32> to vector<1x1024xi32>
    %eq3A_55 = vector.broadcast %broadcast_in_dim3A_54 : vector<1x1024xi32> to vector<1024x1024xi32>
    %eq3A_56 = arith.cmpi eq, %iota3A, %eq3A_55 : vector<1024x1024xi32>
    %jit3A_57 = arith.constant 1.000000e+30 : f32
    %broadcast_in_dim3A_58 = vector.broadcast %jit3A_57 : f32 to vector<1024x1024xf32>
    %select_n3A_59 = arith.select %eq3A_56, %broadcast_in_dim3A_58, %select_n3A : vector<1024x1024xi1>, vector<1024x1024xf32>
    %reduce_min3A_60 = arith.constant dense<0x7F800000> : vector<1024xf32>
    %reduce_min3A_61 = vector.multi_reduction <minimumf>, %select_n3A_59, %reduce_min3A_60 [0] : vector<1024x1024xf32> to vector<1024xf32>
    %broadcast_in_dim3A_62 = vector.shape_cast %reduce_min3A_61 : vector<1024xf32> to vector<1x1024xf32>
    %eq3A_63 = vector.broadcast %broadcast_in_dim3A_62 : vector<1x1024xf32> to vector<1024x1024xf32>
    %eq3A_64 = arith.cmpf oeq, %select_n3A_59, %eq3A_63 : vector<1024x1024xf32>
    %jit3A_65 = arith.constant 1024 : i32
    %broadcast_in_dim3A_66 = vector.broadcast %jit3A_65 : i32 to vector<1024x1024xi32>
    %select_n3A_67 = arith.select %eq3A_64, %iota3A, %broadcast_in_dim3A_66 : vector<1024x1024xi1>, vector<1024x1024xi32>
    %reduce_min3A_68 = arith.constant dense<2147483647> : vector<1024xi32>
    %reduce_min3A_69 = vector.multi_reduction <minsi>, %select_n3A_67, %reduce_min3A_68 [0] : vector<1024x1024xi32> to vector<1024xi32>
    %broadcast_in_dim3A_70 = vector.shape_cast %reduce_min3A_69 : vector<1024xi32> to vector<1x1024xi32>
    %eq3A_71 = vector.broadcast %broadcast_in_dim3A_70 : vector<1x1024xi32> to vector<1024x1024xi32>
    %eq3A_72 = arith.cmpi eq, %iota3A, %eq3A_71 : vector<1024x1024xi32>
    %jit3A_73 = arith.constant 1.000000e+30 : f32
    %broadcast_in_dim3A_74 = vector.broadcast %jit3A_73 : f32 to vector<1024x1024xf32>
    %select_n3A_75 = arith.select %eq3A_72, %broadcast_in_dim3A_74, %select_n3A_59 : vector<1024x1024xi1>, vector<1024x1024xf32>
    %reduce_min3A_76 = arith.constant dense<0x7F800000> : vector<1024xf32>
    %reduce_min3A_77 = vector.multi_reduction <minimumf>, %select_n3A_75, %reduce_min3A_76 [0] : vector<1024x1024xf32> to vector<1024xf32>
    %broadcast_in_dim3A_78 = vector.shape_cast %reduce_min3A_77 : vector<1024xf32> to vector<1x1024xf32>
    %eq3A_79 = vector.broadcast %broadcast_in_dim3A_78 : vector<1x1024xf32> to vector<1024x1024xf32>
    %eq3A_80 = arith.cmpf oeq, %select_n3A_75, %eq3A_79 : vector<1024x1024xf32>
    %jit3A_81 = arith.constant 1024 : i32
    %broadcast_in_dim3A_82 = vector.broadcast %jit3A_81 : i32 to vector<1024x1024xi32>
    %select_n3A_83 = arith.select %eq3A_80, %iota3A, %broadcast_in_dim3A_82 : vector<1024x1024xi1>, vector<1024x1024xi32>
    %reduce_min3A_84 = arith.constant dense<2147483647> : vector<1024xi32>
    %reduce_min3A_85 = vector.multi_reduction <minsi>, %select_n3A_83, %reduce_min3A_84 [0] : vector<1024x1024xi32> to vector<1024xi32>
    %broadcast_in_dim3A_86 = vector.shape_cast %reduce_min3A_85 : vector<1024xi32> to vector<1x1024xi32>
    %eq3A_87 = vector.broadcast %broadcast_in_dim3A_86 : vector<1x1024xi32> to vector<1024x1024xi32>
    %eq3A_88 = arith.cmpi eq, %iota3A, %eq3A_87 : vector<1024x1024xi32>
    %jit3A_89 = arith.constant 1.000000e+30 : f32
    %broadcast_in_dim3A_90 = vector.broadcast %jit3A_89 : f32 to vector<1024x1024xf32>
    %select_n3A_91 = arith.select %eq3A_88, %broadcast_in_dim3A_90, %select_n3A_75 : vector<1024x1024xi1>, vector<1024x1024xf32>
    %reduce_min3A_92 = arith.constant dense<0x7F800000> : vector<1024xf32>
    %reduce_min3A_93 = vector.multi_reduction <minimumf>, %select_n3A_91, %reduce_min3A_92 [0] : vector<1024x1024xf32> to vector<1024xf32>
    %broadcast_in_dim3A_94 = vector.shape_cast %reduce_min3A_93 : vector<1024xf32> to vector<1x1024xf32>
    %eq3A_95 = vector.broadcast %broadcast_in_dim3A_94 : vector<1x1024xf32> to vector<1024x1024xf32>
    %eq3A_96 = arith.cmpf oeq, %select_n3A_91, %eq3A_95 : vector<1024x1024xf32>
    %jit3A_97 = arith.constant 1024 : i32
    %broadcast_in_dim3A_98 = vector.broadcast %jit3A_97 : i32 to vector<1024x1024xi32>
    %select_n3A_99 = arith.select %eq3A_96, %iota3A, %broadcast_in_dim3A_98 : vector<1024x1024xi1>, vector<1024x1024xi32>
    %reduce_min3A_100 = arith.constant dense<2147483647> : vector<1024xi32>
    %reduce_min3A_101 = vector.multi_reduction <minsi>, %select_n3A_99, %reduce_min3A_100 [0] : vector<1024x1024xi32> to vector<1024xi32>
    %broadcast_in_dim3A_102 = vector.shape_cast %reduce_min3A_101 : vector<1024xi32> to vector<1x1024xi32>
    %eq3A_103 = vector.broadcast %broadcast_in_dim3A_102 : vector<1x1024xi32> to vector<1024x1024xi32>
    %eq3A_104 = arith.cmpi eq, %iota3A, %eq3A_103 : vector<1024x1024xi32>
    %jit3A_105 = arith.constant 1.000000e+30 : f32
    %broadcast_in_dim3A_106 = vector.broadcast %jit3A_105 : f32 to vector<1024x1024xf32>
    %select_n3A_107 = arith.select %eq3A_104, %broadcast_in_dim3A_106, %select_n3A_91 : vector<1024x1024xi1>, vector<1024x1024xf32>
    %reduce_min3A_108 = arith.constant dense<0x7F800000> : vector<1024xf32>
    %reduce_min3A_109 = vector.multi_reduction <minimumf>, %select_n3A_107, %reduce_min3A_108 [0] : vector<1024x1024xf32> to vector<1024xf32>
    %broadcast_in_dim3A_110 = vector.shape_cast %reduce_min3A_109 : vector<1024xf32> to vector<1x1024xf32>
    %eq3A_111 = vector.broadcast %broadcast_in_dim3A_110 : vector<1x1024xf32> to vector<1024x1024xf32>
    %eq3A_112 = arith.cmpf oeq, %select_n3A_107, %eq3A_111 : vector<1024x1024xf32>
    %jit3A_113 = arith.constant 1024 : i32
    %broadcast_in_dim3A_114 = vector.broadcast %jit3A_113 : i32 to vector<1024x1024xi32>
    %select_n3A_115 = arith.select %eq3A_112, %iota3A, %broadcast_in_dim3A_114 : vector<1024x1024xi1>, vector<1024x1024xi32>
    %reduce_min3A_116 = arith.constant dense<2147483647> : vector<1024xi32>
    %reduce_min3A_117 = vector.multi_reduction <minsi>, %select_n3A_115, %reduce_min3A_116 [0] : vector<1024x1024xi32> to vector<1024xi32>
    %broadcast_in_dim3A_118 = vector.shape_cast %reduce_min3A_117 : vector<1024xi32> to vector<1x1024xi32>
    %eq3A_119 = vector.broadcast %broadcast_in_dim3A_118 : vector<1x1024xi32> to vector<1024x1024xi32>
    %eq3A_120 = arith.cmpi eq, %iota3A, %eq3A_119 : vector<1024x1024xi32>
    %jit3A_121 = arith.constant 1.000000e+30 : f32
    %broadcast_in_dim3A_122 = vector.broadcast %jit3A_121 : f32 to vector<1024x1024xf32>
    %select_n3A_123 = arith.select %eq3A_120, %broadcast_in_dim3A_122, %select_n3A_107 : vector<1024x1024xi1>, vector<1024x1024xf32>
    %reduce_min3A_124 = arith.constant dense<0x7F800000> : vector<1024xf32>
    %reduce_min3A_125 = vector.multi_reduction <minimumf>, %select_n3A_123, %reduce_min3A_124 [0] : vector<1024x1024xf32> to vector<1024xf32>
    %broadcast_in_dim3A_126 = vector.shape_cast %reduce_min3A_125 : vector<1024xf32> to vector<1x1024xf32>
    %eq3A_127 = vector.broadcast %broadcast_in_dim3A_126 : vector<1x1024xf32> to vector<1024x1024xf32>
    %eq3A_128 = arith.cmpf oeq, %select_n3A_123, %eq3A_127 : vector<1024x1024xf32>
    %jit3A_129 = arith.constant 1024 : i32
    %broadcast_in_dim3A_130 = vector.broadcast %jit3A_129 : i32 to vector<1024x1024xi32>
    %select_n3A_131 = arith.select %eq3A_128, %iota3A, %broadcast_in_dim3A_130 : vector<1024x1024xi1>, vector<1024x1024xi32>
    %reduce_min3A_132 = arith.constant dense<2147483647> : vector<1024xi32>
    %reduce_min3A_133 = vector.multi_reduction <minsi>, %select_n3A_131, %reduce_min3A_132 [0] : vector<1024x1024xi32> to vector<1024xi32>
    %broadcast_in_dim3A_134 = vector.shape_cast %reduce_min3A_133 : vector<1024xi32> to vector<1x1024xi32>
    %eq3A_135 = vector.broadcast %broadcast_in_dim3A_134 : vector<1x1024xi32> to vector<1024x1024xi32>
    %eq3A_136 = arith.cmpi eq, %iota3A, %eq3A_135 : vector<1024x1024xi32>
    %jit3A_137 = arith.constant 1.000000e+30 : f32
    %broadcast_in_dim3A_138 = vector.broadcast %jit3A_137 : f32 to vector<1024x1024xf32>
    %select_n3A_139 = arith.select %eq3A_136, %broadcast_in_dim3A_138, %select_n3A_123 : vector<1024x1024xi1>, vector<1024x1024xf32>
    %reduce_min3A_140 = arith.constant dense<0x7F800000> : vector<1024xf32>
    %reduce_min3A_141 = vector.multi_reduction <minimumf>, %select_n3A_139, %reduce_min3A_140 [0] : vector<1024x1024xf32> to vector<1024xf32>
    %broadcast_in_dim3A_142 = vector.shape_cast %reduce_min3A_141 : vector<1024xf32> to vector<1x1024xf32>
    %eq3A_143 = vector.broadcast %broadcast_in_dim3A_142 : vector<1x1024xf32> to vector<1024x1024xf32>
    %eq3A_144 = arith.cmpf oeq, %select_n3A_139, %eq3A_143 : vector<1024x1024xf32>
    %jit3A_145 = arith.constant 1024 : i32
    %broadcast_in_dim3A_146 = vector.broadcast %jit3A_145 : i32 to vector<1024x1024xi32>
    %select_n3A_147 = arith.select %eq3A_144, %iota3A, %broadcast_in_dim3A_146 : vector<1024x1024xi1>, vector<1024x1024xi32>
    %reduce_min3A_148 = arith.constant dense<2147483647> : vector<1024xi32>
    %reduce_min3A_149 = vector.multi_reduction <minsi>, %select_n3A_147, %reduce_min3A_148 [0] : vector<1024x1024xi32> to vector<1024xi32>
    %broadcast_in_dim3A_150 = vector.shape_cast %reduce_min3A_149 : vector<1024xi32> to vector<1x1024xi32>
    %eq3A_151 = vector.broadcast %broadcast_in_dim3A_150 : vector<1x1024xi32> to vector<1024x1024xi32>
    %eq3A_152 = arith.cmpi eq, %iota3A, %eq3A_151 : vector<1024x1024xi32>
    %jit3A_153 = arith.constant 1.000000e+30 : f32
    %broadcast_in_dim3A_154 = vector.broadcast %jit3A_153 : f32 to vector<1024x1024xf32>
    %select_n3A_155 = arith.select %eq3A_152, %broadcast_in_dim3A_154, %select_n3A_139 : vector<1024x1024xi1>, vector<1024x1024xf32>
    %reduce_min3A_156 = arith.constant dense<0x7F800000> : vector<1024xf32>
    %reduce_min3A_157 = vector.multi_reduction <minimumf>, %select_n3A_155, %reduce_min3A_156 [0] : vector<1024x1024xf32> to vector<1024xf32>
    %broadcast_in_dim3A_158 = vector.shape_cast %reduce_min3A_157 : vector<1024xf32> to vector<1x1024xf32>
    %eq3A_159 = vector.broadcast %broadcast_in_dim3A_158 : vector<1x1024xf32> to vector<1024x1024xf32>
    %eq3A_160 = arith.cmpf oeq, %select_n3A_155, %eq3A_159 : vector<1024x1024xf32>
    %jit3A_161 = arith.constant 1024 : i32
    %broadcast_in_dim3A_162 = vector.broadcast %jit3A_161 : i32 to vector<1024x1024xi32>
    %select_n3A_163 = arith.select %eq3A_160, %iota3A, %broadcast_in_dim3A_162 : vector<1024x1024xi1>, vector<1024x1024xi32>
    %reduce_min3A_164 = arith.constant dense<2147483647> : vector<1024xi32>
    %reduce_min3A_165 = vector.multi_reduction <minsi>, %select_n3A_163, %reduce_min3A_164 [0] : vector<1024x1024xi32> to vector<1024xi32>
    %broadcast_in_dim3A_166 = vector.shape_cast %reduce_min3A_165 : vector<1024xi32> to vector<1x1024xi32>
    %eq3A_167 = vector.broadcast %broadcast_in_dim3A_166 : vector<1x1024xi32> to vector<1024x1024xi32>
    %eq3A_168 = arith.cmpi eq, %iota3A, %eq3A_167 : vector<1024x1024xi32>
    %jit3A_169 = arith.constant 1.000000e+30 : f32
    %broadcast_in_dim3A_170 = vector.broadcast %jit3A_169 : f32 to vector<1024x1024xf32>
    %select_n3A_171 = arith.select %eq3A_168, %broadcast_in_dim3A_170, %select_n3A_155 : vector<1024x1024xi1>, vector<1024x1024xf32>
    %reduce_min3A_172 = arith.constant dense<0x7F800000> : vector<1024xf32>
    %reduce_min3A_173 = vector.multi_reduction <minimumf>, %select_n3A_171, %reduce_min3A_172 [0] : vector<1024x1024xf32> to vector<1024xf32>
    %broadcast_in_dim3A_174 = vector.shape_cast %reduce_min3A_173 : vector<1024xf32> to vector<1x1024xf32>
    %eq3A_175 = vector.broadcast %broadcast_in_dim3A_174 : vector<1x1024xf32> to vector<1024x1024xf32>
    %eq3A_176 = arith.cmpf oeq, %select_n3A_171, %eq3A_175 : vector<1024x1024xf32>
    %jit3A_177 = arith.constant 1024 : i32
    %broadcast_in_dim3A_178 = vector.broadcast %jit3A_177 : i32 to vector<1024x1024xi32>
    %select_n3A_179 = arith.select %eq3A_176, %iota3A, %broadcast_in_dim3A_178 : vector<1024x1024xi1>, vector<1024x1024xi32>
    %reduce_min3A_180 = arith.constant dense<2147483647> : vector<1024xi32>
    %reduce_min3A_181 = vector.multi_reduction <minsi>, %select_n3A_179, %reduce_min3A_180 [0] : vector<1024x1024xi32> to vector<1024xi32>
    %broadcast_in_dim3A_182 = vector.shape_cast %reduce_min3A_181 : vector<1024xi32> to vector<1x1024xi32>
    %eq3A_183 = vector.broadcast %broadcast_in_dim3A_182 : vector<1x1024xi32> to vector<1024x1024xi32>
    %eq3A_184 = arith.cmpi eq, %iota3A, %eq3A_183 : vector<1024x1024xi32>
    %jit3A_185 = arith.constant 1.000000e+30 : f32
    %broadcast_in_dim3A_186 = vector.broadcast %jit3A_185 : f32 to vector<1024x1024xf32>
    %select_n3A_187 = arith.select %eq3A_184, %broadcast_in_dim3A_186, %select_n3A_171 : vector<1024x1024xi1>, vector<1024x1024xf32>
    %reduce_min3A_188 = arith.constant dense<0x7F800000> : vector<1024xf32>
    %reduce_min3A_189 = vector.multi_reduction <minimumf>, %select_n3A_187, %reduce_min3A_188 [0] : vector<1024x1024xf32> to vector<1024xf32>
    %broadcast_in_dim3A_190 = vector.shape_cast %reduce_min3A_189 : vector<1024xf32> to vector<1x1024xf32>
    %eq3A_191 = vector.broadcast %broadcast_in_dim3A_190 : vector<1x1024xf32> to vector<1024x1024xf32>
    %eq3A_192 = arith.cmpf oeq, %select_n3A_187, %eq3A_191 : vector<1024x1024xf32>
    %jit3A_193 = arith.constant 1024 : i32
    %broadcast_in_dim3A_194 = vector.broadcast %jit3A_193 : i32 to vector<1024x1024xi32>
    %select_n3A_195 = arith.select %eq3A_192, %iota3A, %broadcast_in_dim3A_194 : vector<1024x1024xi1>, vector<1024x1024xi32>
    %reduce_min3A_196 = arith.constant dense<2147483647> : vector<1024xi32>
    %reduce_min3A_197 = vector.multi_reduction <minsi>, %select_n3A_195, %reduce_min3A_196 [0] : vector<1024x1024xi32> to vector<1024xi32>
    %broadcast_in_dim3A_198 = vector.shape_cast %reduce_min3A_197 : vector<1024xi32> to vector<1x1024xi32>
    %eq3A_199 = vector.broadcast %broadcast_in_dim3A_198 : vector<1x1024xi32> to vector<1024x1024xi32>
    %eq3A_200 = arith.cmpi eq, %iota3A, %eq3A_199 : vector<1024x1024xi32>
    %jit3A_201 = arith.constant 1.000000e+30 : f32
    %broadcast_in_dim3A_202 = vector.broadcast %jit3A_201 : f32 to vector<1024x1024xf32>
    %select_n3A_203 = arith.select %eq3A_200, %broadcast_in_dim3A_202, %select_n3A_187 : vector<1024x1024xi1>, vector<1024x1024xf32>
    %reduce_min3A_204 = arith.constant dense<0x7F800000> : vector<1024xf32>
    %reduce_min3A_205 = vector.multi_reduction <minimumf>, %select_n3A_203, %reduce_min3A_204 [0] : vector<1024x1024xf32> to vector<1024xf32>
    %broadcast_in_dim3A_206 = vector.shape_cast %reduce_min3A_205 : vector<1024xf32> to vector<1x1024xf32>
    %eq3A_207 = vector.broadcast %broadcast_in_dim3A_206 : vector<1x1024xf32> to vector<1024x1024xf32>
    %eq3A_208 = arith.cmpf oeq, %select_n3A_203, %eq3A_207 : vector<1024x1024xf32>
    %jit3A_209 = arith.constant 1024 : i32
    %broadcast_in_dim3A_210 = vector.broadcast %jit3A_209 : i32 to vector<1024x1024xi32>
    %select_n3A_211 = arith.select %eq3A_208, %iota3A, %broadcast_in_dim3A_210 : vector<1024x1024xi1>, vector<1024x1024xi32>
    %reduce_min3A_212 = arith.constant dense<2147483647> : vector<1024xi32>
    %reduce_min3A_213 = vector.multi_reduction <minsi>, %select_n3A_211, %reduce_min3A_212 [0] : vector<1024x1024xi32> to vector<1024xi32>
    %broadcast_in_dim3A_214 = vector.shape_cast %reduce_min3A_213 : vector<1024xi32> to vector<1x1024xi32>
    %eq3A_215 = vector.broadcast %broadcast_in_dim3A_214 : vector<1x1024xi32> to vector<1024x1024xi32>
    %eq3A_216 = arith.cmpi eq, %iota3A, %eq3A_215 : vector<1024x1024xi32>
    %jit3A_217 = arith.constant 1.000000e+30 : f32
    %broadcast_in_dim3A_218 = vector.broadcast %jit3A_217 : f32 to vector<1024x1024xf32>
    %select_n3A_219 = arith.select %eq3A_216, %broadcast_in_dim3A_218, %select_n3A_203 : vector<1024x1024xi1>, vector<1024x1024xf32>
    %reduce_min3A_220 = arith.constant dense<0x7F800000> : vector<1024xf32>
    %reduce_min3A_221 = vector.multi_reduction <minimumf>, %select_n3A_219, %reduce_min3A_220 [0] : vector<1024x1024xf32> to vector<1024xf32>
    %broadcast_in_dim3A_222 = vector.shape_cast %reduce_min3A_221 : vector<1024xf32> to vector<1x1024xf32>
    %eq3A_223 = vector.broadcast %broadcast_in_dim3A_222 : vector<1x1024xf32> to vector<1024x1024xf32>
    %eq3A_224 = arith.cmpf oeq, %select_n3A_219, %eq3A_223 : vector<1024x1024xf32>
    %jit3A_225 = arith.constant 1024 : i32
    %broadcast_in_dim3A_226 = vector.broadcast %jit3A_225 : i32 to vector<1024x1024xi32>
    %select_n3A_227 = arith.select %eq3A_224, %iota3A, %broadcast_in_dim3A_226 : vector<1024x1024xi1>, vector<1024x1024xi32>
    %reduce_min3A_228 = arith.constant dense<2147483647> : vector<1024xi32>
    %reduce_min3A_229 = vector.multi_reduction <minsi>, %select_n3A_227, %reduce_min3A_228 [0] : vector<1024x1024xi32> to vector<1024xi32>
    %broadcast_in_dim3A_230 = vector.shape_cast %reduce_min3A_229 : vector<1024xi32> to vector<1x1024xi32>
    %eq3A_231 = vector.broadcast %broadcast_in_dim3A_230 : vector<1x1024xi32> to vector<1024x1024xi32>
    %eq3A_232 = arith.cmpi eq, %iota3A, %eq3A_231 : vector<1024x1024xi32>
    %jit3A_233 = arith.constant 1.000000e+30 : f32
    %broadcast_in_dim3A_234 = vector.broadcast %jit3A_233 : f32 to vector<1024x1024xf32>
    %select_n3A_235 = arith.select %eq3A_232, %broadcast_in_dim3A_234, %select_n3A_219 : vector<1024x1024xi1>, vector<1024x1024xf32>
    %reduce_min3A_236 = arith.constant dense<0x7F800000> : vector<1024xf32>
    %reduce_min3A_237 = vector.multi_reduction <minimumf>, %select_n3A_235, %reduce_min3A_236 [0] : vector<1024x1024xf32> to vector<1024xf32>
    %broadcast_in_dim3A_238 = vector.shape_cast %reduce_min3A_237 : vector<1024xf32> to vector<1x1024xf32>
    %eq3A_239 = vector.broadcast %broadcast_in_dim3A_238 : vector<1x1024xf32> to vector<1024x1024xf32>
    %eq3A_240 = arith.cmpf oeq, %select_n3A_235, %eq3A_239 : vector<1024x1024xf32>
    %jit3A_241 = arith.constant 1024 : i32
    %broadcast_in_dim3A_242 = vector.broadcast %jit3A_241 : i32 to vector<1024x1024xi32>
    %select_n3A_243 = arith.select %eq3A_240, %iota3A, %broadcast_in_dim3A_242 : vector<1024x1024xi1>, vector<1024x1024xi32>
    %reduce_min3A_244 = arith.constant dense<2147483647> : vector<1024xi32>
    %reduce_min3A_245 = vector.multi_reduction <minsi>, %select_n3A_243, %reduce_min3A_244 [0] : vector<1024x1024xi32> to vector<1024xi32>
    %broadcast_in_dim3A_246 = vector.shape_cast %reduce_min3A_245 : vector<1024xi32> to vector<1x1024xi32>
    %eq3A_247 = vector.broadcast %broadcast_in_dim3A_246 : vector<1x1024xi32> to vector<1024x1024xi32>
    %eq3A_248 = arith.cmpi eq, %iota3A, %eq3A_247 : vector<1024x1024xi32>
    %jit3A_249 = arith.constant 1.000000e+30 : f32
    %broadcast_in_dim3A_250 = vector.broadcast %jit3A_249 : f32 to vector<1024x1024xf32>
    %select_n3A_251 = arith.select %eq3A_248, %broadcast_in_dim3A_250, %select_n3A_235 : vector<1024x1024xi1>, vector<1024x1024xf32>
    %reduce_min3A_252 = arith.constant dense<0x7F800000> : vector<1024xf32>
    %reduce_min3A_253 = vector.multi_reduction <minimumf>, %select_n3A_251, %reduce_min3A_252 [0] : vector<1024x1024xf32> to vector<1024xf32>
    %broadcast_in_dim3A_254 = vector.shape_cast %reduce_min3A_253 : vector<1024xf32> to vector<1x1024xf32>
    %eq3A_255 = vector.broadcast %broadcast_in_dim3A_254 : vector<1x1024xf32> to vector<1024x1024xf32>
    %eq3A_256 = arith.cmpf oeq, %select_n3A_251, %eq3A_255 : vector<1024x1024xf32>
    %jit3A_257 = arith.constant 1024 : i32
    %broadcast_in_dim3A_258 = vector.broadcast %jit3A_257 : i32 to vector<1024x1024xi32>
    %select_n3A_259 = arith.select %eq3A_256, %iota3A, %broadcast_in_dim3A_258 : vector<1024x1024xi1>, vector<1024x1024xi32>
    %reduce_min3A_260 = arith.constant dense<2147483647> : vector<1024xi32>
    %reduce_min3A_261 = vector.multi_reduction <minsi>, %select_n3A_259, %reduce_min3A_260 [0] : vector<1024x1024xi32> to vector<1024xi32>
    %broadcast_in_dim3A_262 = vector.shape_cast %reduce_min3A_261 : vector<1024xi32> to vector<1x1024xi32>
    %eq3A_263 = vector.broadcast %broadcast_in_dim3A_262 : vector<1x1024xi32> to vector<1024x1024xi32>
    %eq3A_264 = arith.cmpi eq, %iota3A, %eq3A_263 : vector<1024x1024xi32>
    %jit3A_265 = arith.constant 1.000000e+30 : f32
    %broadcast_in_dim3A_266 = vector.broadcast %jit3A_265 : f32 to vector<1024x1024xf32>
    %select_n3A_267 = arith.select %eq3A_264, %broadcast_in_dim3A_266, %select_n3A_251 : vector<1024x1024xi1>, vector<1024x1024xf32>
    %reduce_min3A_268 = arith.constant dense<0x7F800000> : vector<1024xf32>
    %reduce_min3A_269 = vector.multi_reduction <minimumf>, %select_n3A_267, %reduce_min3A_268 [0] : vector<1024x1024xf32> to vector<1024xf32>
    %broadcast_in_dim3A_270 = vector.shape_cast %reduce_min3A_269 : vector<1024xf32> to vector<1x1024xf32>
    %eq3A_271 = vector.broadcast %broadcast_in_dim3A_270 : vector<1x1024xf32> to vector<1024x1024xf32>
    %eq3A_272 = arith.cmpf oeq, %select_n3A_267, %eq3A_271 : vector<1024x1024xf32>
    %jit3A_273 = arith.constant 1024 : i32
    %broadcast_in_dim3A_274 = vector.broadcast %jit3A_273 : i32 to vector<1024x1024xi32>
    %select_n3A_275 = arith.select %eq3A_272, %iota3A, %broadcast_in_dim3A_274 : vector<1024x1024xi1>, vector<1024x1024xi32>
    %reduce_min3A_276 = arith.constant dense<2147483647> : vector<1024xi32>
    %reduce_min3A_277 = vector.multi_reduction <minsi>, %select_n3A_275, %reduce_min3A_276 [0] : vector<1024x1024xi32> to vector<1024xi32>
    %broadcast_in_dim3A_278 = vector.shape_cast %reduce_min3A_277 : vector<1024xi32> to vector<1x1024xi32>
    %eq3A_279 = vector.broadcast %broadcast_in_dim3A_278 : vector<1x1024xi32> to vector<1024x1024xi32>
    %eq3A_280 = arith.cmpi eq, %iota3A, %eq3A_279 : vector<1024x1024xi32>
    %jit3A_281 = arith.constant 1.000000e+30 : f32
    %broadcast_in_dim3A_282 = vector.broadcast %jit3A_281 : f32 to vector<1024x1024xf32>
    %select_n3A_283 = arith.select %eq3A_280, %broadcast_in_dim3A_282, %select_n3A_267 : vector<1024x1024xi1>, vector<1024x1024xf32>
    %reduce_min3A_284 = arith.constant dense<0x7F800000> : vector<1024xf32>
    %reduce_min3A_285 = vector.multi_reduction <minimumf>, %select_n3A_283, %reduce_min3A_284 [0] : vector<1024x1024xf32> to vector<1024xf32>
    %broadcast_in_dim3A_286 = vector.shape_cast %reduce_min3A_285 : vector<1024xf32> to vector<1x1024xf32>
    %eq3A_287 = vector.broadcast %broadcast_in_dim3A_286 : vector<1x1024xf32> to vector<1024x1024xf32>
    %eq3A_288 = arith.cmpf oeq, %select_n3A_283, %eq3A_287 : vector<1024x1024xf32>
    %jit3A_289 = arith.constant 1024 : i32
    %broadcast_in_dim3A_290 = vector.broadcast %jit3A_289 : i32 to vector<1024x1024xi32>
    %select_n3A_291 = arith.select %eq3A_288, %iota3A, %broadcast_in_dim3A_290 : vector<1024x1024xi1>, vector<1024x1024xi32>
    %reduce_min3A_292 = arith.constant dense<2147483647> : vector<1024xi32>
    %reduce_min3A_293 = vector.multi_reduction <minsi>, %select_n3A_291, %reduce_min3A_292 [0] : vector<1024x1024xi32> to vector<1024xi32>
    %broadcast_in_dim3A_294 = vector.shape_cast %reduce_min3A_293 : vector<1024xi32> to vector<1x1024xi32>
    %concatenate3A = tpu.concatenate %broadcast_in_dim3A_54, %broadcast_in_dim3A_70, %broadcast_in_dim3A_86, %broadcast_in_dim3A_102, %broadcast_in_dim3A_118, %broadcast_in_dim3A_134, %broadcast_in_dim3A_150, %broadcast_in_dim3A_166, %broadcast_in_dim3A_182, %broadcast_in_dim3A_198, %broadcast_in_dim3A_214, %broadcast_in_dim3A_230, %broadcast_in_dim3A_246, %broadcast_in_dim3A_262, %broadcast_in_dim3A_278, %broadcast_in_dim3A_294 in 0 : vector<1x1024xi32>, vector<1x1024xi32>, vector<1x1024xi32>, vector<1x1024xi32>, vector<1x1024xi32>, vector<1x1024xi32>, vector<1x1024xi32>, vector<1x1024xi32>, vector<1x1024xi32>, vector<1x1024xi32>, vector<1x1024xi32>, vector<1x1024xi32>, vector<1x1024xi32>, vector<1x1024xi32>, vector<1x1024xi32>, vector<1x1024xi32> -> vector<16x1024xi32>
    %mul3A_295 = arith.constant 1024 : i32
    %mul3A_296 = arith.muli %arg0, %mul3A_295 : i32
    %add3A_297 = vector.broadcast %mul3A_296 : i32 to vector<16x1024xi32>
    %add3A_298 = arith.addi %concatenate3A, %add3A_297 : vector<16x1024xi32>
    %swap3A = arith.constant 0 : index
    %swap3A_299 = arith.constant 0 : index
    %swap3A_300 = arith.constant 0 : index
    %swap3A_301 = vector.load %arg3[%swap3A, %swap3A_299, %swap3A_300] : memref<1x16x1024xi32, #tpu.memory_space<vmem>>, vector<1x16x1024xi32>
    %swap3A_302 = vector.shape_cast %swap3A_301 : vector<1x16x1024xi32> to vector<16x1024xi32>
    %swap3A_303 = vector.shape_cast %add3A_298 : vector<16x1024xi32> to vector<1x16x1024xi32>
    tpu.vector_store %arg3[%swap3A, %swap3A_299, %swap3A_300], %swap3A_303 {strides = array<i32>} : memref<1x16x1024xi32, #tpu.memory_space<vmem>>, vector<1x16x1024xi32>,
    return
  }
  func.func @transform_0(%arg0: i32) -> (i32, i32, i32) {
    %c0_i32 = arith.constant 0 : i32
    %c0_i32_0 = arith.constant 0 : i32
    %c0_i32_1 = arith.constant 0 : i32
    return %arg0, %c0_i32, %c0_i32_0 : i32, i32, i32
  }
  func.func @transform_1(%arg0: i32) -> (i32, i32, i32) {
    %c0_i32 = arith.constant 0 : i32
    %c0_i32_0 = arith.constant 0 : i32
    %c0_i32_1 = arith.constant 0 : i32
    return %arg0, %c0_i32, %c0_i32_0 : i32, i32, i32
  }
  func.func @transform_2(%arg0: i32) -> (i32, i32, i32) {
    %c0_i32 = arith.constant 0 : i32
    %c0_i32_0 = arith.constant 0 : i32
    %c0_i32_1 = arith.constant 0 : i32
    return %arg0, %c0_i32, %c0_i32_0 : i32, i32, i32
  }
}

module attributes {stable_mosaic.version = 14 : i64} {
  func.func @_msg_body(%arg0: i32, %arg1: memref<1x512x128xf32, #tpu.memory_space<vmem>>, %arg2: memref<1x16x512x128xf32, #tpu.memory_space<vmem>>, %arg3: memref<128x128xf32, #tpu.memory_space<vmem>>, %arg4: memref<128x128xf32, #tpu.memory_space<vmem>>, %arg5: memref<128x128xf32, #tpu.memory_space<vmem>>, %arg6: memref<128x128xf32, #tpu.memory_space<vmem>>, %arg7: memref<1x128xf32, #tpu.memory_space<vmem>>, %arg8: memref<1x128xf32, #tpu.memory_space<vmem>>, %arg9: memref<1x512x128xf32, #tpu.memory_space<vmem>>) attributes {dimension_semantics = [#tpu.dimension_semantics<arbitrary>], iteration_bounds = array<i64: 8>, scalar_prefetch = 0 : i64, scratch_operands = 0 : i64, tpu.core_type = #tpu.core_type<tc>, window_params = [{transform_indices = @transform_0, window_bounds = array<i64: 1, 512, 128>}, {transform_indices = @transform_1, window_bounds = array<i64: 1, 16, 512, 128>}, {pipeline_mode = #tpu.pipeline_mode<synchronous>, transform_indices = @transform_2, window_bounds = array<i64: 128, 128>}, {pipeline_mode = #tpu.pipeline_mode<synchronous>, transform_indices = @transform_3, window_bounds = array<i64: 128, 128>}, {pipeline_mode = #tpu.pipeline_mode<synchronous>, transform_indices = @transform_4, window_bounds = array<i64: 128, 128>}, {pipeline_mode = #tpu.pipeline_mode<synchronous>, transform_indices = @transform_5, window_bounds = array<i64: 128, 128>}, {pipeline_mode = #tpu.pipeline_mode<synchronous>, transform_indices = @transform_6, window_bounds = array<i64: 1, 128>}, {pipeline_mode = #tpu.pipeline_mode<synchronous>, transform_indices = @transform_7, window_bounds = array<i64: 1, 128>}, {transform_indices = @transform_8, window_bounds = array<i64: 1, 512, 128>}]} {
    %get3A = arith.constant 0 : index
    %get3A_0 = arith.constant 0 : index
    %get3A_1 = arith.constant 0 : index
    %get3A_2 = vector.load %arg1[%get3A, %get3A_0, %get3A_1] : memref<1x512x128xf32, #tpu.memory_space<vmem>>, vector<1x512x128xf32>
    %get3A_3 = vector.shape_cast %get3A_2 : vector<1x512x128xf32> to vector<512x128xf32>
    %get3A_4 = arith.constant 0 : index
    %get3A_5 = arith.constant 0 : index
    %get3A_6 = arith.constant 0 : index
    %get3A_7 = arith.constant 0 : index
    %get3A_8 = vector.load %arg2[%get3A_4, %get3A_5, %get3A_6, %get3A_7] : memref<1x16x512x128xf32, #tpu.memory_space<vmem>>, vector<1x16x512x128xf32>
    %get3A_9 = vector.shape_cast %get3A_8 : vector<1x16x512x128xf32> to vector<16x512x128xf32>
    %reshape3A = vector.shape_cast %get3A_9 : vector<16x512x128xf32> to vector<8192x128xf32>
    %get3A_10 = arith.constant 0 : index
    %get3A_11 = arith.constant 0 : index
    %get3A_12 = vector.load %arg3[%get3A_10, %get3A_11] : memref<128x128xf32, #tpu.memory_space<vmem>>, vector<128x128xf32>
    %dot_general3A = arith.constant dense<0.000000e+00> : vector<512x128xf32>
    %dot_general3A_13 = tpu.matmul %get3A_3, %get3A_12, %dot_general3A {dimension_numbers = #tpu.dot_dimension_numbers<[1], [0], [0], [1], [0, 0, 1, 1], [], []>, transpose_lhs_hint = false} : vector<512x128xf32>, vector<128x128xf32>, vector<512x128xf32> -> vector<512x128xf32>
    %get3A_14 = arith.constant 0 : index
    %get3A_15 = arith.constant 0 : index
    %get3A_16 = vector.load %arg7[%get3A_14, %get3A_15] : memref<1x128xf32, #tpu.memory_space<vmem>>, vector<1x128xf32>
    %add3A = vector.broadcast %get3A_16 : vector<1x128xf32> to vector<512x128xf32>
    %add3A_17 = arith.addf %dot_general3A_13, %add3A : vector<512x128xf32>
    %get3A_18 = arith.constant 0 : index
    %get3A_19 = arith.constant 0 : index
    %get3A_20 = vector.load %arg5[%get3A_18, %get3A_19] : memref<128x128xf32, #tpu.memory_space<vmem>>, vector<128x128xf32>
    %dot_general3A_21 = arith.constant dense<0.000000e+00> : vector<512x128xf32>
    %dot_general3A_22 = tpu.matmul %get3A_3, %get3A_20, %dot_general3A_21 {dimension_numbers = #tpu.dot_dimension_numbers<[1], [0], [0], [1], [0, 0, 1, 1], [], []>, transpose_lhs_hint = false} : vector<512x128xf32>, vector<128x128xf32>, vector<512x128xf32> -> vector<512x128xf32>
    %get3A_23 = arith.constant 0 : index
    %get3A_24 = arith.constant 0 : index
    %get3A_25 = vector.load %arg8[%get3A_23, %get3A_24] : memref<1x128xf32, #tpu.memory_space<vmem>>, vector<1x128xf32>
    %add3A_26 = vector.broadcast %get3A_25 : vector<1x128xf32> to vector<512x128xf32>
    %add3A_27 = arith.addf %dot_general3A_22, %add3A_26 : vector<512x128xf32>
    %get3A_28 = arith.constant 0 : index
    %get3A_29 = arith.constant 0 : index
    %get3A_30 = vector.load %arg4[%get3A_28, %get3A_29] : memref<128x128xf32, #tpu.memory_space<vmem>>, vector<128x128xf32>
    %dot_general3A_31 = arith.constant dense<0.000000e+00> : vector<8192x128xf32>
    %dot_general3A_32 = tpu.matmul %reshape3A, %get3A_30, %dot_general3A_31 {dimension_numbers = #tpu.dot_dimension_numbers<[1], [0], [0], [1], [0, 0, 1, 1], [], []>, transpose_lhs_hint = false} : vector<8192x128xf32>, vector<128x128xf32>, vector<8192x128xf32> -> vector<8192x128xf32>
    %get3A_33 = arith.constant 0 : index
    %get3A_34 = arith.constant 0 : index
    %get3A_35 = vector.load %arg6[%get3A_33, %get3A_34] : memref<128x128xf32, #tpu.memory_space<vmem>>, vector<128x128xf32>
    %dot_general3A_36 = arith.constant dense<0.000000e+00> : vector<8192x128xf32>
    %dot_general3A_37 = tpu.matmul %reshape3A, %get3A_35, %dot_general3A_36 {dimension_numbers = #tpu.dot_dimension_numbers<[1], [0], [0], [1], [0, 0, 1, 1], [], []>, transpose_lhs_hint = false} : vector<8192x128xf32>, vector<128x128xf32>, vector<8192x128xf32> -> vector<8192x128xf32>
    %reshape3A_38 = vector.shape_cast %dot_general3A_32 : vector<8192x128xf32> to vector<16x512x128xf32>
    %reshape3A_39 = vector.shape_cast %add3A_17 : vector<512x128xf32> to vector<1x512x128xf32>
    %add3A_40 = vector.broadcast %reshape3A_39 : vector<1x512x128xf32> to vector<16x512x128xf32>
    %add3A_41 = arith.addf %reshape3A_38, %add3A_40 : vector<16x512x128xf32>
    %reshape3A_42 = vector.shape_cast %dot_general3A_37 : vector<8192x128xf32> to vector<16x512x128xf32>
    %reshape3A_43 = vector.shape_cast %add3A_27 : vector<512x128xf32> to vector<1x512x128xf32>
    %add3A_44 = vector.broadcast %reshape3A_43 : vector<1x512x128xf32> to vector<16x512x128xf32>
    %add3A_45 = arith.addf %reshape3A_42, %add3A_44 : vector<16x512x128xf32>
    %neg3A = arith.constant 0.000000e+00 : f32
    %neg3A_46 = vector.broadcast %neg3A : f32 to vector<16x512x128xf32>
    %neg3A_47 = arith.subf %neg3A_46, %add3A_41 : vector<16x512x128xf32>
    %exp3A = math.exp %neg3A_47 : vector<16x512x128xf32>
    %add3A_48 = arith.constant 1.000000e+00 : f32
    %add3A_49 = vector.broadcast %add3A_48 : f32 to vector<16x512x128xf32>
    %add3A_50 = arith.addf %add3A_49, %exp3A : vector<16x512x128xf32>
    %div3A = arith.constant 1.000000e+00 : f32
    %div3A_51 = vector.broadcast %div3A : f32 to vector<16x512x128xf32>
    %div3A_52 = arith.divf %div3A_51, %add3A_50 : vector<16x512x128xf32>
    %max3A = arith.constant 0.000000e+00 : f32
    %max3A_53 = vector.broadcast %max3A : f32 to vector<16x512x128xf32>
    %max3A_54 = arith.maximumf %add3A_45, %max3A_53 : vector<16x512x128xf32>
    %abs3A = math.absf %add3A_45 : vector<16x512x128xf32>
    %neg3A_55 = arith.constant 0.000000e+00 : f32
    %neg3A_56 = vector.broadcast %neg3A_55 : f32 to vector<16x512x128xf32>
    %neg3A_57 = arith.subf %neg3A_56, %abs3A : vector<16x512x128xf32>
    %exp3A_58 = math.exp %neg3A_57 : vector<16x512x128xf32>
    %log1p3A = math.log1p %exp3A_58 : vector<16x512x128xf32>
    %add3A_59 = arith.addf %max3A_54, %log1p3A : vector<16x512x128xf32>
    %mul3A = arith.mulf %div3A_52, %add3A_59 : vector<16x512x128xf32>
    %reduce_max3A = arith.constant dense<0xFF800000> : vector<512x128xf32>
    %reduce_max3A_60 = vector.multi_reduction <maximumf>, %mul3A, %reduce_max3A [0] : vector<16x512x128xf32> to vector<512x128xf32>
    %swap3A = arith.constant 0 : index
    %swap3A_61 = arith.constant 0 : index
    %swap3A_62 = arith.constant 0 : index
    %swap3A_63 = vector.load %arg9[%swap3A, %swap3A_61, %swap3A_62] : memref<1x512x128xf32, #tpu.memory_space<vmem>>, vector<1x512x128xf32>
    %swap3A_64 = vector.shape_cast %swap3A_63 : vector<1x512x128xf32> to vector<512x128xf32>
    %swap3A_65 = vector.shape_cast %reduce_max3A_60 : vector<512x128xf32> to vector<1x512x128xf32>
    tpu.vector_store %arg9[%swap3A, %swap3A_61, %swap3A_62], %swap3A_65 {strides = array<i32>} : memref<1x512x128xf32, #tpu.memory_space<vmem>>, vector<1x512x128xf32>,
    return
  }
  func.func @transform_0(%arg0: i32) -> (i32, i32, i32) {
    %c0_i32 = arith.constant 0 : i32
    %c0_i32_0 = arith.constant 0 : i32
    %c0_i32_1 = arith.constant 0 : i32
    return %arg0, %c0_i32, %c0_i32_0 : i32, i32, i32
  }
  func.func @transform_1(%arg0: i32) -> (i32, i32, i32, i32) {
    %jit3A = arith.constant 2 : i32
    %div3A = arith.divsi %arg0, %jit3A : i32
    %sign3A = arith.constant 0 : i32
    %sign3A_0 = arith.cmpi sgt, %arg0, %sign3A : i32
    %sign3A_1 = arith.extui %sign3A_0 : i1 to i32
    %sign3A_2 = arith.constant 0 : i32
    %sign3A_3 = arith.cmpi slt, %arg0, %sign3A_2 : i32
    %sign3A_4 = arith.extui %sign3A_3 : i1 to i32
    %sign3A_5 = arith.subi %sign3A_1, %sign3A_4 : i32
    %sign3A_6 = arith.constant 0 : i32
    %sign3A_7 = arith.cmpi sgt, %jit3A, %sign3A_6 : i32
    %sign3A_8 = arith.extui %sign3A_7 : i1 to i32
    %sign3A_9 = arith.constant 0 : i32
    %sign3A_10 = arith.cmpi slt, %jit3A, %sign3A_9 : i32
    %sign3A_11 = arith.extui %sign3A_10 : i1 to i32
    %sign3A_12 = arith.subi %sign3A_8, %sign3A_11 : i32
    %ne3A = arith.cmpi ne, %sign3A_5, %sign3A_12 : i32
    %rem3A = arith.remsi %arg0, %jit3A : i32
    %ne3A_13 = arith.constant 0 : i32
    %ne3A_14 = arith.cmpi ne, %rem3A, %ne3A_13 : i32
    %and3A = arith.andi %ne3A, %ne3A_14 : i1
    %sub3A = arith.constant 1 : i32
    %sub3A_15 = arith.subi %div3A, %sub3A : i32
    %select_n3A = arith.select %and3A, %sub3A_15, %div3A : i32
    %jit3A_16 = arith.constant 2 : i32
    %eq3A = arith.constant 0 : i32
    %eq3A_17 = arith.cmpi eq, %jit3A_16, %eq3A : i32
    %jit3A_18 = arith.constant 1 : i32
    %select_n3A_19 = arith.select %eq3A_17, %jit3A_18, %jit3A_16 : i32
    %rem3A_20 = arith.remsi %arg0, %select_n3A_19 : i32
    %ne3A_21 = arith.constant 0 : i32
    %ne3A_22 = arith.cmpi ne, %rem3A_20, %ne3A_21 : i32
    %lt3A = arith.constant 0 : i32
    %lt3A_23 = arith.cmpi slt, %rem3A_20, %lt3A : i32
    %lt3A_24 = arith.constant 0 : i32
    %lt3A_25 = arith.cmpi slt, %select_n3A_19, %lt3A_24 : i32
    %ne3A_26 = arith.xori %lt3A_23, %lt3A_25 : i1
    %and3A_27 = arith.andi %ne3A_26, %ne3A_22 : i1
    %add3A = arith.addi %rem3A_20, %select_n3A_19 : i32
    %select_n3A_28 = arith.select %and3A_27, %add3A, %rem3A_20 : i32
    %c0_i32 = arith.constant 0 : i32
    %c0_i32_29 = arith.constant 0 : i32
    %c0_i32_30 = arith.constant 0 : i32
    return %select_n3A, %c0_i32, %select_n3A_28, %c0_i32_29 : i32, i32, i32, i32
  }
  func.func @transform_2(%arg0: i32) -> (i32, i32) {
    %c0_i32 = arith.constant 0 : i32
    %c0_i32_0 = arith.constant 0 : i32
    %c0_i32_1 = arith.constant 0 : i32
    return %c0_i32, %c0_i32_0 : i32, i32
  }
  func.func @transform_3(%arg0: i32) -> (i32, i32) {
    %c0_i32 = arith.constant 0 : i32
    %c0_i32_0 = arith.constant 0 : i32
    %c0_i32_1 = arith.constant 0 : i32
    return %c0_i32, %c0_i32_0 : i32, i32
  }
  func.func @transform_4(%arg0: i32) -> (i32, i32) {
    %c0_i32 = arith.constant 0 : i32
    %c0_i32_0 = arith.constant 0 : i32
    %c0_i32_1 = arith.constant 0 : i32
    return %c0_i32, %c0_i32_0 : i32, i32
  }
  func.func @transform_5(%arg0: i32) -> (i32, i32) {
    %c0_i32 = arith.constant 0 : i32
    %c0_i32_0 = arith.constant 0 : i32
    %c0_i32_1 = arith.constant 0 : i32
    return %c0_i32, %c0_i32_0 : i32, i32
  }
  func.func @transform_6(%arg0: i32) -> (i32, i32) {
    %c0_i32 = arith.constant 0 : i32
    %c0_i32_0 = arith.constant 0 : i32
    %c0_i32_1 = arith.constant 0 : i32
    return %c0_i32, %c0_i32_0 : i32, i32
  }
  func.func @transform_7(%arg0: i32) -> (i32, i32) {
    %c0_i32 = arith.constant 0 : i32
    %c0_i32_0 = arith.constant 0 : i32
    %c0_i32_1 = arith.constant 0 : i32
    return %c0_i32, %c0_i32_0 : i32, i32
  }
  func.func @transform_8(%arg0: i32) -> (i32, i32, i32) {
    %c0_i32 = arith.constant 0 : i32
    %c0_i32_0 = arith.constant 0 : i32
    %c0_i32_1 = arith.constant 0 : i32
    return %arg0, %c0_i32, %c0_i32_0 : i32, i32, i32
  }
}

module attributes {stable_mosaic.version = 14 : i64} {
  func.func @_cross_body(%arg0: i32, %arg1: memref<4096x128xf32, #tpu.memory_space<vmem>>, %arg2: memref<1x1024x128xf32, #tpu.memory_space<vmem>>, %arg3: memref<1x1024x128xf32, #tpu.memory_space<vmem>>, %arg4: memref<4096x128xf32, #tpu.memory_space<vmem>>, %arg5: memref<1x1024x128xf32, #tpu.memory_space<vmem>>, %arg6: memref<1x1024x128xf32, #tpu.memory_space<vmem>>, %arg7: memref<1x128xf32, #tpu.memory_space<vmem>>, %arg8: memref<1x128xf32, #tpu.memory_space<vmem>>, %arg9: memref<5x256x64xf32, #tpu.memory_space<vmem>>, %arg10: memref<5x1x64xf32, #tpu.memory_space<vmem>>, %arg11: memref<5x64x128xf32, #tpu.memory_space<vmem>>, %arg12: memref<5x1x128xf32, #tpu.memory_space<vmem>>, %arg13: memref<1x1024x128xf32, #tpu.memory_space<vmem>>, %arg14: memref<1x1024x128xf32, #tpu.memory_space<vmem>>) attributes {dimension_semantics = [#tpu.dimension_semantics<arbitrary>], iteration_bounds = array<i64: 4>, scalar_prefetch = 0 : i64, scratch_operands = 0 : i64, tpu.core_type = #tpu.core_type<tc>, window_params = [{pipeline_mode = #tpu.pipeline_mode<synchronous>, transform_indices = @transform_0, window_bounds = array<i64: 4096, 128>}, {transform_indices = @transform_1, window_bounds = array<i64: 1, 1024, 128>}, {transform_indices = @transform_2, window_bounds = array<i64: 1, 1024, 128>}, {pipeline_mode = #tpu.pipeline_mode<synchronous>, transform_indices = @transform_3, window_bounds = array<i64: 4096, 128>}, {transform_indices = @transform_4, window_bounds = array<i64: 1, 1024, 128>}, {transform_indices = @transform_5, window_bounds = array<i64: 1, 1024, 128>}, {pipeline_mode = #tpu.pipeline_mode<synchronous>, transform_indices = @transform_6, window_bounds = array<i64: 1, 128>}, {pipeline_mode = #tpu.pipeline_mode<synchronous>, transform_indices = @transform_7, window_bounds = array<i64: 1, 128>}, {pipeline_mode = #tpu.pipeline_mode<synchronous>, transform_indices = @transform_8, window_bounds = array<i64: 5, 256, 64>}, {pipeline_mode = #tpu.pipeline_mode<synchronous>, transform_indices = @transform_9, window_bounds = array<i64: 5, 1, 64>}, {pipeline_mode = #tpu.pipeline_mode<synchronous>, transform_indices = @transform_10, window_bounds = array<i64: 5, 64, 128>}, {pipeline_mode = #tpu.pipeline_mode<synchronous>, transform_indices = @transform_11, window_bounds = array<i64: 5, 1, 128>}, {transform_indices = @transform_12, window_bounds = array<i64: 1, 1024, 128>}, {transform_indices = @transform_13, window_bounds = array<i64: 1, 1024, 128>}]} {
    %get3A = arith.constant 0 : index
    %get3A_0 = arith.constant 0 : index
    %get3A_1 = vector.load %arg1[%get3A, %get3A_0] : memref<4096x128xf32, #tpu.memory_space<vmem>>, vector<4096x128xf32>
    %reduce_sum3A = arith.constant dense<0.000000e+00> : vector<128xf32>
    %reduce_sum3A_2 = vector.multi_reduction <add>, %get3A_1, %reduce_sum3A [0] : vector<4096x128xf32> to vector<128xf32>
    %broadcast_in_dim3A = vector.shape_cast %reduce_sum3A_2 : vector<128xf32> to vector<1x128xf32>
    %div3A = arith.constant 4.096000e+03 : f32
    %div3A_3 = vector.broadcast %div3A : f32 to vector<1x128xf32>
    %div3A_4 = arith.divf %broadcast_in_dim3A, %div3A_3 : vector<1x128xf32>
    %sub3A = vector.broadcast %div3A_4 : vector<1x128xf32> to vector<4096x128xf32>
    %sub3A_5 = arith.subf %get3A_1, %sub3A : vector<4096x128xf32>
    %integer_pow3A = arith.mulf %sub3A_5, %sub3A_5 : vector<4096x128xf32>
    %reduce_sum3A_6 = arith.constant dense<0.000000e+00> : vector<128xf32>
    %reduce_sum3A_7 = vector.multi_reduction <add>, %integer_pow3A, %reduce_sum3A_6 [0] : vector<4096x128xf32> to vector<128xf32>
    %broadcast_in_dim3A_8 = vector.shape_cast %reduce_sum3A_7 : vector<128xf32> to vector<1x128xf32>
    %div3A_9 = arith.constant 4.096000e+03 : f32
    %div3A_10 = vector.broadcast %div3A_9 : f32 to vector<1x128xf32>
    %div3A_11 = arith.divf %broadcast_in_dim3A_8, %div3A_10 : vector<1x128xf32>
    %get3A_12 = arith.constant 0 : index
    %get3A_13 = arith.constant 0 : index
    %get3A_14 = arith.constant 0 : index
    %get3A_15 = vector.load %arg2[%get3A_12, %get3A_13, %get3A_14] : memref<1x1024x128xf32, #tpu.memory_space<vmem>>, vector<1x1024x128xf32>
    %get3A_16 = vector.shape_cast %get3A_15 : vector<1x1024x128xf32> to vector<1024x128xf32>
    %sub3A_17 = vector.broadcast %div3A_4 : vector<1x128xf32> to vector<1024x128xf32>
    %sub3A_18 = arith.subf %get3A_16, %sub3A_17 : vector<1024x128xf32>
    %add3A = arith.constant 9.99999974E-6 : f32
    %add3A_19 = vector.broadcast %add3A : f32 to vector<1x128xf32>
    %add3A_20 = arith.addf %div3A_11, %add3A_19 : vector<1x128xf32>
    %sqrt3A = math.sqrt %add3A_20 : vector<1x128xf32>
    %div3A_21 = vector.broadcast %sqrt3A : vector<1x128xf32> to vector<1024x128xf32>
    %div3A_22 = arith.divf %sub3A_18, %div3A_21 : vector<1024x128xf32>
    %get3A_23 = arith.constant 0 : index
    %get3A_24 = arith.constant 0 : index
    %get3A_25 = vector.load %arg7[%get3A_23, %get3A_24] : memref<1x128xf32, #tpu.memory_space<vmem>>, vector<1x128xf32>
    %mul3A = vector.broadcast %get3A_25 : vector<1x128xf32> to vector<1024x128xf32>
    %mul3A_26 = arith.mulf %div3A_22, %mul3A : vector<1024x128xf32>
    %get3A_27 = arith.constant 0 : index
    %get3A_28 = arith.constant 0 : index
    %get3A_29 = vector.load %arg8[%get3A_27, %get3A_28] : memref<1x128xf32, #tpu.memory_space<vmem>>, vector<1x128xf32>
    %add3A_30 = vector.broadcast %get3A_29 : vector<1x128xf32> to vector<1024x128xf32>
    %add3A_31 = arith.addf %mul3A_26, %add3A_30 : vector<1024x128xf32>
    %get3A_32 = arith.constant 0 : index
    %get3A_33 = arith.constant 0 : index
    %get3A_34 = arith.constant 0 : index
    %get3A_35 = vector.load %arg3[%get3A_32, %get3A_33, %get3A_34] : memref<1x1024x128xf32, #tpu.memory_space<vmem>>, vector<1x1024x128xf32>
    %get3A_36 = vector.shape_cast %get3A_35 : vector<1x1024x128xf32> to vector<1024x128xf32>
    %add3A_37 = arith.addf %get3A_36, %add3A_31 : vector<1024x128xf32>
    %get3A_38 = arith.constant 0 : index
    %get3A_39 = arith.constant 0 : index
    %get3A_40 = vector.load %arg4[%get3A_38, %get3A_39] : memref<4096x128xf32, #tpu.memory_space<vmem>>, vector<4096x128xf32>
    %reduce_sum3A_41 = arith.constant dense<0.000000e+00> : vector<128xf32>
    %reduce_sum3A_42 = vector.multi_reduction <add>, %get3A_40, %reduce_sum3A_41 [0] : vector<4096x128xf32> to vector<128xf32>
    %broadcast_in_dim3A_43 = vector.shape_cast %reduce_sum3A_42 : vector<128xf32> to vector<1x128xf32>
    %div3A_44 = arith.constant 4.096000e+03 : f32
    %div3A_45 = vector.broadcast %div3A_44 : f32 to vector<1x128xf32>
    %div3A_46 = arith.divf %broadcast_in_dim3A_43, %div3A_45 : vector<1x128xf32>
    %sub3A_47 = vector.broadcast %div3A_46 : vector<1x128xf32> to vector<4096x128xf32>
    %sub3A_48 = arith.subf %get3A_40, %sub3A_47 : vector<4096x128xf32>
    %integer_pow3A_49 = arith.mulf %sub3A_48, %sub3A_48 : vector<4096x128xf32>
    %reduce_sum3A_50 = arith.constant dense<0.000000e+00> : vector<128xf32>
    %reduce_sum3A_51 = vector.multi_reduction <add>, %integer_pow3A_49, %reduce_sum3A_50 [0] : vector<4096x128xf32> to vector<128xf32>
    %broadcast_in_dim3A_52 = vector.shape_cast %reduce_sum3A_51 : vector<128xf32> to vector<1x128xf32>
    %div3A_53 = arith.constant 4.096000e+03 : f32
    %div3A_54 = vector.broadcast %div3A_53 : f32 to vector<1x128xf32>
    %div3A_55 = arith.divf %broadcast_in_dim3A_52, %div3A_54 : vector<1x128xf32>
    %get3A_56 = arith.constant 0 : index
    %get3A_57 = arith.constant 0 : index
    %get3A_58 = arith.constant 0 : index
    %get3A_59 = vector.load %arg5[%get3A_56, %get3A_57, %get3A_58] : memref<1x1024x128xf32, #tpu.memory_space<vmem>>, vector<1x1024x128xf32>
    %get3A_60 = vector.shape_cast %get3A_59 : vector<1x1024x128xf32> to vector<1024x128xf32>
    %sub3A_61 = vector.broadcast %div3A_46 : vector<1x128xf32> to vector<1024x128xf32>
    %sub3A_62 = arith.subf %get3A_60, %sub3A_61 : vector<1024x128xf32>
    %add3A_63 = arith.constant 9.99999974E-6 : f32
    %add3A_64 = vector.broadcast %add3A_63 : f32 to vector<1x128xf32>
    %add3A_65 = arith.addf %div3A_55, %add3A_64 : vector<1x128xf32>
    %sqrt3A_66 = math.sqrt %add3A_65 : vector<1x128xf32>
    %div3A_67 = vector.broadcast %sqrt3A_66 : vector<1x128xf32> to vector<1024x128xf32>
    %div3A_68 = arith.divf %sub3A_62, %div3A_67 : vector<1024x128xf32>
    %get3A_69 = arith.constant 0 : index
    %get3A_70 = arith.constant 0 : index
    %get3A_71 = vector.load %arg7[%get3A_69, %get3A_70] : memref<1x128xf32, #tpu.memory_space<vmem>>, vector<1x128xf32>
    %mul3A_72 = vector.broadcast %get3A_71 : vector<1x128xf32> to vector<1024x128xf32>
    %mul3A_73 = arith.mulf %div3A_68, %mul3A_72 : vector<1024x128xf32>
    %get3A_74 = arith.constant 0 : index
    %get3A_75 = arith.constant 0 : index
    %get3A_76 = vector.load %arg8[%get3A_74, %get3A_75] : memref<1x128xf32, #tpu.memory_space<vmem>>, vector<1x128xf32>
    %add3A_77 = vector.broadcast %get3A_76 : vector<1x128xf32> to vector<1024x128xf32>
    %add3A_78 = arith.addf %mul3A_73, %add3A_77 : vector<1024x128xf32>
    %get3A_79 = arith.constant 0 : index
    %get3A_80 = arith.constant 0 : index
    %get3A_81 = arith.constant 0 : index
    %get3A_82 = vector.load %arg6[%get3A_79, %get3A_80, %get3A_81] : memref<1x1024x128xf32, #tpu.memory_space<vmem>>, vector<1x1024x128xf32>
    %get3A_83 = vector.shape_cast %get3A_82 : vector<1x1024x128xf32> to vector<1024x128xf32>
    %add3A_84 = arith.addf %get3A_83, %add3A_78 : vector<1024x128xf32>
    %get3A_85 = arith.constant 0 : index
    %get3A_86 = arith.constant 0 : index
    %get3A_87 = arith.constant 0 : index
    %get3A_88 = vector.load %arg9[%get3A_85, %get3A_86, %get3A_87] : memref<5x256x64xf32, #tpu.memory_space<vmem>>, vector<1x128x64xf32>
    %get3A_89 = vector.shape_cast %get3A_88 : vector<1x128x64xf32> to vector<128x64xf32>
    %get3A_90 = arith.constant 0 : index
    %get3A_91 = arith.constant 128 : index
    %get3A_92 = arith.constant 0 : index
    %get3A_93 = vector.load %arg9[%get3A_90, %get3A_91, %get3A_92] : memref<5x256x64xf32, #tpu.memory_space<vmem>>, vector<1x128x64xf32>
    %get3A_94 = vector.shape_cast %get3A_93 : vector<1x128x64xf32> to vector<128x64xf32>
    %get3A_95 = arith.constant 0 : index
    %get3A_96 = arith.constant 0 : index
    %get3A_97 = arith.constant 0 : index
    %get3A_98 = vector.load %arg10[%get3A_95, %get3A_96, %get3A_97] : memref<5x1x64xf32, #tpu.memory_space<vmem>>, vector<1x1x64xf32>
    %get3A_99 = vector.shape_cast %get3A_98 : vector<1x1x64xf32> to vector<1x64xf32>
    %get3A_100 = arith.constant 0 : index
    %get3A_101 = arith.constant 0 : index
    %get3A_102 = arith.constant 0 : index
    %get3A_103 = vector.load %arg11[%get3A_100, %get3A_101, %get3A_102] : memref<5x64x128xf32, #tpu.memory_space<vmem>>, vector<1x64x128xf32>
    %get3A_104 = vector.shape_cast %get3A_103 : vector<1x64x128xf32> to vector<64x128xf32>
    %get3A_105 = arith.constant 0 : index
    %get3A_106 = arith.constant 0 : index
    %get3A_107 = arith.constant 0 : index
    %get3A_108 = vector.load %arg12[%get3A_105, %get3A_106, %get3A_107] : memref<5x1x128xf32, #tpu.memory_space<vmem>>, vector<1x1x128xf32>
    %get3A_109 = vector.shape_cast %get3A_108 : vector<1x1x128xf32> to vector<1x128xf32>
    %dot_general3A = arith.constant dense<0.000000e+00> : vector<1024x1024xf32>
    %dot_general3A_110 = tpu.matmul %add3A_37, %add3A_84, %dot_general3A {dimension_numbers = #tpu.dot_dimension_numbers<[1], [1], [0], [0], [0, 0, 1, 0], [], []>, transpose_lhs_hint = false} : vector<1024x128xf32>, vector<1024x128xf32>, vector<1024x1024xf32> -> vector<1024x1024xf32>
    %reduce_max3A = arith.constant dense<0xFF800000> : vector<1024xf32>
    %reduce_max3A_111 = vector.multi_reduction <maximumf>, %dot_general3A_110, %reduce_max3A [1] : vector<1024x1024xf32> to vector<1024xf32>
    %broadcast_in_dim3A_112 = vector.shape_cast %reduce_max3A_111 : vector<1024xf32> to vector<1024x1xf32>
    %sub3A_113 = vector.broadcast %broadcast_in_dim3A_112 : vector<1024x1xf32> to vector<1024x1024xf32>
    %sub3A_114 = arith.subf %dot_general3A_110, %sub3A_113 : vector<1024x1024xf32>
    %exp3A = math.exp %sub3A_114 : vector<1024x1024xf32>
    %reduce_sum3A_115 = arith.constant dense<0.000000e+00> : vector<1024xf32>
    %reduce_sum3A_116 = vector.multi_reduction <add>, %exp3A, %reduce_sum3A_115 [1] : vector<1024x1024xf32> to vector<1024xf32>
    %broadcast_in_dim3A_117 = vector.shape_cast %reduce_sum3A_116 : vector<1024xf32> to vector<1024x1xf32>
    %div3A_118 = vector.broadcast %broadcast_in_dim3A_117 : vector<1024x1xf32> to vector<1024x1024xf32>
    %div3A_119 = arith.divf %exp3A, %div3A_118 : vector<1024x1024xf32>
    %reduce_max3A_120 = arith.constant dense<0xFF800000> : vector<1024xf32>
    %reduce_max3A_121 = vector.multi_reduction <maximumf>, %dot_general3A_110, %reduce_max3A_120 [0] : vector<1024x1024xf32> to vector<1024xf32>
    %broadcast_in_dim3A_122 = vector.shape_cast %reduce_max3A_121 : vector<1024xf32> to vector<1x1024xf32>
    %sub3A_123 = vector.broadcast %broadcast_in_dim3A_122 : vector<1x1024xf32> to vector<1024x1024xf32>
    %sub3A_124 = arith.subf %dot_general3A_110, %sub3A_123 : vector<1024x1024xf32>
    %exp3A_125 = math.exp %sub3A_124 : vector<1024x1024xf32>
    %reduce_sum3A_126 = arith.constant dense<0.000000e+00> : vector<1024xf32>
    %reduce_sum3A_127 = vector.multi_reduction <add>, %exp3A_125, %reduce_sum3A_126 [0] : vector<1024x1024xf32> to vector<1024xf32>
    %broadcast_in_dim3A_128 = vector.shape_cast %reduce_sum3A_127 : vector<1024xf32> to vector<1x1024xf32>
    %div3A_129 = vector.broadcast %broadcast_in_dim3A_128 : vector<1x1024xf32> to vector<1024x1024xf32>
    %div3A_130 = arith.divf %exp3A_125, %div3A_129 : vector<1024x1024xf32>
    %dot_general3A_131 = arith.constant dense<0.000000e+00> : vector<1024x128xf32>
    %dot_general3A_132 = tpu.matmul %div3A_119, %add3A_84, %dot_general3A_131 {dimension_numbers = #tpu.dot_dimension_numbers<[1], [0], [0], [1], [0, 0, 1, 1], [], []>, transpose_lhs_hint = false} : vector<1024x1024xf32>, vector<1024x128xf32>, vector<1024x128xf32> -> vector<1024x128xf32>
    %dot_general3A_133 = arith.constant dense<0.000000e+00> : vector<1024x128xf32>
    %dot_general3A_134 = tpu.matmul %div3A_130, %add3A_37, %dot_general3A_133 {dimension_numbers = #tpu.dot_dimension_numbers<[0], [0], [1], [1], [0, 1, 1, 1], [], []>, transpose_lhs_hint = false} : vector<1024x1024xf32>, vector<1024x128xf32>, vector<1024x128xf32> -> vector<1024x128xf32>
    %sub3A_135 = arith.subf %add3A_37, %dot_general3A_132 : vector<1024x128xf32>
    %sub3A_136 = arith.subf %add3A_84, %dot_general3A_134 : vector<1024x128xf32>
    %dot_general3A_137 = arith.constant dense<0.000000e+00> : vector<1024x64xf32>
    %dot_general3A_138 = tpu.matmul %add3A_37, %get3A_89, %dot_general3A_137 {dimension_numbers = #tpu.dot_dimension_numbers<[1], [0], [0], [1], [0, 0, 1, 1], [], []>, transpose_lhs_hint = false} : vector<1024x128xf32>, vector<128x64xf32>, vector<1024x64xf32> -> vector<1024x64xf32>
    %dot_general3A_139 = arith.constant dense<0.000000e+00> : vector<1024x64xf32>
    %dot_general3A_140 = tpu.matmul %sub3A_135, %get3A_94, %dot_general3A_139 {dimension_numbers = #tpu.dot_dimension_numbers<[1], [0], [0], [1], [0, 0, 1, 1], [], []>, transpose_lhs_hint = false} : vector<1024x128xf32>, vector<128x64xf32>, vector<1024x64xf32> -> vector<1024x64xf32>
    %add3A_141 = arith.addf %dot_general3A_138, %dot_general3A_140 : vector<1024x64xf32>
    %add3A_142 = vector.broadcast %get3A_99 : vector<1x64xf32> to vector<1024x64xf32>
    %add3A_143 = arith.addf %add3A_141, %add3A_142 : vector<1024x64xf32>
    %max3A = arith.constant 0.000000e+00 : f32
    %max3A_144 = vector.broadcast %max3A : f32 to vector<1024x64xf32>
    %max3A_145 = arith.maximumf %add3A_143, %max3A_144 : vector<1024x64xf32>
    %dot_general3A_146 = arith.constant dense<0.000000e+00> : vector<1024x64xf32>
    %dot_general3A_147 = tpu.matmul %add3A_84, %get3A_89, %dot_general3A_146 {dimension_numbers = #tpu.dot_dimension_numbers<[1], [0], [0], [1], [0, 0, 1, 1], [], []>, transpose_lhs_hint = false} : vector<1024x128xf32>, vector<128x64xf32>, vector<1024x64xf32> -> vector<1024x64xf32>
    %dot_general3A_148 = arith.constant dense<0.000000e+00> : vector<1024x64xf32>
    %dot_general3A_149 = tpu.matmul %sub3A_136, %get3A_94, %dot_general3A_148 {dimension_numbers = #tpu.dot_dimension_numbers<[1], [0], [0], [1], [0, 0, 1, 1], [], []>, transpose_lhs_hint = false} : vector<1024x128xf32>, vector<128x64xf32>, vector<1024x64xf32> -> vector<1024x64xf32>
    %add3A_150 = arith.addf %dot_general3A_147, %dot_general3A_149 : vector<1024x64xf32>
    %add3A_151 = vector.broadcast %get3A_99 : vector<1x64xf32> to vector<1024x64xf32>
    %add3A_152 = arith.addf %add3A_150, %add3A_151 : vector<1024x64xf32>
    %max3A_153 = arith.constant 0.000000e+00 : f32
    %max3A_154 = vector.broadcast %max3A_153 : f32 to vector<1024x64xf32>
    %max3A_155 = arith.maximumf %add3A_152, %max3A_154 : vector<1024x64xf32>
    %dot_general3A_156 = arith.constant dense<0.000000e+00> : vector<1024x128xf32>
    %dot_general3A_157 = tpu.matmul %max3A_145, %get3A_104, %dot_general3A_156 {dimension_numbers = #tpu.dot_dimension_numbers<[1], [0], [0], [1], [0, 0, 1, 1], [], []>, transpose_lhs_hint = false} : vector<1024x64xf32>, vector<64x128xf32>, vector<1024x128xf32> -> vector<1024x128xf32>
    %add3A_158 = arith.addf %add3A_37, %dot_general3A_157 : vector<1024x128xf32>
    %add3A_159 = vector.broadcast %get3A_109 : vector<1x128xf32> to vector<1024x128xf32>
    %add3A_160 = arith.addf %add3A_158, %add3A_159 : vector<1024x128xf32>
    %dot_general3A_161 = arith.constant dense<0.000000e+00> : vector<1024x128xf32>
    %dot_general3A_162 = tpu.matmul %max3A_155, %get3A_104, %dot_general3A_161 {dimension_numbers = #tpu.dot_dimension_numbers<[1], [0], [0], [1], [0, 0, 1, 1], [], []>, transpose_lhs_hint = false} : vector<1024x64xf32>, vector<64x128xf32>, vector<1024x128xf32> -> vector<1024x128xf32>
    %add3A_163 = arith.addf %add3A_84, %dot_general3A_162 : vector<1024x128xf32>
    %add3A_164 = vector.broadcast %get3A_109 : vector<1x128xf32> to vector<1024x128xf32>
    %add3A_165 = arith.addf %add3A_163, %add3A_164 : vector<1024x128xf32>
    %get3A_166 = arith.constant 1 : index
    %get3A_167 = arith.constant 0 : index
    %get3A_168 = arith.constant 0 : index
    %get3A_169 = vector.load %arg9[%get3A_166, %get3A_167, %get3A_168] : memref<5x256x64xf32, #tpu.memory_space<vmem>>, vector<1x128x64xf32>
    %get3A_170 = vector.shape_cast %get3A_169 : vector<1x128x64xf32> to vector<128x64xf32>
    %get3A_171 = arith.constant 1 : index
    %get3A_172 = arith.constant 128 : index
    %get3A_173 = arith.constant 0 : index
    %get3A_174 = vector.load %arg9[%get3A_171, %get3A_172, %get3A_173] : memref<5x256x64xf32, #tpu.memory_space<vmem>>, vector<1x128x64xf32>
    %get3A_175 = vector.shape_cast %get3A_174 : vector<1x128x64xf32> to vector<128x64xf32>
    %get3A_176 = arith.constant 1 : index
    %get3A_177 = arith.constant 0 : index
    %get3A_178 = arith.constant 0 : index
    %get3A_179 = vector.load %arg10[%get3A_176, %get3A_177, %get3A_178] : memref<5x1x64xf32, #tpu.memory_space<vmem>>, vector<1x1x64xf32>
    %get3A_180 = vector.shape_cast %get3A_179 : vector<1x1x64xf32> to vector<1x64xf32>
    %get3A_181 = arith.constant 1 : index
    %get3A_182 = arith.constant 0 : index
    %get3A_183 = arith.constant 0 : index
    %get3A_184 = vector.load %arg11[%get3A_181, %get3A_182, %get3A_183] : memref<5x64x128xf32, #tpu.memory_space<vmem>>, vector<1x64x128xf32>
    %get3A_185 = vector.shape_cast %get3A_184 : vector<1x64x128xf32> to vector<64x128xf32>
    %get3A_186 = arith.constant 1 : index
    %get3A_187 = arith.constant 0 : index
    %get3A_188 = arith.constant 0 : index
    %get3A_189 = vector.load %arg12[%get3A_186, %get3A_187, %get3A_188] : memref<5x1x128xf32, #tpu.memory_space<vmem>>, vector<1x1x128xf32>
    %get3A_190 = vector.shape_cast %get3A_189 : vector<1x1x128xf32> to vector<1x128xf32>
    %dot_general3A_191 = arith.constant dense<0.000000e+00> : vector<1024x1024xf32>
    %dot_general3A_192 = tpu.matmul %add3A_160, %add3A_165, %dot_general3A_191 {dimension_numbers = #tpu.dot_dimension_numbers<[1], [1], [0], [0], [0, 0, 1, 0], [], []>, transpose_lhs_hint = false} : vector<1024x128xf32>, vector<1024x128xf32>, vector<1024x1024xf32> -> vector<1024x1024xf32>
    %reduce_max3A_193 = arith.constant dense<0xFF800000> : vector<1024xf32>
    %reduce_max3A_194 = vector.multi_reduction <maximumf>, %dot_general3A_192, %reduce_max3A_193 [1] : vector<1024x1024xf32> to vector<1024xf32>
    %broadcast_in_dim3A_195 = vector.shape_cast %reduce_max3A_194 : vector<1024xf32> to vector<1024x1xf32>
    %sub3A_196 = vector.broadcast %broadcast_in_dim3A_195 : vector<1024x1xf32> to vector<1024x1024xf32>
    %sub3A_197 = arith.subf %dot_general3A_192, %sub3A_196 : vector<1024x1024xf32>
    %exp3A_198 = math.exp %sub3A_197 : vector<1024x1024xf32>
    %reduce_sum3A_199 = arith.constant dense<0.000000e+00> : vector<1024xf32>
    %reduce_sum3A_200 = vector.multi_reduction <add>, %exp3A_198, %reduce_sum3A_199 [1] : vector<1024x1024xf32> to vector<1024xf32>
    %broadcast_in_dim3A_201 = vector.shape_cast %reduce_sum3A_200 : vector<1024xf32> to vector<1024x1xf32>
    %div3A_202 = vector.broadcast %broadcast_in_dim3A_201 : vector<1024x1xf32> to vector<1024x1024xf32>
    %div3A_203 = arith.divf %exp3A_198, %div3A_202 : vector<1024x1024xf32>
    %reduce_max3A_204 = arith.constant dense<0xFF800000> : vector<1024xf32>
    %reduce_max3A_205 = vector.multi_reduction <maximumf>, %dot_general3A_192, %reduce_max3A_204 [0] : vector<1024x1024xf32> to vector<1024xf32>
    %broadcast_in_dim3A_206 = vector.shape_cast %reduce_max3A_205 : vector<1024xf32> to vector<1x1024xf32>
    %sub3A_207 = vector.broadcast %broadcast_in_dim3A_206 : vector<1x1024xf32> to vector<1024x1024xf32>
    %sub3A_208 = arith.subf %dot_general3A_192, %sub3A_207 : vector<1024x1024xf32>
    %exp3A_209 = math.exp %sub3A_208 : vector<1024x1024xf32>
    %reduce_sum3A_210 = arith.constant dense<0.000000e+00> : vector<1024xf32>
    %reduce_sum3A_211 = vector.multi_reduction <add>, %exp3A_209, %reduce_sum3A_210 [0] : vector<1024x1024xf32> to vector<1024xf32>
    %broadcast_in_dim3A_212 = vector.shape_cast %reduce_sum3A_211 : vector<1024xf32> to vector<1x1024xf32>
    %div3A_213 = vector.broadcast %broadcast_in_dim3A_212 : vector<1x1024xf32> to vector<1024x1024xf32>
    %div3A_214 = arith.divf %exp3A_209, %div3A_213 : vector<1024x1024xf32>
    %dot_general3A_215 = arith.constant dense<0.000000e+00> : vector<1024x128xf32>
    %dot_general3A_216 = tpu.matmul %div3A_203, %add3A_165, %dot_general3A_215 {dimension_numbers = #tpu.dot_dimension_numbers<[1], [0], [0], [1], [0, 0, 1, 1], [], []>, transpose_lhs_hint = false} : vector<1024x1024xf32>, vector<1024x128xf32>, vector<1024x128xf32> -> vector<1024x128xf32>
    %dot_general3A_217 = arith.constant dense<0.000000e+00> : vector<1024x128xf32>
    %dot_general3A_218 = tpu.matmul %div3A_214, %add3A_160, %dot_general3A_217 {dimension_numbers = #tpu.dot_dimension_numbers<[0], [0], [1], [1], [0, 1, 1, 1], [], []>, transpose_lhs_hint = false} : vector<1024x1024xf32>, vector<1024x128xf32>, vector<1024x128xf32> -> vector<1024x128xf32>
    %sub3A_219 = arith.subf %add3A_160, %dot_general3A_216 : vector<1024x128xf32>
    %sub3A_220 = arith.subf %add3A_165, %dot_general3A_218 : vector<1024x128xf32>
    %dot_general3A_221 = arith.constant dense<0.000000e+00> : vector<1024x64xf32>
    %dot_general3A_222 = tpu.matmul %add3A_160, %get3A_170, %dot_general3A_221 {dimension_numbers = #tpu.dot_dimension_numbers<[1], [0], [0], [1], [0, 0, 1, 1], [], []>, transpose_lhs_hint = false} : vector<1024x128xf32>, vector<128x64xf32>, vector<1024x64xf32> -> vector<1024x64xf32>
    %dot_general3A_223 = arith.constant dense<0.000000e+00> : vector<1024x64xf32>
    %dot_general3A_224 = tpu.matmul %sub3A_219, %get3A_175, %dot_general3A_223 {dimension_numbers = #tpu.dot_dimension_numbers<[1], [0], [0], [1], [0, 0, 1, 1], [], []>, transpose_lhs_hint = false} : vector<1024x128xf32>, vector<128x64xf32>, vector<1024x64xf32> -> vector<1024x64xf32>
    %add3A_225 = arith.addf %dot_general3A_222, %dot_general3A_224 : vector<1024x64xf32>
    %add3A_226 = vector.broadcast %get3A_180 : vector<1x64xf32> to vector<1024x64xf32>
    %add3A_227 = arith.addf %add3A_225, %add3A_226 : vector<1024x64xf32>
    %max3A_228 = arith.constant 0.000000e+00 : f32
    %max3A_229 = vector.broadcast %max3A_228 : f32 to vector<1024x64xf32>
    %max3A_230 = arith.maximumf %add3A_227, %max3A_229 : vector<1024x64xf32>
    %dot_general3A_231 = arith.constant dense<0.000000e+00> : vector<1024x64xf32>
    %dot_general3A_232 = tpu.matmul %add3A_165, %get3A_170, %dot_general3A_231 {dimension_numbers = #tpu.dot_dimension_numbers<[1], [0], [0], [1], [0, 0, 1, 1], [], []>, transpose_lhs_hint = false} : vector<1024x128xf32>, vector<128x64xf32>, vector<1024x64xf32> -> vector<1024x64xf32>
    %dot_general3A_233 = arith.constant dense<0.000000e+00> : vector<1024x64xf32>
    %dot_general3A_234 = tpu.matmul %sub3A_220, %get3A_175, %dot_general3A_233 {dimension_numbers = #tpu.dot_dimension_numbers<[1], [0], [0], [1], [0, 0, 1, 1], [], []>, transpose_lhs_hint = false} : vector<1024x128xf32>, vector<128x64xf32>, vector<1024x64xf32> -> vector<1024x64xf32>
    %add3A_235 = arith.addf %dot_general3A_232, %dot_general3A_234 : vector<1024x64xf32>
    %add3A_236 = vector.broadcast %get3A_180 : vector<1x64xf32> to vector<1024x64xf32>
    %add3A_237 = arith.addf %add3A_235, %add3A_236 : vector<1024x64xf32>
    %max3A_238 = arith.constant 0.000000e+00 : f32
    %max3A_239 = vector.broadcast %max3A_238 : f32 to vector<1024x64xf32>
    %max3A_240 = arith.maximumf %add3A_237, %max3A_239 : vector<1024x64xf32>
    %dot_general3A_241 = arith.constant dense<0.000000e+00> : vector<1024x128xf32>
    %dot_general3A_242 = tpu.matmul %max3A_230, %get3A_185, %dot_general3A_241 {dimension_numbers = #tpu.dot_dimension_numbers<[1], [0], [0], [1], [0, 0, 1, 1], [], []>, transpose_lhs_hint = false} : vector<1024x64xf32>, vector<64x128xf32>, vector<1024x128xf32> -> vector<1024x128xf32>
    %add3A_243 = arith.addf %add3A_160, %dot_general3A_242 : vector<1024x128xf32>
    %add3A_244 = vector.broadcast %get3A_190 : vector<1x128xf32> to vector<1024x128xf32>
    %add3A_245 = arith.addf %add3A_243, %add3A_244 : vector<1024x128xf32>
    %dot_general3A_246 = arith.constant dense<0.000000e+00> : vector<1024x128xf32>
    %dot_general3A_247 = tpu.matmul %max3A_240, %get3A_185, %dot_general3A_246 {dimension_numbers = #tpu.dot_dimension_numbers<[1], [0], [0], [1], [0, 0, 1, 1], [], []>, transpose_lhs_hint = false} : vector<1024x64xf32>, vector<64x128xf32>, vector<1024x128xf32> -> vector<1024x128xf32>
    %add3A_248 = arith.addf %add3A_165, %dot_general3A_247 : vector<1024x128xf32>
    %add3A_249 = vector.broadcast %get3A_190 : vector<1x128xf32> to vector<1024x128xf32>
    %add3A_250 = arith.addf %add3A_248, %add3A_249 : vector<1024x128xf32>
    %get3A_251 = arith.constant 2 : index
    %get3A_252 = arith.constant 0 : index
    %get3A_253 = arith.constant 0 : index
    %get3A_254 = vector.load %arg9[%get3A_251, %get3A_252, %get3A_253] : memref<5x256x64xf32, #tpu.memory_space<vmem>>, vector<1x128x64xf32>
    %get3A_255 = vector.shape_cast %get3A_254 : vector<1x128x64xf32> to vector<128x64xf32>
    %get3A_256 = arith.constant 2 : index
    %get3A_257 = arith.constant 128 : index
    %get3A_258 = arith.constant 0 : index
    %get3A_259 = vector.load %arg9[%get3A_256, %get3A_257, %get3A_258] : memref<5x256x64xf32, #tpu.memory_space<vmem>>, vector<1x128x64xf32>
    %get3A_260 = vector.shape_cast %get3A_259 : vector<1x128x64xf32> to vector<128x64xf32>
    %get3A_261 = arith.constant 2 : index
    %get3A_262 = arith.constant 0 : index
    %get3A_263 = arith.constant 0 : index
    %get3A_264 = vector.load %arg10[%get3A_261, %get3A_262, %get3A_263] : memref<5x1x64xf32, #tpu.memory_space<vmem>>, vector<1x1x64xf32>
    %get3A_265 = vector.shape_cast %get3A_264 : vector<1x1x64xf32> to vector<1x64xf32>
    %get3A_266 = arith.constant 2 : index
    %get3A_267 = arith.constant 0 : index
    %get3A_268 = arith.constant 0 : index
    %get3A_269 = vector.load %arg11[%get3A_266, %get3A_267, %get3A_268] : memref<5x64x128xf32, #tpu.memory_space<vmem>>, vector<1x64x128xf32>
    %get3A_270 = vector.shape_cast %get3A_269 : vector<1x64x128xf32> to vector<64x128xf32>
    %get3A_271 = arith.constant 2 : index
    %get3A_272 = arith.constant 0 : index
    %get3A_273 = arith.constant 0 : index
    %get3A_274 = vector.load %arg12[%get3A_271, %get3A_272, %get3A_273] : memref<5x1x128xf32, #tpu.memory_space<vmem>>, vector<1x1x128xf32>
    %get3A_275 = vector.shape_cast %get3A_274 : vector<1x1x128xf32> to vector<1x128xf32>
    %dot_general3A_276 = arith.constant dense<0.000000e+00> : vector<1024x1024xf32>
    %dot_general3A_277 = tpu.matmul %add3A_245, %add3A_250, %dot_general3A_276 {dimension_numbers = #tpu.dot_dimension_numbers<[1], [1], [0], [0], [0, 0, 1, 0], [], []>, transpose_lhs_hint = false} : vector<1024x128xf32>, vector<1024x128xf32>, vector<1024x1024xf32> -> vector<1024x1024xf32>
    %reduce_max3A_278 = arith.constant dense<0xFF800000> : vector<1024xf32>
    %reduce_max3A_279 = vector.multi_reduction <maximumf>, %dot_general3A_277, %reduce_max3A_278 [1] : vector<1024x1024xf32> to vector<1024xf32>
    %broadcast_in_dim3A_280 = vector.shape_cast %reduce_max3A_279 : vector<1024xf32> to vector<1024x1xf32>
    %sub3A_281 = vector.broadcast %broadcast_in_dim3A_280 : vector<1024x1xf32> to vector<1024x1024xf32>
    %sub3A_282 = arith.subf %dot_general3A_277, %sub3A_281 : vector<1024x1024xf32>
    %exp3A_283 = math.exp %sub3A_282 : vector<1024x1024xf32>
    %reduce_sum3A_284 = arith.constant dense<0.000000e+00> : vector<1024xf32>
    %reduce_sum3A_285 = vector.multi_reduction <add>, %exp3A_283, %reduce_sum3A_284 [1] : vector<1024x1024xf32> to vector<1024xf32>
    %broadcast_in_dim3A_286 = vector.shape_cast %reduce_sum3A_285 : vector<1024xf32> to vector<1024x1xf32>
    %div3A_287 = vector.broadcast %broadcast_in_dim3A_286 : vector<1024x1xf32> to vector<1024x1024xf32>
    %div3A_288 = arith.divf %exp3A_283, %div3A_287 : vector<1024x1024xf32>
    %reduce_max3A_289 = arith.constant dense<0xFF800000> : vector<1024xf32>
    %reduce_max3A_290 = vector.multi_reduction <maximumf>, %dot_general3A_277, %reduce_max3A_289 [0] : vector<1024x1024xf32> to vector<1024xf32>
    %broadcast_in_dim3A_291 = vector.shape_cast %reduce_max3A_290 : vector<1024xf32> to vector<1x1024xf32>
    %sub3A_292 = vector.broadcast %broadcast_in_dim3A_291 : vector<1x1024xf32> to vector<1024x1024xf32>
    %sub3A_293 = arith.subf %dot_general3A_277, %sub3A_292 : vector<1024x1024xf32>
    %exp3A_294 = math.exp %sub3A_293 : vector<1024x1024xf32>
    %reduce_sum3A_295 = arith.constant dense<0.000000e+00> : vector<1024xf32>
    %reduce_sum3A_296 = vector.multi_reduction <add>, %exp3A_294, %reduce_sum3A_295 [0] : vector<1024x1024xf32> to vector<1024xf32>
    %broadcast_in_dim3A_297 = vector.shape_cast %reduce_sum3A_296 : vector<1024xf32> to vector<1x1024xf32>
    %div3A_298 = vector.broadcast %broadcast_in_dim3A_297 : vector<1x1024xf32> to vector<1024x1024xf32>
    %div3A_299 = arith.divf %exp3A_294, %div3A_298 : vector<1024x1024xf32>
    %dot_general3A_300 = arith.constant dense<0.000000e+00> : vector<1024x128xf32>
    %dot_general3A_301 = tpu.matmul %div3A_288, %add3A_250, %dot_general3A_300 {dimension_numbers = #tpu.dot_dimension_numbers<[1], [0], [0], [1], [0, 0, 1, 1], [], []>, transpose_lhs_hint = false} : vector<1024x1024xf32>, vector<1024x128xf32>, vector<1024x128xf32> -> vector<1024x128xf32>
    %dot_general3A_302 = arith.constant dense<0.000000e+00> : vector<1024x128xf32>
    %dot_general3A_303 = tpu.matmul %div3A_299, %add3A_245, %dot_general3A_302 {dimension_numbers = #tpu.dot_dimension_numbers<[0], [0], [1], [1], [0, 1, 1, 1], [], []>, transpose_lhs_hint = false} : vector<1024x1024xf32>, vector<1024x128xf32>, vector<1024x128xf32> -> vector<1024x128xf32>
    %sub3A_304 = arith.subf %add3A_245, %dot_general3A_301 : vector<1024x128xf32>
    %sub3A_305 = arith.subf %add3A_250, %dot_general3A_303 : vector<1024x128xf32>
    %dot_general3A_306 = arith.constant dense<0.000000e+00> : vector<1024x64xf32>
    %dot_general3A_307 = tpu.matmul %add3A_245, %get3A_255, %dot_general3A_306 {dimension_numbers = #tpu.dot_dimension_numbers<[1], [0], [0], [1], [0, 0, 1, 1], [], []>, transpose_lhs_hint = false} : vector<1024x128xf32>, vector<128x64xf32>, vector<1024x64xf32> -> vector<1024x64xf32>
    %dot_general3A_308 = arith.constant dense<0.000000e+00> : vector<1024x64xf32>
    %dot_general3A_309 = tpu.matmul %sub3A_304, %get3A_260, %dot_general3A_308 {dimension_numbers = #tpu.dot_dimension_numbers<[1], [0], [0], [1], [0, 0, 1, 1], [], []>, transpose_lhs_hint = false} : vector<1024x128xf32>, vector<128x64xf32>, vector<1024x64xf32> -> vector<1024x64xf32>
    %add3A_310 = arith.addf %dot_general3A_307, %dot_general3A_309 : vector<1024x64xf32>
    %add3A_311 = vector.broadcast %get3A_265 : vector<1x64xf32> to vector<1024x64xf32>
    %add3A_312 = arith.addf %add3A_310, %add3A_311 : vector<1024x64xf32>
    %max3A_313 = arith.constant 0.000000e+00 : f32
    %max3A_314 = vector.broadcast %max3A_313 : f32 to vector<1024x64xf32>
    %max3A_315 = arith.maximumf %add3A_312, %max3A_314 : vector<1024x64xf32>
    %dot_general3A_316 = arith.constant dense<0.000000e+00> : vector<1024x64xf32>
    %dot_general3A_317 = tpu.matmul %add3A_250, %get3A_255, %dot_general3A_316 {dimension_numbers = #tpu.dot_dimension_numbers<[1], [0], [0], [1], [0, 0, 1, 1], [], []>, transpose_lhs_hint = false} : vector<1024x128xf32>, vector<128x64xf32>, vector<1024x64xf32> -> vector<1024x64xf32>
    %dot_general3A_318 = arith.constant dense<0.000000e+00> : vector<1024x64xf32>
    %dot_general3A_319 = tpu.matmul %sub3A_305, %get3A_260, %dot_general3A_318 {dimension_numbers = #tpu.dot_dimension_numbers<[1], [0], [0], [1], [0, 0, 1, 1], [], []>, transpose_lhs_hint = false} : vector<1024x128xf32>, vector<128x64xf32>, vector<1024x64xf32> -> vector<1024x64xf32>
    %add3A_320 = arith.addf %dot_general3A_317, %dot_general3A_319 : vector<1024x64xf32>
    %add3A_321 = vector.broadcast %get3A_265 : vector<1x64xf32> to vector<1024x64xf32>
    %add3A_322 = arith.addf %add3A_320, %add3A_321 : vector<1024x64xf32>
    %max3A_323 = arith.constant 0.000000e+00 : f32
    %max3A_324 = vector.broadcast %max3A_323 : f32 to vector<1024x64xf32>
    %max3A_325 = arith.maximumf %add3A_322, %max3A_324 : vector<1024x64xf32>
    %dot_general3A_326 = arith.constant dense<0.000000e+00> : vector<1024x128xf32>
    %dot_general3A_327 = tpu.matmul %max3A_315, %get3A_270, %dot_general3A_326 {dimension_numbers = #tpu.dot_dimension_numbers<[1], [0], [0], [1], [0, 0, 1, 1], [], []>, transpose_lhs_hint = false} : vector<1024x64xf32>, vector<64x128xf32>, vector<1024x128xf32> -> vector<1024x128xf32>
    %add3A_328 = arith.addf %add3A_245, %dot_general3A_327 : vector<1024x128xf32>
    %add3A_329 = vector.broadcast %get3A_275 : vector<1x128xf32> to vector<1024x128xf32>
    %add3A_330 = arith.addf %add3A_328, %add3A_329 : vector<1024x128xf32>
    %dot_general3A_331 = arith.constant dense<0.000000e+00> : vector<1024x128xf32>
    %dot_general3A_332 = tpu.matmul %max3A_325, %get3A_270, %dot_general3A_331 {dimension_numbers = #tpu.dot_dimension_numbers<[1], [0], [0], [1], [0, 0, 1, 1], [], []>, transpose_lhs_hint = false} : vector<1024x64xf32>, vector<64x128xf32>, vector<1024x128xf32> -> vector<1024x128xf32>
    %add3A_333 = arith.addf %add3A_250, %dot_general3A_332 : vector<1024x128xf32>
    %add3A_334 = vector.broadcast %get3A_275 : vector<1x128xf32> to vector<1024x128xf32>
    %add3A_335 = arith.addf %add3A_333, %add3A_334 : vector<1024x128xf32>
    %get3A_336 = arith.constant 3 : index
    %get3A_337 = arith.constant 0 : index
    %get3A_338 = arith.constant 0 : index
    %get3A_339 = vector.load %arg9[%get3A_336, %get3A_337, %get3A_338] : memref<5x256x64xf32, #tpu.memory_space<vmem>>, vector<1x128x64xf32>
    %get3A_340 = vector.shape_cast %get3A_339 : vector<1x128x64xf32> to vector<128x64xf32>
    %get3A_341 = arith.constant 3 : index
    %get3A_342 = arith.constant 128 : index
    %get3A_343 = arith.constant 0 : index
    %get3A_344 = vector.load %arg9[%get3A_341, %get3A_342, %get3A_343] : memref<5x256x64xf32, #tpu.memory_space<vmem>>, vector<1x128x64xf32>
    %get3A_345 = vector.shape_cast %get3A_344 : vector<1x128x64xf32> to vector<128x64xf32>
    %get3A_346 = arith.constant 3 : index
    %get3A_347 = arith.constant 0 : index
    %get3A_348 = arith.constant 0 : index
    %get3A_349 = vector.load %arg10[%get3A_346, %get3A_347, %get3A_348] : memref<5x1x64xf32, #tpu.memory_space<vmem>>, vector<1x1x64xf32>
    %get3A_350 = vector.shape_cast %get3A_349 : vector<1x1x64xf32> to vector<1x64xf32>
    %get3A_351 = arith.constant 3 : index
    %get3A_352 = arith.constant 0 : index
    %get3A_353 = arith.constant 0 : index
    %get3A_354 = vector.load %arg11[%get3A_351, %get3A_352, %get3A_353] : memref<5x64x128xf32, #tpu.memory_space<vmem>>, vector<1x64x128xf32>
    %get3A_355 = vector.shape_cast %get3A_354 : vector<1x64x128xf32> to vector<64x128xf32>
    %get3A_356 = arith.constant 3 : index
    %get3A_357 = arith.constant 0 : index
    %get3A_358 = arith.constant 0 : index
    %get3A_359 = vector.load %arg12[%get3A_356, %get3A_357, %get3A_358] : memref<5x1x128xf32, #tpu.memory_space<vmem>>, vector<1x1x128xf32>
    %get3A_360 = vector.shape_cast %get3A_359 : vector<1x1x128xf32> to vector<1x128xf32>
    %dot_general3A_361 = arith.constant dense<0.000000e+00> : vector<1024x1024xf32>
    %dot_general3A_362 = tpu.matmul %add3A_330, %add3A_335, %dot_general3A_361 {dimension_numbers = #tpu.dot_dimension_numbers<[1], [1], [0], [0], [0, 0, 1, 0], [], []>, transpose_lhs_hint = false} : vector<1024x128xf32>, vector<1024x128xf32>, vector<1024x1024xf32> -> vector<1024x1024xf32>
    %reduce_max3A_363 = arith.constant dense<0xFF800000> : vector<1024xf32>
    %reduce_max3A_364 = vector.multi_reduction <maximumf>, %dot_general3A_362, %reduce_max3A_363 [1] : vector<1024x1024xf32> to vector<1024xf32>
    %broadcast_in_dim3A_365 = vector.shape_cast %reduce_max3A_364 : vector<1024xf32> to vector<1024x1xf32>
    %sub3A_366 = vector.broadcast %broadcast_in_dim3A_365 : vector<1024x1xf32> to vector<1024x1024xf32>
    %sub3A_367 = arith.subf %dot_general3A_362, %sub3A_366 : vector<1024x1024xf32>
    %exp3A_368 = math.exp %sub3A_367 : vector<1024x1024xf32>
    %reduce_sum3A_369 = arith.constant dense<0.000000e+00> : vector<1024xf32>
    %reduce_sum3A_370 = vector.multi_reduction <add>, %exp3A_368, %reduce_sum3A_369 [1] : vector<1024x1024xf32> to vector<1024xf32>
    %broadcast_in_dim3A_371 = vector.shape_cast %reduce_sum3A_370 : vector<1024xf32> to vector<1024x1xf32>
    %div3A_372 = vector.broadcast %broadcast_in_dim3A_371 : vector<1024x1xf32> to vector<1024x1024xf32>
    %div3A_373 = arith.divf %exp3A_368, %div3A_372 : vector<1024x1024xf32>
    %reduce_max3A_374 = arith.constant dense<0xFF800000> : vector<1024xf32>
    %reduce_max3A_375 = vector.multi_reduction <maximumf>, %dot_general3A_362, %reduce_max3A_374 [0] : vector<1024x1024xf32> to vector<1024xf32>
    %broadcast_in_dim3A_376 = vector.shape_cast %reduce_max3A_375 : vector<1024xf32> to vector<1x1024xf32>
    %sub3A_377 = vector.broadcast %broadcast_in_dim3A_376 : vector<1x1024xf32> to vector<1024x1024xf32>
    %sub3A_378 = arith.subf %dot_general3A_362, %sub3A_377 : vector<1024x1024xf32>
    %exp3A_379 = math.exp %sub3A_378 : vector<1024x1024xf32>
    %reduce_sum3A_380 = arith.constant dense<0.000000e+00> : vector<1024xf32>
    %reduce_sum3A_381 = vector.multi_reduction <add>, %exp3A_379, %reduce_sum3A_380 [0] : vector<1024x1024xf32> to vector<1024xf32>
    %broadcast_in_dim3A_382 = vector.shape_cast %reduce_sum3A_381 : vector<1024xf32> to vector<1x1024xf32>
    %div3A_383 = vector.broadcast %broadcast_in_dim3A_382 : vector<1x1024xf32> to vector<1024x1024xf32>
    %div3A_384 = arith.divf %exp3A_379, %div3A_383 : vector<1024x1024xf32>
    %dot_general3A_385 = arith.constant dense<0.000000e+00> : vector<1024x128xf32>
    %dot_general3A_386 = tpu.matmul %div3A_373, %add3A_335, %dot_general3A_385 {dimension_numbers = #tpu.dot_dimension_numbers<[1], [0], [0], [1], [0, 0, 1, 1], [], []>, transpose_lhs_hint = false} : vector<1024x1024xf32>, vector<1024x128xf32>, vector<1024x128xf32> -> vector<1024x128xf32>
    %dot_general3A_387 = arith.constant dense<0.000000e+00> : vector<1024x128xf32>
    %dot_general3A_388 = tpu.matmul %div3A_384, %add3A_330, %dot_general3A_387 {dimension_numbers = #tpu.dot_dimension_numbers<[0], [0], [1], [1], [0, 1, 1, 1], [], []>, transpose_lhs_hint = false} : vector<1024x1024xf32>, vector<1024x128xf32>, vector<1024x128xf32> -> vector<1024x128xf32>
    %sub3A_389 = arith.subf %add3A_330, %dot_general3A_386 : vector<1024x128xf32>
    %sub3A_390 = arith.subf %add3A_335, %dot_general3A_388 : vector<1024x128xf32>
    %dot_general3A_391 = arith.constant dense<0.000000e+00> : vector<1024x64xf32>
    %dot_general3A_392 = tpu.matmul %add3A_330, %get3A_340, %dot_general3A_391 {dimension_numbers = #tpu.dot_dimension_numbers<[1], [0], [0], [1], [0, 0, 1, 1], [], []>, transpose_lhs_hint = false} : vector<1024x128xf32>, vector<128x64xf32>, vector<1024x64xf32> -> vector<1024x64xf32>
    %dot_general3A_393 = arith.constant dense<0.000000e+00> : vector<1024x64xf32>
    %dot_general3A_394 = tpu.matmul %sub3A_389, %get3A_345, %dot_general3A_393 {dimension_numbers = #tpu.dot_dimension_numbers<[1], [0], [0], [1], [0, 0, 1, 1], [], []>, transpose_lhs_hint = false} : vector<1024x128xf32>, vector<128x64xf32>, vector<1024x64xf32> -> vector<1024x64xf32>
    %add3A_395 = arith.addf %dot_general3A_392, %dot_general3A_394 : vector<1024x64xf32>
    %add3A_396 = vector.broadcast %get3A_350 : vector<1x64xf32> to vector<1024x64xf32>
    %add3A_397 = arith.addf %add3A_395, %add3A_396 : vector<1024x64xf32>
    %max3A_398 = arith.constant 0.000000e+00 : f32
    %max3A_399 = vector.broadcast %max3A_398 : f32 to vector<1024x64xf32>
    %max3A_400 = arith.maximumf %add3A_397, %max3A_399 : vector<1024x64xf32>
    %dot_general3A_401 = arith.constant dense<0.000000e+00> : vector<1024x64xf32>
    %dot_general3A_402 = tpu.matmul %add3A_335, %get3A_340, %dot_general3A_401 {dimension_numbers = #tpu.dot_dimension_numbers<[1], [0], [0], [1], [0, 0, 1, 1], [], []>, transpose_lhs_hint = false} : vector<1024x128xf32>, vector<128x64xf32>, vector<1024x64xf32> -> vector<1024x64xf32>
    %dot_general3A_403 = arith.constant dense<0.000000e+00> : vector<1024x64xf32>
    %dot_general3A_404 = tpu.matmul %sub3A_390, %get3A_345, %dot_general3A_403 {dimension_numbers = #tpu.dot_dimension_numbers<[1], [0], [0], [1], [0, 0, 1, 1], [], []>, transpose_lhs_hint = false} : vector<1024x128xf32>, vector<128x64xf32>, vector<1024x64xf32> -> vector<1024x64xf32>
    %add3A_405 = arith.addf %dot_general3A_402, %dot_general3A_404 : vector<1024x64xf32>
    %add3A_406 = vector.broadcast %get3A_350 : vector<1x64xf32> to vector<1024x64xf32>
    %add3A_407 = arith.addf %add3A_405, %add3A_406 : vector<1024x64xf32>
    %max3A_408 = arith.constant 0.000000e+00 : f32
    %max3A_409 = vector.broadcast %max3A_408 : f32 to vector<1024x64xf32>
    %max3A_410 = arith.maximumf %add3A_407, %max3A_409 : vector<1024x64xf32>
    %dot_general3A_411 = arith.constant dense<0.000000e+00> : vector<1024x128xf32>
    %dot_general3A_412 = tpu.matmul %max3A_400, %get3A_355, %dot_general3A_411 {dimension_numbers = #tpu.dot_dimension_numbers<[1], [0], [0], [1], [0, 0, 1, 1], [], []>, transpose_lhs_hint = false} : vector<1024x64xf32>, vector<64x128xf32>, vector<1024x128xf32> -> vector<1024x128xf32>
    %add3A_413 = arith.addf %add3A_330, %dot_general3A_412 : vector<1024x128xf32>
    %add3A_414 = vector.broadcast %get3A_360 : vector<1x128xf32> to vector<1024x128xf32>
    %add3A_415 = arith.addf %add3A_413, %add3A_414 : vector<1024x128xf32>
    %dot_general3A_416 = arith.constant dense<0.000000e+00> : vector<1024x128xf32>
    %dot_general3A_417 = tpu.matmul %max3A_410, %get3A_355, %dot_general3A_416 {dimension_numbers = #tpu.dot_dimension_numbers<[1], [0], [0], [1], [0, 0, 1, 1], [], []>, transpose_lhs_hint = false} : vector<1024x64xf32>, vector<64x128xf32>, vector<1024x128xf32> -> vector<1024x128xf32>
    %add3A_418 = arith.addf %add3A_335, %dot_general3A_417 : vector<1024x128xf32>
    %add3A_419 = vector.broadcast %get3A_360 : vector<1x128xf32> to vector<1024x128xf32>
    %add3A_420 = arith.addf %add3A_418, %add3A_419 : vector<1024x128xf32>
    %get3A_421 = arith.constant 4 : index
    %get3A_422 = arith.constant 0 : index
    %get3A_423 = arith.constant 0 : index
    %get3A_424 = vector.load %arg9[%get3A_421, %get3A_422, %get3A_423] : memref<5x256x64xf32, #tpu.memory_space<vmem>>, vector<1x128x64xf32>
    %get3A_425 = vector.shape_cast %get3A_424 : vector<1x128x64xf32> to vector<128x64xf32>
    %get3A_426 = arith.constant 4 : index
    %get3A_427 = arith.constant 128 : index
    %get3A_428 = arith.constant 0 : index
    %get3A_429 = vector.load %arg9[%get3A_426, %get3A_427, %get3A_428] : memref<5x256x64xf32, #tpu.memory_space<vmem>>, vector<1x128x64xf32>
    %get3A_430 = vector.shape_cast %get3A_429 : vector<1x128x64xf32> to vector<128x64xf32>
    %get3A_431 = arith.constant 4 : index
    %get3A_432 = arith.constant 0 : index
    %get3A_433 = arith.constant 0 : index
    %get3A_434 = vector.load %arg10[%get3A_431, %get3A_432, %get3A_433] : memref<5x1x64xf32, #tpu.memory_space<vmem>>, vector<1x1x64xf32>
    %get3A_435 = vector.shape_cast %get3A_434 : vector<1x1x64xf32> to vector<1x64xf32>
    %get3A_436 = arith.constant 4 : index
    %get3A_437 = arith.constant 0 : index
    %get3A_438 = arith.constant 0 : index
    %get3A_439 = vector.load %arg11[%get3A_436, %get3A_437, %get3A_438] : memref<5x64x128xf32, #tpu.memory_space<vmem>>, vector<1x64x128xf32>
    %get3A_440 = vector.shape_cast %get3A_439 : vector<1x64x128xf32> to vector<64x128xf32>
    %get3A_441 = arith.constant 4 : index
    %get3A_442 = arith.constant 0 : index
    %get3A_443 = arith.constant 0 : index
    %get3A_444 = vector.load %arg12[%get3A_441, %get3A_442, %get3A_443] : memref<5x1x128xf32, #tpu.memory_space<vmem>>, vector<1x1x128xf32>
    %get3A_445 = vector.shape_cast %get3A_444 : vector<1x1x128xf32> to vector<1x128xf32>
    %dot_general3A_446 = arith.constant dense<0.000000e+00> : vector<1024x1024xf32>
    %dot_general3A_447 = tpu.matmul %add3A_415, %add3A_420, %dot_general3A_446 {dimension_numbers = #tpu.dot_dimension_numbers<[1], [1], [0], [0], [0, 0, 1, 0], [], []>, transpose_lhs_hint = false} : vector<1024x128xf32>, vector<1024x128xf32>, vector<1024x1024xf32> -> vector<1024x1024xf32>
    %reduce_max3A_448 = arith.constant dense<0xFF800000> : vector<1024xf32>
    %reduce_max3A_449 = vector.multi_reduction <maximumf>, %dot_general3A_447, %reduce_max3A_448 [1] : vector<1024x1024xf32> to vector<1024xf32>
    %broadcast_in_dim3A_450 = vector.shape_cast %reduce_max3A_449 : vector<1024xf32> to vector<1024x1xf32>
    %sub3A_451 = vector.broadcast %broadcast_in_dim3A_450 : vector<1024x1xf32> to vector<1024x1024xf32>
    %sub3A_452 = arith.subf %dot_general3A_447, %sub3A_451 : vector<1024x1024xf32>
    %exp3A_453 = math.exp %sub3A_452 : vector<1024x1024xf32>
    %reduce_sum3A_454 = arith.constant dense<0.000000e+00> : vector<1024xf32>
    %reduce_sum3A_455 = vector.multi_reduction <add>, %exp3A_453, %reduce_sum3A_454 [1] : vector<1024x1024xf32> to vector<1024xf32>
    %broadcast_in_dim3A_456 = vector.shape_cast %reduce_sum3A_455 : vector<1024xf32> to vector<1024x1xf32>
    %div3A_457 = vector.broadcast %broadcast_in_dim3A_456 : vector<1024x1xf32> to vector<1024x1024xf32>
    %div3A_458 = arith.divf %exp3A_453, %div3A_457 : vector<1024x1024xf32>
    %reduce_max3A_459 = arith.constant dense<0xFF800000> : vector<1024xf32>
    %reduce_max3A_460 = vector.multi_reduction <maximumf>, %dot_general3A_447, %reduce_max3A_459 [0] : vector<1024x1024xf32> to vector<1024xf32>
    %broadcast_in_dim3A_461 = vector.shape_cast %reduce_max3A_460 : vector<1024xf32> to vector<1x1024xf32>
    %sub3A_462 = vector.broadcast %broadcast_in_dim3A_461 : vector<1x1024xf32> to vector<1024x1024xf32>
    %sub3A_463 = arith.subf %dot_general3A_447, %sub3A_462 : vector<1024x1024xf32>
    %exp3A_464 = math.exp %sub3A_463 : vector<1024x1024xf32>
    %reduce_sum3A_465 = arith.constant dense<0.000000e+00> : vector<1024xf32>
    %reduce_sum3A_466 = vector.multi_reduction <add>, %exp3A_464, %reduce_sum3A_465 [0] : vector<1024x1024xf32> to vector<1024xf32>
    %broadcast_in_dim3A_467 = vector.shape_cast %reduce_sum3A_466 : vector<1024xf32> to vector<1x1024xf32>
    %div3A_468 = vector.broadcast %broadcast_in_dim3A_467 : vector<1x1024xf32> to vector<1024x1024xf32>
    %div3A_469 = arith.divf %exp3A_464, %div3A_468 : vector<1024x1024xf32>
    %dot_general3A_470 = arith.constant dense<0.000000e+00> : vector<1024x128xf32>
    %dot_general3A_471 = tpu.matmul %div3A_458, %add3A_420, %dot_general3A_470 {dimension_numbers = #tpu.dot_dimension_numbers<[1], [0], [0], [1], [0, 0, 1, 1], [], []>, transpose_lhs_hint = false} : vector<1024x1024xf32>, vector<1024x128xf32>, vector<1024x128xf32> -> vector<1024x128xf32>
    %dot_general3A_472 = arith.constant dense<0.000000e+00> : vector<1024x128xf32>
    %dot_general3A_473 = tpu.matmul %div3A_469, %add3A_415, %dot_general3A_472 {dimension_numbers = #tpu.dot_dimension_numbers<[0], [0], [1], [1], [0, 1, 1, 1], [], []>, transpose_lhs_hint = false} : vector<1024x1024xf32>, vector<1024x128xf32>, vector<1024x128xf32> -> vector<1024x128xf32>
    %sub3A_474 = arith.subf %add3A_415, %dot_general3A_471 : vector<1024x128xf32>
    %sub3A_475 = arith.subf %add3A_420, %dot_general3A_473 : vector<1024x128xf32>
    %dot_general3A_476 = arith.constant dense<0.000000e+00> : vector<1024x64xf32>
    %dot_general3A_477 = tpu.matmul %add3A_415, %get3A_425, %dot_general3A_476 {dimension_numbers = #tpu.dot_dimension_numbers<[1], [0], [0], [1], [0, 0, 1, 1], [], []>, transpose_lhs_hint = false} : vector<1024x128xf32>, vector<128x64xf32>, vector<1024x64xf32> -> vector<1024x64xf32>
    %dot_general3A_478 = arith.constant dense<0.000000e+00> : vector<1024x64xf32>
    %dot_general3A_479 = tpu.matmul %sub3A_474, %get3A_430, %dot_general3A_478 {dimension_numbers = #tpu.dot_dimension_numbers<[1], [0], [0], [1], [0, 0, 1, 1], [], []>, transpose_lhs_hint = false} : vector<1024x128xf32>, vector<128x64xf32>, vector<1024x64xf32> -> vector<1024x64xf32>
    %add3A_480 = arith.addf %dot_general3A_477, %dot_general3A_479 : vector<1024x64xf32>
    %add3A_481 = vector.broadcast %get3A_435 : vector<1x64xf32> to vector<1024x64xf32>
    %add3A_482 = arith.addf %add3A_480, %add3A_481 : vector<1024x64xf32>
    %max3A_483 = arith.constant 0.000000e+00 : f32
    %max3A_484 = vector.broadcast %max3A_483 : f32 to vector<1024x64xf32>
    %max3A_485 = arith.maximumf %add3A_482, %max3A_484 : vector<1024x64xf32>
    %dot_general3A_486 = arith.constant dense<0.000000e+00> : vector<1024x64xf32>
    %dot_general3A_487 = tpu.matmul %add3A_420, %get3A_425, %dot_general3A_486 {dimension_numbers = #tpu.dot_dimension_numbers<[1], [0], [0], [1], [0, 0, 1, 1], [], []>, transpose_lhs_hint = false} : vector<1024x128xf32>, vector<128x64xf32>, vector<1024x64xf32> -> vector<1024x64xf32>
    %dot_general3A_488 = arith.constant dense<0.000000e+00> : vector<1024x64xf32>
    %dot_general3A_489 = tpu.matmul %sub3A_475, %get3A_430, %dot_general3A_488 {dimension_numbers = #tpu.dot_dimension_numbers<[1], [0], [0], [1], [0, 0, 1, 1], [], []>, transpose_lhs_hint = false} : vector<1024x128xf32>, vector<128x64xf32>, vector<1024x64xf32> -> vector<1024x64xf32>
    %add3A_490 = arith.addf %dot_general3A_487, %dot_general3A_489 : vector<1024x64xf32>
    %add3A_491 = vector.broadcast %get3A_435 : vector<1x64xf32> to vector<1024x64xf32>
    %add3A_492 = arith.addf %add3A_490, %add3A_491 : vector<1024x64xf32>
    %max3A_493 = arith.constant 0.000000e+00 : f32
    %max3A_494 = vector.broadcast %max3A_493 : f32 to vector<1024x64xf32>
    %max3A_495 = arith.maximumf %add3A_492, %max3A_494 : vector<1024x64xf32>
    %dot_general3A_496 = arith.constant dense<0.000000e+00> : vector<1024x128xf32>
    %dot_general3A_497 = tpu.matmul %max3A_485, %get3A_440, %dot_general3A_496 {dimension_numbers = #tpu.dot_dimension_numbers<[1], [0], [0], [1], [0, 0, 1, 1], [], []>, transpose_lhs_hint = false} : vector<1024x64xf32>, vector<64x128xf32>, vector<1024x128xf32> -> vector<1024x128xf32>
    %add3A_498 = arith.addf %add3A_415, %dot_general3A_497 : vector<1024x128xf32>
    %add3A_499 = vector.broadcast %get3A_445 : vector<1x128xf32> to vector<1024x128xf32>
    %add3A_500 = arith.addf %add3A_498, %add3A_499 : vector<1024x128xf32>
    %dot_general3A_501 = arith.constant dense<0.000000e+00> : vector<1024x128xf32>
    %dot_general3A_502 = tpu.matmul %max3A_495, %get3A_440, %dot_general3A_501 {dimension_numbers = #tpu.dot_dimension_numbers<[1], [0], [0], [1], [0, 0, 1, 1], [], []>, transpose_lhs_hint = false} : vector<1024x64xf32>, vector<64x128xf32>, vector<1024x128xf32> -> vector<1024x128xf32>
    %add3A_503 = arith.addf %add3A_420, %dot_general3A_502 : vector<1024x128xf32>
    %add3A_504 = vector.broadcast %get3A_445 : vector<1x128xf32> to vector<1024x128xf32>
    %add3A_505 = arith.addf %add3A_503, %add3A_504 : vector<1024x128xf32>
    %swap3A = arith.constant 0 : index
    %swap3A_506 = arith.constant 0 : index
    %swap3A_507 = arith.constant 0 : index
    %swap3A_508 = vector.load %arg13[%swap3A, %swap3A_506, %swap3A_507] : memref<1x1024x128xf32, #tpu.memory_space<vmem>>, vector<1x1024x128xf32>
    %swap3A_509 = vector.shape_cast %swap3A_508 : vector<1x1024x128xf32> to vector<1024x128xf32>
    %swap3A_510 = vector.shape_cast %add3A_500 : vector<1024x128xf32> to vector<1x1024x128xf32>
    tpu.vector_store %arg13[%swap3A, %swap3A_506, %swap3A_507], %swap3A_510 {strides = array<i32>} : memref<1x1024x128xf32, #tpu.memory_space<vmem>>, vector<1x1024x128xf32>,
    %swap3A_511 = arith.constant 0 : index
    %swap3A_512 = arith.constant 0 : index
    %swap3A_513 = arith.constant 0 : index
    %swap3A_514 = vector.load %arg14[%swap3A_511, %swap3A_512, %swap3A_513] : memref<1x1024x128xf32, #tpu.memory_space<vmem>>, vector<1x1024x128xf32>
    %swap3A_515 = vector.shape_cast %swap3A_514 : vector<1x1024x128xf32> to vector<1024x128xf32>
    %swap3A_516 = vector.shape_cast %add3A_505 : vector<1024x128xf32> to vector<1x1024x128xf32>
    tpu.vector_store %arg14[%swap3A_511, %swap3A_512, %swap3A_513], %swap3A_516 {strides = array<i32>} : memref<1x1024x128xf32, #tpu.memory_space<vmem>>, vector<1x1024x128xf32>,
    return
  }
  func.func @transform_0(%arg0: i32) -> (i32, i32) {
    %c0_i32 = arith.constant 0 : i32
    %c0_i32_0 = arith.constant 0 : i32
    %c0_i32_1 = arith.constant 0 : i32
    return %c0_i32, %c0_i32_0 : i32, i32
  }
  func.func @transform_1(%arg0: i32) -> (i32, i32, i32) {
    %c0_i32 = arith.constant 0 : i32
    %c0_i32_0 = arith.constant 0 : i32
    %c0_i32_1 = arith.constant 0 : i32
    return %arg0, %c0_i32, %c0_i32_0 : i32, i32, i32
  }
  func.func @transform_2(%arg0: i32) -> (i32, i32, i32) {
    %c0_i32 = arith.constant 0 : i32
    %c0_i32_0 = arith.constant 0 : i32
    %c0_i32_1 = arith.constant 0 : i32
    return %arg0, %c0_i32, %c0_i32_0 : i32, i32, i32
  }
  func.func @transform_3(%arg0: i32) -> (i32, i32) {
    %c0_i32 = arith.constant 0 : i32
    %c0_i32_0 = arith.constant 0 : i32
    %c0_i32_1 = arith.constant 0 : i32
    return %c0_i32, %c0_i32_0 : i32, i32
  }
  func.func @transform_4(%arg0: i32) -> (i32, i32, i32) {
    %c0_i32 = arith.constant 0 : i32
    %c0_i32_0 = arith.constant 0 : i32
    %c0_i32_1 = arith.constant 0 : i32
    return %arg0, %c0_i32, %c0_i32_0 : i32, i32, i32
  }
  func.func @transform_5(%arg0: i32) -> (i32, i32, i32) {
    %c0_i32 = arith.constant 0 : i32
    %c0_i32_0 = arith.constant 0 : i32
    %c0_i32_1 = arith.constant 0 : i32
    return %arg0, %c0_i32, %c0_i32_0 : i32, i32, i32
  }
  func.func @transform_6(%arg0: i32) -> (i32, i32) {
    %c0_i32 = arith.constant 0 : i32
    %c0_i32_0 = arith.constant 0 : i32
    %c0_i32_1 = arith.constant 0 : i32
    return %c0_i32, %c0_i32_0 : i32, i32
  }
  func.func @transform_7(%arg0: i32) -> (i32, i32) {
    %c0_i32 = arith.constant 0 : i32
    %c0_i32_0 = arith.constant 0 : i32
    %c0_i32_1 = arith.constant 0 : i32
    return %c0_i32, %c0_i32_0 : i32, i32
  }
  func.func @transform_8(%arg0: i32) -> (i32, i32, i32) {
    %c0_i32 = arith.constant 0 : i32
    %c0_i32_0 = arith.constant 0 : i32
    %c0_i32_1 = arith.constant 0 : i32
    %c0_i32_2 = arith.constant 0 : i32
    return %c0_i32, %c0_i32_0, %c0_i32_1 : i32, i32, i32
  }
  func.func @transform_9(%arg0: i32) -> (i32, i32, i32) {
    %c0_i32 = arith.constant 0 : i32
    %c0_i32_0 = arith.constant 0 : i32
    %c0_i32_1 = arith.constant 0 : i32
    %c0_i32_2 = arith.constant 0 : i32
    return %c0_i32, %c0_i32_0, %c0_i32_1 : i32, i32, i32
  }
  func.func @transform_10(%arg0: i32) -> (i32, i32, i32) {
    %c0_i32 = arith.constant 0 : i32
    %c0_i32_0 = arith.constant 0 : i32
    %c0_i32_1 = arith.constant 0 : i32
    %c0_i32_2 = arith.constant 0 : i32
    return %c0_i32, %c0_i32_0, %c0_i32_1 : i32, i32, i32
  }
  func.func @transform_11(%arg0: i32) -> (i32, i32, i32) {
    %c0_i32 = arith.constant 0 : i32
    %c0_i32_0 = arith.constant 0 : i32
    %c0_i32_1 = arith.constant 0 : i32
    %c0_i32_2 = arith.constant 0 : i32
    return %c0_i32, %c0_i32_0, %c0_i32_1 : i32, i32, i32
  }
  func.func @transform_12(%arg0: i32) -> (i32, i32, i32) {
    %c0_i32 = arith.constant 0 : i32
    %c0_i32_0 = arith.constant 0 : i32
    %c0_i32_1 = arith.constant 0 : i32
    return %arg0, %c0_i32, %c0_i32_0 : i32, i32, i32
  }
  func.func @transform_13(%arg0: i32) -> (i32, i32, i32) {
    %c0_i32 = arith.constant 0 : i32
    %c0_i32_0 = arith.constant 0 : i32
    %c0_i32_1 = arith.constant 0 : i32
    return %arg0, %c0_i32, %c0_i32_0 : i32, i32, i32
  }
}

</mosaic_0001>

<sc_bundles>
// kernel: kernel.12.cloned.1.call-start
scs
__scs_entry_jumppad:
0x0: {  	(pc) =	sbr.rel $0x88, $3  }
0x1: {  	(tag) =	ssettag $0x0;
	lr =	simm.s32 $0x1  }
0x2: {  	[smem:$0x3F93] =	sst lr;
	_ =	strace $0xD0000000  }
0x3: {  	_ = 	snop  }
0x4: {  	_ = 	snop  }
0x5: {  	_ = 	snop  }
0x6: {  	_ = 	snop  }
0x7: {  	_ = 	snop  }
__scs_overlays_trampoline_lowered:
0x8: {  	[smem:$0x3FA2] =	sst s0  }
0x9: {  	[smem:$0x3FA3] =	sst s1  }
0xa: {  	[smem:$0x3FA4] =	sst s2  }
0xb: {  	[smem:$0x3FA5] =	sst s3  }
0xc: {  	[smem:$0x3FA6] =	sst s4  }
0xd: {  	[smem:$0x3FA7] =	sst s5  }
0xe: {  	[smem:$0x3FA8] =	sst s6  }
0xf: {  	[smem:$0x3FA9] =	sst s7  }
0x10: {  	[smem:$0x3FAA] =	sst s8  }
0x11: {  	[smem:$0x3FAB] =	sst s9;
	s0 =	simm.s32 @!p0 $0x0  }
0x12: {  	s1 =	sld [smem:$0x3F91];
	s0 =	simm.s32 @p0 $0x1  }
0x13: {  	[smem:$0x3FAC] =	sst s0;
	s0 =	simm.s32 @!p1 $0x0  }
0x14: {  	s2 =	sld [smem:$0x3F90];
	s0 =	simm.s32 @p1 $0x1  }
0x15: {  	[smem:$0x3FAD] =	sst s0;
	s0 =	simm.s32 @!p2 $0x0  }
0x16: {  	s3 =	sld [smem:$0x3FDB];
	s0 =	simm.s32 @p2 $0x1  }
0x17: {  	s4 =	simm.s32 $0x1BF5;
	[smem:$0x3FAF] =	sst s0  }
0x18: {  	s0 =	sld [smem:$0x3F92];
	_ =	swait.ge [sflag:s4], $0x0  }
0x19: {  	s7 =	sld [smem:$0x3F93]  }
0x1a: {  	s8 =	sadd.s32 $0xFFFFE003, lr  }
0x1b: {  	s9 =	sadd.s32 $0xFFFFFEF7, lr;
	s5 =	simm.s32 $0xFFFFFFFF;
	p2 =	slt.u32 s8, $0xFFFFF086  }
0x1c: {  	p1 =	slt.u32 s9, $0xF7A;
	s5 =	simm.s32 @!p2 $0x0  }
0x1d: {  	s5 =	simm.s32 @p1 $0x1;
	p0 =	seq.s32 s7, s2  }
0x1e: {  	s7 =	smul.u32 @!p0 $0xF7A, s2;
	p2 =	seq.s32 @!p0 s5, $0x0  }
0x1f: {  	s9 =	smul.u32 $0xF7A, s1;
	s8 =	simm.s32 @!p0 $0x1BF5;
	p2 =	por !p2, p0  }
0x20: {  	[sflag:s8] =	ssyncset.s32 @!p0 $0xFFFFF086;
	s6 =	sadd.s32 @!p0 s3, s7;
	s7 =	simm.s32 @!p0 $0x108  }
0x21: {  	s3 =	sadd.s32 s3, s9;
	s6 =	sadd.s32 @!p0 $0x88, s6;
	s7 =	simm.s32 @p2 $0x1082  }
0x22: {  	[simem:s7], [sflag:s8] =	dma.local @!p0 [hbm:s6], $0xF7A  }
0x23: {  	s9 =	sor.u32 $0xD0000000, s2;
	s6 =	simm.s32 $0x108;
	_ =	swait.ge @!p0 [sflag:s8], $0x0  }
0x24: {  	s3 =	sadd.s32 $0x88, s3;
	s6 =	simm.s32 @!p1 $0x1082;
	[sflag:s4] =	ssyncset.s32 $0xFFFFF086  }
0x25: {  	[simem:s6], [sflag:s4] =	dma.local [hbm:s3], $0xF7A  }
0x26: {  	[smem:$0x3F93] =	sst s1;
	(tag) =	ssettag s2;
	_ =	strace s9  }
0x27: {  	s1 =	sld [smem:$0x3FA3]  }
0x28: {  	s2 =	sld [smem:$0x3FA4]  }
0x29: {  	s4 =	sld [smem:$0x3FA6]  }
0x2a: {  	p0 =	seq.s32 s5, $0x0;
	s5 =	sld [smem:$0x3FA7]  }
0x2b: {  	s6 =	sld [smem:$0x3FA8]  }
0x2c: {  	s7 =	sld [smem:$0x3FA9]  }
0x2d: {  	s3 =	simm.s32 $0x108;
	s8 =	sld [smem:$0x3FAA]  }
0x2e: {  	s3 =	simm.s32 @!p0 $0x1082;
	s9 =	sld [smem:$0x3FAB]  }
0x2f: {  	lr =	sadd.s32 s0, s3;
	s0 =	sld [smem:$0x3FA2]  }
0x30: {  	s3 =	sld [smem:$0x3FA5]  }
0x31: {  	[smem:$0x3FAE] =	sst s10  }
0x32: {  	s10 =	sld [smem:$0x3FAC];
	_ =	sdelay $0x3  }
0x33: {  	p0 =	seq.s32 s10, $0x1;
	s10 =	sld [smem:$0x3FAE];
	_ =	sdelay $0x3  }
0x34: {  	[smem:$0x3FAE] =	sst s10  }
0x35: {  	s10 =	sld [smem:$0x3FAD];
	_ =	sdelay $0x3  }
0x36: {  	p1 =	seq.s32 s10, $0x1;
	s10 =	sld [smem:$0x3FAE];
	_ =	sdelay $0x3  }
0x37: {  	[smem:$0x3FAE] =	sst s10  }
0x38: {  	s10 =	sld [smem:$0x3FAF]  }
0x39: {  	_ = 	snop;
	(pc) =	sbr.ind lr, $3  }
0x3a: {  	_ = 	snop  }
0x3b: {  	_ = 	snop  }
0x3c: {  	p2 =	seq.s32 s10, $0x1;
	s10 =	sld [smem:$0x3FAE]  }
0x3d: {  	_ =	shalt  }
0x3e: {  	_ =	shalt  }
0x3f: {  	_ =	shalt  }
0x40: {  	_ =	shalt  }
0x41: {  	_ =	shalt  }
0x42: {  	_ =	shalt  }
0x43: {  	_ =	shalt  }
0x44: {  	_ =	shalt  }
0x45: {  	_ =	shalt  }
0x46: {  	_ =	shalt  }
0x47: {  	_ =	shalt  }
0x48: {  	_ =	shalt  }
0x49: {  	_ =	shalt  }
0x4a: {  	_ =	shalt  }
0x4b: {  	_ =	shalt  }
0x4c: {  	_ =	shalt  }
0x4d: {  	_ =	shalt  }
0x4e: {  	_ =	shalt  }
0x4f: {  	_ =	shalt  }
0x50: {  	_ =	shalt  }
0x51: {  	_ =	shalt  }
0x52: {  	_ =	shalt  }
0x53: {  	_ =	shalt  }
0x54: {  	_ =	shalt  }
0x55: {  	_ =	shalt  }
0x56: {  	_ =	shalt  }
0x57: {  	_ =	shalt  }
0x58: {  	_ =	shalt  }
0x59: {  	_ =	shalt  }
0x5a: {  	_ =	shalt  }
0x5b: {  	_ =	shalt  }
0x5c: {  	_ =	shalt  }
0x5d: {  	_ =	shalt  }
0x5e: {  	_ =	shalt  }
0x5f: {  	_ =	shalt  }
0x60: {  	_ =	shalt  }
0x61: {  	_ =	shalt  }
0x62: {  	_ =	shalt  }
0x63: {  	_ =	shalt  }
0x64: {  	_ =	shalt  }
0x65: {  	_ =	shalt  }
0x66: {  	_ =	shalt  }
0x67: {  	_ =	shalt  }
0x68: {  	_ =	shalt  }
0x69: {  	_ =	shalt  }
0x6a: {  	_ =	shalt  }
0x6b: {  	_ =	shalt  }
0x6c: {  	_ =	shalt  }
0x6d: {  	_ =	shalt  }
0x6e: {  	_ =	shalt  }
0x6f: {  	_ =	shalt  }
0x70: {  	_ =	shalt  }
0x71: {  	_ =	shalt  }
0x72: {  	_ =	shalt  }
0x73: {  	_ =	shalt  }
0x74: {  	_ =	shalt  }
0x75: {  	_ =	shalt  }
0x76: {  	_ =	shalt  }
0x77: {  	_ =	shalt  }
0x78: {  	_ =	shalt  }
0x79: {  	_ =	shalt  }
0x7a: {  	_ =	shalt  }
0x7b: {  	_ =	shalt  }
0x7c: {  	_ =	shalt  }
0x7d: {  	_ =	shalt  }
0x7e: {  	_ =	shalt  }
0x7f: {  	_ =	shalt  }
0x80: {  	_ =	shalt  }
0x81: {  	_ =	shalt  }
0x82: {  	_ =	shalt  }
0x83: {  	_ =	shalt  }
0x84: {  	_ =	shalt  }
0x85: {  	_ =	shalt  }
0x86: {  	_ =	shalt  }
0x87: {  	_ =	shalt  }
.Lfunc_end0:
.L_simem_size_0:
called_computation.1_lowered:
.L_overlay_start_0:
0x88: {  	s2 =	sld [smem:$0x3FD9]  }
0x89: {  	s3 =	sld [smem:$0x3FFE];
	_ =	sdelay $0x1  }
0x8a: {  	s1 =	srdreg.scid  }
0x8b: {  	s0 =	sand.u32 $0x1, s1  }
0x8c: {  	s14 =	sshll.u32 s0, $0xA;
	s2 =	sadd.s32 s3, s2  }
0x8d: {  	s2 =	sadd.s32 s2, s14  }
0x8e: {  	[smem:$0x3FBA] =	sst s2  }
0x8f: {  	_ = 	snop  }
0x90: {  	s2 =	sld [smem:$0x3FD0];
	_ =	sdelay $0x2  }
0x91: {  	s4 =	simm.s32 $0xB;
	s5 =	simm.s32 $0x10;
	s15 =	sld [smem:$0x3FC6]  }
0x92: {  	[smem:s5], [sflag:s4] =	dma.local [hbm:s2], $0x1  }
0x93: {  	_ =	swait.eq [sflag:s4], $0x1  }
0x94: {  	[sflag:s4] =	ssyncset.done $0x0  }
0x95: {  	[sflag:s4] =	ssyncadd.s32 $0xFFFFFFFF  }
0x96: {  	s16 =	sld [smem:$0x10];
	(tm) =	ssettm $0x1  }
0x97: {  	s17 =	sld [smem:$0x3FFB];
	_ =	sdelay $0x3  }
0x98: {  	_ =	strace s17  }
0x99: {  	s4 =	sld [smem:$0x3FFC];
	_ =	sdelay $0x3  }
0x9a: {  	_ =	strace s4  }
0x9b: {  	s4 =	sld [smem:$0x3FFD];
	_ =	sdelay $0x3  }
0x9c: {  	_ =	strace s4  }
0x9d: {  	_ =	strace $0x8FFFFFFF  }
0x9e: {  	s18 =	sld [smem:$0x3FDB];
	_ =	sdelay $0x1  }
0x9f: {  	s19 =	simm.s32 $_scs_section_size  }
0xa0: {  	s6 =	simm.s32 $_size__tile_overlayer_lowered;
	s7 =	simm.s32 $_tile_overlayer_lowered  }
0xa1: {  	s22 =	simm.s32 $0x1BFF;
	s21 =	sshll.u32 s7, $0x1;
	s4 =	sadd.s32 s19, s18  }
0xa2: {  	s8 =	simm.s32 $0x0;
	s20 =	sshll.u32 s6, $0x1;
	s6 =	sadd.s32 s21, s4  }
0xa3: {  	[timem:s8], [sflag:s22] =	dma.local [hbm:s6], s20  }
0xa4: {  	_ =	swait.ge [sflag:s22], s20  }
0xa5: {  	s5 =	ssub.s32 $0x0, s20;
	[sflag:s22] =	ssyncset.done $0x0  }
0xa6: {  	[sflag:s22] =	ssyncadd.s32 s5;
	_ =	sdelay $0x1  }
0xa7: {  	s23 =	simm.s32 $0x1B8B  }
0xa8: {  	_ =	swait.ge [sflag:s23], $0x1  }
0xa9: {  	[sflag:s23] =	ssyncset.done $0x0  }
0xaa: {  	s25 =	simm.s32 $0x1B8E;
	s24 =	sld [smem:$0x3FFE];
	[sflag:s23] =	ssyncadd.s32 $0xFFFFFFFF  }
0xab: {  	s26 =	simm.s32 $execute0_lowered;
	[smem:$0x3FD2] =	sst s25  }
0xac: {  	s6 =	sshll.u32 s26, $0x1;
	_ =	strace $0x80000046;
	[dreg:$0x1] =	wrdreg $0xFFFFFFFF  }
0xad: {  	s28 =	simm.s32 $_size_execute0_lowered;
	s4 =	sadd.s32 s4, s6;
	[dreg:$0x0] =	wrdreg $0x0  }
0xae: {  	s6 =	sshll.u32 s28, $0x1;
	[dreg:$0x2] =	wrdreg s4  }
0xaf: {  	[dreg:$0x3] =	wrdreg s6  }
0xb0: {  	[dreg:$0x4] =	wrdreg $0xC0  }
0xb1: {  	_ =	task [dreg:s8], $0x5FFFF  }
0xb2: {  	[dreg:$0x1] =	wrdreg $0xFFFFFFFF  }
0xb3: {  	[dreg:$0x0] =	wrdreg $0x60  }
0xb4: {  	[dreg:$0x2] =	wrdreg s16  }
0xb5: {  	[dreg:$0x3] =	wrdreg s15  }
0xb6: {  	[dreg:$0x4] =	wrdreg s24  }
0xb7: {  	[dreg:$0x5] =	wrdreg $0xA  }
0xb8: {  	_ =	task.clear_ibuf [dreg:s8], $0x6FFFF;
	_ =	strace $0x90000046  }
0xb9: {  	s29 =	simm.s32 $0xA;
	_ =	strace $0x80000048  }
0xba: {  	_ =	swait.ge [sflag:s29], $0x1  }
0xbb: {  	[sflag:s29] =	ssyncadd.s32 $0xFFFFFFFF  }
0xbc: {  	_ =	strace $0x90000048  }
0xbd: {  	_ =	sfence  }
0xbe: {  	s30 =	sld [smem:$0x0];
	_ =	sdelay $0x2  }
0xbf: {  	s31 =	sshll.u32 s1, $0xD;
	s1 =	sshrl.u32 s1, $0x2  }
0xc0: {  	s3 =	sand.u32 $0x4000, s31;
	s1 =	sadd.s32 s1, s30  }
0xc1: {  	s0 =	sor.u32 s3, s0;
	s1 =	sshll.u32 s1, $0x11  }
0xc2: {  	s0 =	sor.u32 s1, s0  }
0xc3: {  	s0 =	sadd.s32 $0x8F2B, s0  }
0xc4: {  	[sflag:s0] =	ssyncadd.remote.s32 $0x1  }
0xc5: {  	_ =	sfence.sel $0xFFFF  }
0xc6: {  	[dreg:$0x0] =	wrdreg $0xFFFFFFFF;
	(pc) =	sbr.abs _section_cstart, $3  }
0xc7: {  	[dreg:$0x1] =	wrdreg $0xFFFFFFFF  }
0xc8: {  	_ =	task.clear_ibuf [dreg:s8], $0x2FFFF;
	_ =	strace $0x9FFFFFFF  }
0xc9: {  	(tm) =	ssettm $0x7FFFFFFF  }
tec
execute0_lowered:
.L_overlay_start_1:
0x0: {  	(tag) =	ssettag $0x1  }
0x1: {  	s1 =	srdreg.scid  }
0x2: {  	s4 =	rddreg [dreg:$0x0];
	s0 =	stileid.u32;
	s1 =	sand.u32 $0x1, s1  }
0x3: {  	s2 =	rddreg [dreg:$0x1];
	s6 =	sshll.u32 s0, $0xC;
	s7 =	sshll.u32 s1, $0xB  }
0x4: {  	s5 =	rddreg [dreg:$0x2];
	s6 =	sor.u32 s7, s6  }
0x5: {  	s3 =	simm.s32 $0x0;
	s7 =	sshll.u32 s6, $0x4;
	s6 =	sshrl.u32 s6, $0x3  }
0x6: {  	[smem:$0x7FF] =	sst s3;
	s31 =	sadd.s32 s7, s5;
	s4 =	sadd.s32 s4, s6  }
0x7: {  	_ =	strace $0x80000047;
	[dreg:$0x4] =	wrdreg s4;
	s15 =	sadd.s32 $0x2600, s31  }
0x8: {  	s16 =	sadd.s32 $0x2E00, s31;
	[dreg:$0x5] =	wrdreg s15  }
0x9: {  	s17 =	sadd.s32 $0x3600, s31;
	[dreg:$0x6] =	wrdreg s16  }
0xa: {  	s18 =	sadd.s32 $0x3E00, s31;
	[dreg:$0x7] =	wrdreg s17  }
0xb: {  	s19 =	sadd.s32 $0x4600, s31;
	[dreg:$0x8] =	wrdreg s18  }
0xc: {  	s20 =	sadd.s32 $0x4E00, s31;
	[dreg:$0x9] =	wrdreg s19  }
0xd: {  	s21 =	sadd.s32 $0x5600, s31;
	[dreg:$0xa] =	wrdreg s20  }
0xe: {  	s22 =	sadd.s32 $0x5E00, s31;
	[dreg:$0xb] =	wrdreg s21  }
0xf: {  	s23 =	sadd.s32 $0x6600, s31;
	[dreg:$0xc] =	wrdreg s22  }
0x10: {  	[dreg:$0xd] =	wrdreg s23  }
0x11: {  	s24 =	sadd.s32 $0x6E00, s31;
	s25 =	rddreg [dreg:$0x4]  }
0x12: {  	s26 =	sadd.s32 $0x7600, s31;
	[dreg:$0xe] =	wrdreg s24  }
0x13: {  	s4 =	simm.s32 $0x5;
	[dreg:$0xf] =	wrdreg s26  }
0x14: {  	[tilespmem:s3], [sflag:$0x5] =	stream.linear.gather [hbm4b:s25+s3], $0x800, $0x38;
	[tilespmem:$0x8800] =	vst v63  }
0x15: {  	_ =	swait.ge [sflag:s4], $0x800  }
0x16: {  	s5 =	simm.s32 $0x80;
	[sflag:s4] =	ssyncset.done $0x0  }
0x17: {  	s6 =	simm.s32 $0x800;
	s7 =	simm.s32 $0x1;
	[sflag:s4] =	ssyncadd.s32 $0xFFFFF800  }
0x18: {  	[tilespmem:s6], [sflag:$0x1] =	stream.indirect.gather [hbm4b:s2+s5], $0x80, s3, s5, $0xb8;
	[tilespmem:$0x8800] =	vst v63  }
0x19: {  	_ =	swait.ge [sflag:s7], $0x4000  }
0x1a: {  	[sflag:s7] =	ssyncset.done $0x0  }
0x1b: {  	s8 =	rddreg [dreg:$0x5];
	[sflag:s7] =	ssyncadd.s32 $0xFFFFC000  }
0x1c: {  	[hbm4b:s8+s3] =	stream.linear.scatter [tilespmem:s6], [sflag:$0x3], $0x4000, $0x38;
	[tilespmem:$0x8800] =	vst v63  }
0x1d: {  	s9 =	simm.s32 $0x2;
	s8 =	simm.s32 $0x4800  }
0x1e: {  	[tilespmem:s8], [sflag:$0x2] =	stream.indirect.gather [hbm4b:s2+s5], $0x80, s5, s5, $0xb8;
	[tilespmem:$0x8800] =	vst v63  }
0x1f: {  	_ =	swait.ge [sflag:s9], $0x4000  }
0x20: {  	[sflag:s9] =	ssyncset.done $0x0  }
0x21: {  	s10 =	simm.s32 $0x3;
	s11 =	rddreg [dreg:$0x6];
	[sflag:s9] =	ssyncadd.s32 $0xFFFFC000  }
0x22: {  	[hbm4b:s11+s3] =	stream.linear.scatter [tilespmem:s8], [sflag:$0x4], $0x4000, $0x38;
	[tilespmem:$0x8800] =	vst v63  }
0x23: {  	_ =	swait.ge [sflag:s10], $0x4000  }
0x24: {  	[sflag:s10] =	ssyncset.done $0x0  }
0x25: {  	s11 =	simm.s32 $0x100;
	[sflag:s10] =	ssyncadd.s32 $0xFFFFC000  }
0x26: {  	[tilespmem:s6], [sflag:$0x1] =	stream.indirect.gather [hbm4b:s2+s5], $0x80, s11, s5, $0xb8;
	[tilespmem:$0x8800] =	vst v63  }
0x27: {  	_ =	swait.ge [sflag:s7], $0x4000  }
0x28: {  	[sflag:s7] =	ssyncset.done $0x0  }
0x29: {  	s12 =	simm.s32 $0x4;
	s13 =	rddreg [dreg:$0x7];
	[sflag:s7] =	ssyncadd.s32 $0xFFFFC000  }
0x2a: {  	[hbm4b:s13+s3] =	stream.linear.scatter [tilespmem:s6], [sflag:$0x3], $0x4000, $0x38;
	[tilespmem:$0x8800] =	vst v63  }
0x2b: {  	_ =	swait.ge [sflag:s12], $0x4000  }
0x2c: {  	[sflag:s12] =	ssyncset.done $0x0  }
0x2d: {  	s13 =	simm.s32 $0x180;
	[sflag:s12] =	ssyncadd.s32 $0xFFFFC000  }
0x2e: {  	[tilespmem:s8], [sflag:$0x2] =	stream.indirect.gather [hbm4b:s2+s5], $0x80, s13, s5, $0xb8;
	[tilespmem:$0x8800] =	vst v63  }
0x2f: {  	_ =	swait.ge [sflag:s9], $0x4000  }
0x30: {  	[sflag:s9] =	ssyncset.done $0x0  }
0x31: {  	s14 =	rddreg [dreg:$0x8];
	[sflag:s9] =	ssyncadd.s32 $0xFFFFC000  }
0x32: {  	[hbm4b:s14+s3] =	stream.linear.scatter [tilespmem:s8], [sflag:$0x4], $0x4000, $0x38;
	[tilespmem:$0x8800] =	vst v63  }
0x33: {  	_ =	swait.ge [sflag:s10], $0x4000  }
0x34: {  	[sflag:s10] =	ssyncset.done $0x0  }
0x35: {  	s14 =	simm.s32 $0x200;
	[sflag:s10] =	ssyncadd.s32 $0xFFFFC000  }
0x36: {  	[tilespmem:s6], [sflag:$0x1] =	stream.indirect.gather [hbm4b:s2+s5], $0x80, s14, s5, $0xb8;
	[tilespmem:$0x8800] =	vst v63  }
0x37: {  	_ =	swait.ge [sflag:s7], $0x4000  }
0x38: {  	[sflag:s7] =	ssyncset.done $0x0  }
0x39: {  	s15 =	rddreg [dreg:$0x9];
	[sflag:s7] =	ssyncadd.s32 $0xFFFFC000  }
0x3a: {  	[hbm4b:s15+s3] =	stream.linear.scatter [tilespmem:s6], [sflag:$0x3], $0x4000, $0x38;
	[tilespmem:$0x8800] =	vst v63  }
0x3b: {  	_ =	swait.ge [sflag:s12], $0x4000  }
0x3c: {  	[sflag:s12] =	ssyncset.done $0x0  }
0x3d: {  	s15 =	simm.s32 $0x280;
	[sflag:s12] =	ssyncadd.s32 $0xFFFFC000  }
0x3e: {  	[tilespmem:s8], [sflag:$0x2] =	stream.indirect.gather [hbm4b:s2+s5], $0x80, s15, s5, $0xb8;
	[tilespmem:$0x8800] =	vst v63  }
0x3f: {  	_ =	swait.ge [sflag:s9], $0x4000  }
0x40: {  	[sflag:s9] =	ssyncset.done $0x0  }
0x41: {  	s16 =	rddreg [dreg:$0xa];
	[sflag:s9] =	ssyncadd.s32 $0xFFFFC000  }
0x42: {  	[hbm4b:s16+s3] =	stream.linear.scatter [tilespmem:s8], [sflag:$0x4], $0x4000, $0x38;
	[tilespmem:$0x8800] =	vst v63  }
0x43: {  	_ =	swait.ge [sflag:s10], $0x4000  }
0x44: {  	[sflag:s10] =	ssyncset.done $0x0  }
0x45: {  	s16 =	simm.s32 $0x300;
	[sflag:s10] =	ssyncadd.s32 $0xFFFFC000  }
0x46: {  	[tilespmem:s6], [sflag:$0x1] =	stream.indirect.gather [hbm4b:s2+s5], $0x80, s16, s5, $0xb8;
	[tilespmem:$0x8800] =	vst v63  }
0x47: {  	_ =	swait.ge [sflag:s7], $0x4000  }
0x48: {  	[sflag:s7] =	ssyncset.done $0x0  }
0x49: {  	s17 =	rddreg [dreg:$0xb];
	[sflag:s7] =	ssyncadd.s32 $0xFFFFC000  }
0x4a: {  	[hbm4b:s17+s3] =	stream.linear.scatter [tilespmem:s6], [sflag:$0x3], $0x4000, $0x38;
	[tilespmem:$0x8800] =	vst v63  }
0x4b: {  	_ =	swait.ge [sflag:s12], $0x4000  }
0x4c: {  	[sflag:s12] =	ssyncset.done $0x0  }
0x4d: {  	s17 =	simm.s32 $0x380;
	[sflag:s12] =	ssyncadd.s32 $0xFFFFC000  }
0x4e: {  	[tilespmem:s8], [sflag:$0x2] =	stream.indirect.gather [hbm4b:s2+s5], $0x80, s17, s5, $0xb8;
	[tilespmem:$0x8800] =	vst v63  }
0x4f: {  	_ =	swait.ge [sflag:s9], $0x4000  }
0x50: {  	[sflag:s9] =	ssyncset.done $0x0  }
0x51: {  	s18 =	rddreg [dreg:$0xc];
	[sflag:s9] =	ssyncadd.s32 $0xFFFFC000  }
0x52: {  	[hbm4b:s18+s3] =	stream.linear.scatter [tilespmem:s8], [sflag:$0x4], $0x4000, $0x38;
	[tilespmem:$0x8800] =	vst v63  }
0x53: {  	_ =	swait.ge [sflag:s10], $0x4000  }
0x54: {  	[sflag:s10] =	ssyncset.done $0x0  }
0x55: {  	s18 =	simm.s32 $0x400;
	[sflag:s10] =	ssyncadd.s32 $0xFFFFC000  }
0x56: {  	[tilespmem:s6], [sflag:$0x1] =	stream.indirect.gather [hbm4b:s2+s5], $0x80, s18, s5, $0xb8;
	[tilespmem:$0x8800] =	vst v63  }
0x57: {  	_ =	swait.ge [sflag:s7], $0x4000  }
0x58: {  	[sflag:s7] =	ssyncset.done $0x0  }
0x59: {  	s19 =	rddreg [dreg:$0xd];
	[sflag:s7] =	ssyncadd.s32 $0xFFFFC000  }
0x5a: {  	[hbm4b:s19+s3] =	stream.linear.scatter [tilespmem:s6], [sflag:$0x3], $0x4000, $0x38;
	[tilespmem:$0x8800] =	vst v63  }
0x5b: {  	_ =	swait.ge [sflag:s12], $0x4000  }
0x5c: {  	[sflag:s12] =	ssyncset.done $0x0  }
0x5d: {  	s19 =	simm.s32 $0x480;
	[sflag:s12] =	ssyncadd.s32 $0xFFFFC000  }
0x5e: {  	[tilespmem:s8], [sflag:$0x2] =	stream.indirect.gather [hbm4b:s2+s5], $0x80, s19, s5, $0xb8;
	[tilespmem:$0x8800] =	vst v63  }
0x5f: {  	_ =	swait.ge [sflag:s9], $0x4000  }
0x60: {  	[sflag:s9] =	ssyncset.done $0x0  }
0x61: {  	s20 =	rddreg [dreg:$0xe];
	[sflag:s9] =	ssyncadd.s32 $0xFFFFC000  }
0x62: {  	[hbm4b:s20+s3] =	stream.linear.scatter [tilespmem:s8], [sflag:$0x4], $0x4000, $0x38;
	[tilespmem:$0x8800] =	vst v63  }
0x63: {  	_ =	swait.ge [sflag:s10], $0x4000  }
0x64: {  	[sflag:s10] =	ssyncset.done $0x0  }
0x65: {  	s20 =	simm.s32 $0x500;
	[sflag:s10] =	ssyncadd.s32 $0xFFFFC000  }
0x66: {  	[tilespmem:s6], [sflag:$0x1] =	stream.indirect.gather [hbm4b:s2+s5], $0x80, s20, s5, $0xb8;
	[tilespmem:$0x8800] =	vst v63  }
0x67: {  	_ =	swait.ge [sflag:s7], $0x4000  }
0x68: {  	[sflag:s7] =	ssyncset.done $0x0  }
0x69: {  	s21 =	rddreg [dreg:$0xf];
	[sflag:s7] =	ssyncadd.s32 $0xFFFFC000  }
0x6a: {  	[hbm4b:s21+s3] =	stream.linear.scatter [tilespmem:s6], [sflag:$0x3], $0x4000, $0x38;
	[tilespmem:$0x8800] =	vst v63  }
0x6b: {  	_ =	swait.ge [sflag:s12], $0x4000  }
0x6c: {  	[sflag:s12] =	ssyncset.done $0x0  }
0x6d: {  	s21 =	simm.s32 $0x580;
	[sflag:s12] =	ssyncadd.s32 $0xFFFFC000  }
0x6e: {  	[tilespmem:s8], [sflag:$0x2] =	stream.indirect.gather [hbm4b:s2+s5], $0x80, s21, s5, $0xb8;
	[tilespmem:$0x8800] =	vst v63  }
0x6f: {  	_ =	swait.ge [sflag:s9], $0x4000  }
0x70: {  	[sflag:s9] =	ssyncset.done $0x0  }
0x71: {  	s22 =	sadd.s32 $0x7E00, s31;
	[sflag:s9] =	ssyncadd.s32 $0xFFFFC000  }
0x72: {  	[hbm4b:s22+s3] =	stream.linear.scatter [tilespmem:s8], [sflag:$0x4], $0x4000, $0x38;
	[tilespmem:$0x8800] =	vst v63  }
0x73: {  	_ =	swait.ge [sflag:s10], $0x4000  }
0x74: {  	[sflag:s10] =	ssyncset.done $0x0  }
0x75: {  	s23 =	simm.s32 $0x600;
	[sflag:s10] =	ssyncadd.s32 $0xFFFFC000  }
0x76: {  	[tilespmem:s6], [sflag:$0x1] =	stream.indirect.gather [hbm4b:s2+s5], $0x80, s23, s5, $0xb8;
	[tilespmem:$0x8800] =	vst v63  }
0x77: {  	_ =	swait.ge [sflag:s7], $0x4000  }
0x78: {  	[sflag:s7] =	ssyncset.done $0x0  }
0x79: {  	s24 =	sadd.s32 $0x8600, s31;
	[sflag:s7] =	ssyncadd.s32 $0xFFFFC000  }
0x7a: {  	[hbm4b:s24+s3] =	stream.linear.scatter [tilespmem:s6], [sflag:$0x3], $0x4000, $0x38;
	[tilespmem:$0x8800] =	vst v63  }
0x7b: {  	_ =	swait.ge [sflag:s12], $0x4000  }
0x7c: {  	[sflag:s12] =	ssyncset.done $0x0  }
0x7d: {  	s25 =	simm.s32 $0x680;
	[sflag:s12] =	ssyncadd.s32 $0xFFFFC000  }
0x7e: {  	[tilespmem:s8], [sflag:$0x2] =	stream.indirect.gather [hbm4b:s2+s5], $0x80, s25, s5, $0xb8;
	[tilespmem:$0x8800] =	vst v63  }
0x7f: {  	_ =	swait.ge [sflag:s9], $0x4000  }
0x80: {  	[sflag:s9] =	ssyncset.done $0x0  }
0x81: {  	s26 =	sadd.s32 $0x8E00, s31;
	[sflag:s9] =	ssyncadd.s32 $0xFFFFC000  }
0x82: {  	[hbm4b:s26+s3] =	stream.linear.scatter [tilespmem:s8], [sflag:$0x4], $0x4000, $0x38;
	[tilespmem:$0x8800] =	vst v63  }
0x83: {  	_ =	swait.ge [sflag:s10], $0x4000  }
0x84: {  	[sflag:s10] =	ssyncset.done $0x0  }
0x85: {  	s28 =	simm.s32 $0x700;
	[sflag:s10] =	ssyncadd.s32 $0xFFFFC000  }
0x86: {  	[tilespmem:s6], [sflag:$0x1] =	stream.indirect.gather [hbm4b:s2+s5], $0x80, s28, s5, $0xb8;
	[tilespmem:$0x8800] =	vst v63  }
0x87: {  	_ =	swait.ge [sflag:s7], $0x4000  }
0x88: {  	[sflag:s7] =	ssyncset.done $0x0  }
0x89: {  	s29 =	sadd.s32 $0x9600, s31;
	[sflag:s7] =	ssyncadd.s32 $0xFFFFC000  }
0x8a: {  	[hbm4b:s29+s3] =	stream.linear.scatter [tilespmem:s6], [sflag:$0x3], $0x4000, $0x38;
	[tilespmem:$0x8800] =	vst v63  }
0x8b: {  	_ =	swait.ge [sflag:s12], $0x4000  }
0x8c: {  	s1 =	ssub.s32 $0x2, s1;
	[sflag:s12] =	ssyncset.done $0x0  }
0x8d: {  	s30 =	simm.s32 $0x780;
	s0 =	sshrl.u32 s1, $0x1;
	[sflag:s12] =	ssyncadd.s32 $0xFFFFC000  }
0x8e: {  	[tilespmem:s8], [sflag:$0x2] =	stream.indirect.gather [hbm4b:s2+s5], $0x80, s30, s5, $0xb8;
	[tilespmem:$0x8800] =	vst v63  }
0x8f: {  	s0 =	ssub.s32 s1, s0;
	_ =	swait.ge [sflag:s9], $0x4000  }
0x90: {  	s0 =	smax.u32 s0, $0x1;
	[sflag:s9] =	ssyncset.done $0x0  }
0x91: {  	p0 =	sne.s32 s0, $0x1;
	s31 =	sadd.s32 $0x9E00, s31;
	[sflag:s9] =	ssyncadd.s32 $0xFFFFC000  }
0x92: {  	[hbm4b:s31+s3] =	stream.linear.scatter [tilespmem:s8], [sflag:$0x4], $0x4000, $0x38;
	[tilespmem:$0x8800] =	vst v63  }
.Ltmp0:
0x93: {  	_ =	swait.ge [sflag:s12], $0x4000;
	(pc) =	sbr.rel @!p0 .LBB2_2-.Ltmp0, $4  }
0x94: {  	[sflag:s12] =	ssyncset.done $0x0  }
0x95: {  	[sflag:s12] =	ssyncadd.s32 $0xFFFFC000  }
0x96: {  	_ =	swait.ge [sflag:s10], $0x4000  }
0x97: {  	s1 =	sadd.s32 $0xFFFFFFFF, s0;
	[sflag:s10] =	ssyncset.done $0x0  }
.LBB2_1:
0x98: {  	s0 =	rddreg [dreg:$0x4];
	[sflag:s10] =	ssyncadd.s32 $0xFFFFC000  }
0x99: {  	[tilespmem:s3], [sflag:$0x5] =	stream.linear.gather [hbm4b:s0+s3], $0x800, $0x38;
	[tilespmem:$0x8800] =	vst v63  }
0x9a: {  	_ =	swait.ge [sflag:s4], $0x800  }
0x9b: {  	[sflag:s4] =	ssyncset.done $0x0  }
0x9c: {  	[sflag:s4] =	ssyncadd.s32 $0xFFFFF800  }
0x9d: {  	[tilespmem:s6], [sflag:$0x1] =	stream.indirect.gather [hbm4b:s2+s5], $0x80, s3, s5, $0xb8;
	[tilespmem:$0x8800] =	vst v63  }
0x9e: {  	_ =	swait.ge [sflag:s7], $0x4000  }
0x9f: {  	[sflag:s7] =	ssyncset.done $0x0  }
0xa0: {  	s0 =	rddreg [dreg:$0x5];
	[sflag:s7] =	ssyncadd.s32 $0xFFFFC000  }
0xa1: {  	[hbm4b:s0+s3] =	stream.linear.scatter [tilespmem:s6], [sflag:$0x3], $0x4000, $0x38;
	[tilespmem:$0x8800] =	vst v63  }
0xa2: {  	_ = 	snop  }
0xa3: {  	[tilespmem:s8], [sflag:$0x2] =	stream.indirect.gather [hbm4b:s2+s5], $0x80, s5, s5, $0xb8;
	[tilespmem:$0x8800] =	vst v63  }
0xa4: {  	_ =	swait.ge [sflag:s9], $0x4000  }
0xa5: {  	[sflag:s9] =	ssyncset.done $0x0  }
0xa6: {  	s0 =	rddreg [dreg:$0x6];
	[sflag:s9] =	ssyncadd.s32 $0xFFFFC000  }
0xa7: {  	[hbm4b:s0+s3] =	stream.linear.scatter [tilespmem:s8], [sflag:$0x4], $0x4000, $0x38;
	[tilespmem:$0x8800] =	vst v63  }
0xa8: {  	_ =	swait.ge [sflag:s10], $0x4000  }
0xa9: {  	[sflag:s10] =	ssyncset.done $0x0  }
0xaa: {  	[sflag:s10] =	ssyncadd.s32 $0xFFFFC000  }
0xab: {  	[tilespmem:s6], [sflag:$0x1] =	stream.indirect.gather [hbm4b:s2+s5], $0x80, s11, s5, $0xb8;
	[tilespmem:$0x8800] =	vst v63  }
0xac: {  	_ =	swait.ge [sflag:s7], $0x4000  }
0xad: {  	[sflag:s7] =	ssyncset.done $0x0  }
0xae: {  	s0 =	rddreg [dreg:$0x7];
	[sflag:s7] =	ssyncadd.s32 $0xFFFFC000  }
0xaf: {  	[hbm4b:s0+s3] =	stream.linear.scatter [tilespmem:s6], [sflag:$0x3], $0x4000, $0x38;
	[tilespmem:$0x8800] =	vst v63  }
0xb0: {  	_ =	swait.ge [sflag:s12], $0x4000  }
0xb1: {  	[sflag:s12] =	ssyncset.done $0x0  }
0xb2: {  	[sflag:s12] =	ssyncadd.s32 $0xFFFFC000  }
0xb3: {  	[tilespmem:s8], [sflag:$0x2] =	stream.indirect.gather [hbm4b:s2+s5], $0x80, s13, s5, $0xb8;
	[tilespmem:$0x8800] =	vst v63  }
0xb4: {  	_ =	swait.ge [sflag:s9], $0x4000  }
0xb5: {  	[sflag:s9] =	ssyncset.done $0x0  }
0xb6: {  	s0 =	rddreg [dreg:$0x8];
	[sflag:s9] =	ssyncadd.s32 $0xFFFFC000  }
0xb7: {  	[hbm4b:s0+s3] =	stream.linear.scatter [tilespmem:s8], [sflag:$0x4], $0x4000, $0x38;
	[tilespmem:$0x8800] =	vst v63  }
0xb8: {  	_ =	swait.ge [sflag:s10], $0x4000  }
0xb9: {  	[sflag:s10] =	ssyncset.done $0x0  }
0xba: {  	[sflag:s10] =	ssyncadd.s32 $0xFFFFC000  }
0xbb: {  	[tilespmem:s6], [sflag:$0x1] =	stream.indirect.gather [hbm4b:s2+s5], $0x80, s14, s5, $0xb8;
	[tilespmem:$0x8800] =	vst v63  }
0xbc: {  	_ =	swait.ge [sflag:s7], $0x4000  }
0xbd: {  	[sflag:s7] =	ssyncset.done $0x0  }
0xbe: {  	s0 =	rddreg [dreg:$0x9];
	[sflag:s7] =	ssyncadd.s32 $0xFFFFC000  }
0xbf: {  	[hbm4b:s0+s3] =	stream.linear.scatter [tilespmem:s6], [sflag:$0x3], $0x4000, $0x38;
	[tilespmem:$0x8800] =	vst v63  }
0xc0: {  	_ =	swait.ge [sflag:s12], $0x4000  }
0xc1: {  	[sflag:s12] =	ssyncset.done $0x0  }
0xc2: {  	[sflag:s12] =	ssyncadd.s32 $0xFFFFC000  }
0xc3: {  	[tilespmem:s8], [sflag:$0x2] =	stream.indirect.gather [hbm4b:s2+s5], $0x80, s15, s5, $0xb8;
	[tilespmem:$0x8800] =	vst v63  }
0xc4: {  	_ =	swait.ge [sflag:s9], $0x4000  }
0xc5: {  	[sflag:s9] =	ssyncset.done $0x0  }
0xc6: {  	s0 =	rddreg [dreg:$0xa];
	[sflag:s9] =	ssyncadd.s32 $0xFFFFC000  }
0xc7: {  	[hbm4b:s0+s3] =	stream.linear.scatter [tilespmem:s8], [sflag:$0x4], $0x4000, $0x38;
	[tilespmem:$0x8800] =	vst v63  }
0xc8: {  	_ =	swait.ge [sflag:s10], $0x4000  }
0xc9: {  	[sflag:s10] =	ssyncset.done $0x0  }
0xca: {  	[sflag:s10] =	ssyncadd.s32 $0xFFFFC000  }
0xcb: {  	[tilespmem:s6], [sflag:$0x1] =	stream.indirect.gather [hbm4b:s2+s5], $0x80, s16, s5, $0xb8;
	[tilespmem:$0x8800] =	vst v63  }
0xcc: {  	_ =	swait.ge [sflag:s7], $0x4000  }
0xcd: {  	[sflag:s7] =	ssyncset.done $0x0  }
0xce: {  	s0 =	rddreg [dreg:$0xb];
	[sflag:s7] =	ssyncadd.s32 $0xFFFFC000  }
0xcf: {  	[hbm4b:s0+s3] =	stream.linear.scatter [tilespmem:s6], [sflag:$0x3], $0x4000, $0x38;
	[tilespmem:$0x8800] =	vst v63  }
0xd0: {  	_ =	swait.ge [sflag:s12], $0x4000  }
0xd1: {  	[sflag:s12] =	ssyncset.done $0x0  }
0xd2: {  	[sflag:s12] =	ssyncadd.s32 $0xFFFFC000  }
0xd3: {  	[tilespmem:s8], [sflag:$0x2] =	stream.indirect.gather [hbm4b:s2+s5], $0x80, s17, s5, $0xb8;
	[tilespmem:$0x8800] =	vst v63  }
0xd4: {  	_ =	swait.ge [sflag:s9], $0x4000  }
0xd5: {  	[sflag:s9] =	ssyncset.done $0x0  }
0xd6: {  	s0 =	rddreg [dreg:$0xc];
	[sflag:s9] =	ssyncadd.s32 $0xFFFFC000  }
0xd7: {  	[hbm4b:s0+s3] =	stream.linear.scatter [tilespmem:s8], [sflag:$0x4], $0x4000, $0x38;
	[tilespmem:$0x8800] =	vst v63  }
0xd8: {  	_ =	swait.ge [sflag:s10], $0x4000  }
0xd9: {  	[sflag:s10] =	ssyncset.done $0x0  }
0xda: {  	[sflag:s10] =	ssyncadd.s32 $0xFFFFC000  }
0xdb: {  	[tilespmem:s6], [sflag:$0x1] =	stream.indirect.gather [hbm4b:s2+s5], $0x80, s18, s5, $0xb8;
	[tilespmem:$0x8800] =	vst v63  }
0xdc: {  	_ =	swait.ge [sflag:s7], $0x4000  }
0xdd: {  	[sflag:s7] =	ssyncset.done $0x0  }
0xde: {  	s0 =	rddreg [dreg:$0xd];
	[sflag:s7] =	ssyncadd.s32 $0xFFFFC000  }
0xdf: {  	[hbm4b:s0+s3] =	stream.linear.scatter [tilespmem:s6], [sflag:$0x3], $0x4000, $0x38;
	[tilespmem:$0x8800] =	vst v63  }
0xe0: {  	_ =	swait.ge [sflag:s12], $0x4000  }
0xe1: {  	[sflag:s12] =	ssyncset.done $0x0  }
0xe2: {  	[sflag:s12] =	ssyncadd.s32 $0xFFFFC000  }
0xe3: {  	[tilespmem:s8], [sflag:$0x2] =	stream.indirect.gather [hbm4b:s2+s5], $0x80, s19, s5, $0xb8;
	[tilespmem:$0x8800] =	vst v63  }
0xe4: {  	_ =	swait.ge [sflag:s9], $0x4000  }
0xe5: {  	[sflag:s9] =	ssyncset.done $0x0  }
0xe6: {  	s0 =	rddreg [dreg:$0xe];
	[sflag:s9] =	ssyncadd.s32 $0xFFFFC000  }
0xe7: {  	[hbm4b:s0+s3] =	stream.linear.scatter [tilespmem:s8], [sflag:$0x4], $0x4000, $0x38;
	[tilespmem:$0x8800] =	vst v63  }
0xe8: {  	_ =	swait.ge [sflag:s10], $0x4000  }
0xe9: {  	[sflag:s10] =	ssyncset.done $0x0  }
0xea: {  	[sflag:s10] =	ssyncadd.s32 $0xFFFFC000  }
0xeb: {  	[tilespmem:s6], [sflag:$0x1] =	stream.indirect.gather [hbm4b:s2+s5], $0x80, s20, s5, $0xb8;
	[tilespmem:$0x8800] =	vst v63  }
0xec: {  	_ =	swait.ge [sflag:s7], $0x4000  }
0xed: {  	[sflag:s7] =	ssyncset.done $0x0  }
0xee: {  	s0 =	rddreg [dreg:$0xf];
	[sflag:s7] =	ssyncadd.s32 $0xFFFFC000  }
0xef: {  	[hbm4b:s0+s3] =	stream.linear.scatter [tilespmem:s6], [sflag:$0x3], $0x4000, $0x38;
	[tilespmem:$0x8800] =	vst v63  }
0xf0: {  	_ =	swait.ge [sflag:s12], $0x4000  }
0xf1: {  	[sflag:s12] =	ssyncset.done $0x0  }
0xf2: {  	[sflag:s12] =	ssyncadd.s32 $0xFFFFC000  }
0xf3: {  	[tilespmem:s8], [sflag:$0x2] =	stream.indirect.gather [hbm4b:s2+s5], $0x80, s21, s5, $0xb8;
	[tilespmem:$0x8800] =	vst v63  }
0xf4: {  	_ =	swait.ge [sflag:s9], $0x4000  }
0xf5: {  	[sflag:s9] =	ssyncset.done $0x0  }
0xf6: {  	[sflag:s9] =	ssyncadd.s32 $0xFFFFC000  }
0xf7: {  	[hbm4b:s22+s3] =	stream.linear.scatter [tilespmem:s8], [sflag:$0x4], $0x4000, $0x38;
	[tilespmem:$0x8800] =	vst v63  }
0xf8: {  	_ =	swait.ge [sflag:s10], $0x4000  }
0xf9: {  	[sflag:s10] =	ssyncset.done $0x0  }
0xfa: {  	[sflag:s10] =	ssyncadd.s32 $0xFFFFC000  }
0xfb: {  	[tilespmem:s6], [sflag:$0x1] =	stream.indirect.gather [hbm4b:s2+s5], $0x80, s23, s5, $0xb8;
	[tilespmem:$0x8800] =	vst v63  }
0xfc: {  	_ =	swait.ge [sflag:s7], $0x4000  }
0xfd: {  	[sflag:s7] =	ssyncset.done $0x0  }
0xfe: {  	[sflag:s7] =	ssyncadd.s32 $0xFFFFC000  }
0xff: {  	[hbm4b:s24+s3] =	stream.linear.scatter [tilespmem:s6], [sflag:$0x3], $0x4000, $0x38;
	[tilespmem:$0x8800] =	vst v63  }
0x100: {  	_ =	swait.ge [sflag:s12], $0x4000  }
0x101: {  	[sflag:s12] =	ssyncset.done $0x0  }
0x102: {  	[sflag:s12] =	ssyncadd.s32 $0xFFFFC000  }
0x103: {  	[tilespmem:s8], [sflag:$0x2] =	stream.indirect.gather [hbm4b:s2+s5], $0x80, s25, s5, $0xb8;
	[tilespmem:$0x8800] =	vst v63  }
0x104: {  	_ =	swait.ge [sflag:s9], $0x4000  }
0x105: {  	[sflag:s9] =	ssyncset.done $0x0  }
0x106: {  	[sflag:s9] =	ssyncadd.s32 $0xFFFFC000  }
0x107: {  	[hbm4b:s26+s3] =	stream.linear.scatter [tilespmem:s8], [sflag:$0x4], $0x4000, $0x38;
	[tilespmem:$0x8800] =	vst v63  }
0x108: {  	_ =	swait.ge [sflag:s10], $0x4000  }
0x109: {  	[sflag:s10] =	ssyncset.done $0x0  }
0x10a: {  	[sflag:s10] =	ssyncadd.s32 $0xFFFFC000  }
0x10b: {  	[tilespmem:s6], [sflag:$0x1] =	stream.indirect.gather [hbm4b:s2+s5], $0x80, s28, s5, $0xb8;
	[tilespmem:$0x8800] =	vst v63  }
0x10c: {  	_ =	swait.ge [sflag:s7], $0x4000  }
0x10d: {  	[sflag:s7] =	ssyncset.done $0x0  }
0x10e: {  	[sflag:s7] =	ssyncadd.s32 $0xFFFFC000  }
0x10f: {  	[hbm4b:s29+s3] =	stream.linear.scatter [tilespmem:s6], [sflag:$0x3], $0x4000, $0x38;
	[tilespmem:$0x8800] =	vst v63  }
0x110: {  	_ =	swait.ge [sflag:s12], $0x4000  }
0x111: {  	[sflag:s12] =	ssyncset.done $0x0  }
0x112: {  	[sflag:s12] =	ssyncadd.s32 $0xFFFFC000  }
0x113: {  	[tilespmem:s8], [sflag:$0x2] =	stream.indirect.gather [hbm4b:s2+s5], $0x80, s30, s5, $0xb8;
	[tilespmem:$0x8800] =	vst v63  }
0x114: {  	_ =	swait.ge [sflag:s9], $0x4000  }
0x115: {  	[sflag:s9] =	ssyncset.done $0x0  }
0x116: {  	p0 =	sne.s32 s1, $0x1;
	[sflag:s9] =	ssyncadd.s32 $0xFFFFC000  }
0x117: {  	[hbm4b:s31+s3] =	stream.linear.scatter [tilespmem:s8], [sflag:$0x4], $0x4000, $0x38;
	[tilespmem:$0x8800] =	vst v63  }
.Ltmp1:
0x118: {  	_ =	swait.ge [sflag:s12], $0x4000;
	(pc) =	sbr.rel @p0 .LBB2_1-.Ltmp1, $4  }
0x119: {  	[sflag:s12] =	ssyncset.done $0x0  }
0x11a: {  	[sflag:s12] =	ssyncadd.s32 $0xFFFFC000  }
0x11b: {  	_ =	swait.ge [sflag:s10], $0x4000  }
0x11c: {  	s1 =	sadd.s32 $0xFFFFFFFF, s1;
	[sflag:s10] =	ssyncset.done $0x0  }
.LBB2_2:
0x11d: {  	[sflag:s10] =	ssyncadd.s32 $0xFFFFC000  }
0x11e: {  	_ =	sfence.sel $0x180000  }
0x11f: {  	[bflag:$0x0] =	sbarrier.arrive $0xFFFF  }
0x120: {  	_ =	strace $0x90000047  }
0x121: {  	s0 =	stileid.u32;
	[bflag:$0x2] =	sbarrier.arrive $0xFFFF  }
0x122: {  	p0 =	sne.s32 s0, $0x0;
	s0 =	rddreg [dreg:$0x3]  }
0x123: {  	s0 =	sadd.s32 @!p0 $0x100000, s0  }
0x124: {  	[sflag:s0] =	ssyncadd.tile.s32 @!p0 $0x1;
	_ =	shalt  }
.Lfunc_end2:
_tile_overlayer_lowered:
.L_overlay_start_2:
0x125: {  	(tag) =	ssettag $0x2  }
0x126: {  	s0 =	rddreg [dreg:$0x0];
	s2 =	stileid.u32  }
0x127: {  	s1 =	rddreg [dreg:$0x1];
	p0 =	sne.s32 s2, $0x0  }
0x128: {  	s3 =	rddreg [dreg:$0x2];
	[bflag:$0x3] =	sbarrier.arrive $0xFFFF;
	s2 =	simm.s32 @!p0 $0x1C05  }
0x129: {  	[timem:s3], [sflag:s2] =	dma.local @!p0 [hbm:s0], s1  }
0x12a: {  	s0 =	simm.s32 @!p0 $0x5  }
0x12b: {  	_ =	swait.ge @!p0 [sflag:s0], s1  }
0x12c: {  	s1 =	ssub.s32 @!p0 $0x0, s1;
	[sflag:s0] =	ssyncset.done @!p0 $0x0  }
0x12d: {  	[sflag:s0] =	ssyncadd.s32 @!p0 s1  }
0x12e: {  	[bflag:$0x3] =	sbarrier.arrive $0xFFFF  }
0x12f: {  	_ =	shalt  }

// kernel: kernel.9.cloned.1.call-start
scs
__scs_entry_jumppad:
0x0: {  	(pc) =	sbr.rel $0x88, $3  }
0x1: {  	(tag) =	ssettag $0x0;
	lr =	simm.s32 $0x1  }
0x2: {  	[smem:$0x3F93] =	sst lr;
	_ =	strace $0xD0000000  }
0x3: {  	_ = 	snop  }
0x4: {  	_ = 	snop  }
0x5: {  	_ = 	snop  }
0x6: {  	_ = 	snop  }
0x7: {  	_ = 	snop  }
__scs_overlays_trampoline_lowered:
0x8: {  	[smem:$0x3FA2] =	sst s0  }
0x9: {  	[smem:$0x3FA3] =	sst s1  }
0xa: {  	[smem:$0x3FA4] =	sst s2  }
0xb: {  	[smem:$0x3FA5] =	sst s3  }
0xc: {  	[smem:$0x3FA6] =	sst s4  }
0xd: {  	[smem:$0x3FA7] =	sst s5  }
0xe: {  	[smem:$0x3FA8] =	sst s6  }
0xf: {  	[smem:$0x3FA9] =	sst s7  }
0x10: {  	[smem:$0x3FAA] =	sst s8  }
0x11: {  	[smem:$0x3FAB] =	sst s9;
	s0 =	simm.s32 @!p0 $0x0  }
0x12: {  	s1 =	sld [smem:$0x3F91];
	s0 =	simm.s32 @p0 $0x1  }
0x13: {  	[smem:$0x3FAC] =	sst s0;
	s0 =	simm.s32 @!p1 $0x0  }
0x14: {  	s2 =	sld [smem:$0x3F90];
	s0 =	simm.s32 @p1 $0x1  }
0x15: {  	[smem:$0x3FAD] =	sst s0;
	s0 =	simm.s32 @!p2 $0x0  }
0x16: {  	s3 =	sld [smem:$0x3FDB];
	s0 =	simm.s32 @p2 $0x1  }
0x17: {  	s4 =	simm.s32 $0x1BF5;
	[smem:$0x3FAF] =	sst s0  }
0x18: {  	s0 =	sld [smem:$0x3F92];
	_ =	swait.ge [sflag:s4], $0x0  }
0x19: {  	s7 =	sld [smem:$0x3F93]  }
0x1a: {  	s8 =	sadd.s32 $0xFFFFE003, lr  }
0x1b: {  	s9 =	sadd.s32 $0xFFFFFEF7, lr;
	s5 =	simm.s32 $0xFFFFFFFF;
	p2 =	slt.u32 s8, $0xFFFFF086  }
0x1c: {  	p1 =	slt.u32 s9, $0xF7A;
	s5 =	simm.s32 @!p2 $0x0  }
0x1d: {  	s5 =	simm.s32 @p1 $0x1;
	p0 =	seq.s32 s7, s2  }
0x1e: {  	s7 =	smul.u32 @!p0 $0xF7A, s2;
	p2 =	seq.s32 @!p0 s5, $0x0  }
0x1f: {  	s9 =	smul.u32 $0xF7A, s1;
	s8 =	simm.s32 @!p0 $0x1BF5;
	p2 =	por !p2, p0  }
0x20: {  	[sflag:s8] =	ssyncset.s32 @!p0 $0xFFFFF086;
	s6 =	sadd.s32 @!p0 s3, s7;
	s7 =	simm.s32 @!p0 $0x108  }
0x21: {  	s3 =	sadd.s32 s3, s9;
	s6 =	sadd.s32 @!p0 $0x88, s6;
	s7 =	simm.s32 @p2 $0x1082  }
0x22: {  	[simem:s7], [sflag:s8] =	dma.local @!p0 [hbm:s6], $0xF7A  }
0x23: {  	s9 =	sor.u32 $0xD0000000, s2;
	s6 =	simm.s32 $0x108;
	_ =	swait.ge @!p0 [sflag:s8], $0x0  }
0x24: {  	s3 =	sadd.s32 $0x88, s3;
	s6 =	simm.s32 @!p1 $0x1082;
	[sflag:s4] =	ssyncset.s32 $0xFFFFF086  }
0x25: {  	[simem:s6], [sflag:s4] =	dma.local [hbm:s3], $0xF7A  }
0x26: {  	[smem:$0x3F93] =	sst s1;
	(tag) =	ssettag s2;
	_ =	strace s9  }
0x27: {  	s1 =	sld [smem:$0x3FA3]  }
0x28: {  	s2 =	sld [smem:$0x3FA4]  }
0x29: {  	s4 =	sld [smem:$0x3FA6]  }
0x2a: {  	p0 =	seq.s32 s5, $0x0;
	s5 =	sld [smem:$0x3FA7]  }
0x2b: {  	s6 =	sld [smem:$0x3FA8]  }
0x2c: {  	s7 =	sld [smem:$0x3FA9]  }
0x2d: {  	s3 =	simm.s32 $0x108;
	s8 =	sld [smem:$0x3FAA]  }
0x2e: {  	s3 =	simm.s32 @!p0 $0x1082;
	s9 =	sld [smem:$0x3FAB]  }
0x2f: {  	lr =	sadd.s32 s0, s3;
	s0 =	sld [smem:$0x3FA2]  }
0x30: {  	s3 =	sld [smem:$0x3FA5]  }
0x31: {  	[smem:$0x3FAE] =	sst s10  }
0x32: {  	s10 =	sld [smem:$0x3FAC];
	_ =	sdelay $0x3  }
0x33: {  	p0 =	seq.s32 s10, $0x1;
	s10 =	sld [smem:$0x3FAE];
	_ =	sdelay $0x3  }
0x34: {  	[smem:$0x3FAE] =	sst s10  }
0x35: {  	s10 =	sld [smem:$0x3FAD];
	_ =	sdelay $0x3  }
0x36: {  	p1 =	seq.s32 s10, $0x1;
	s10 =	sld [smem:$0x3FAE];
	_ =	sdelay $0x3  }
0x37: {  	[smem:$0x3FAE] =	sst s10  }
0x38: {  	s10 =	sld [smem:$0x3FAF]  }
0x39: {  	_ = 	snop;
	(pc) =	sbr.ind lr, $3  }
0x3a: {  	_ = 	snop  }
0x3b: {  	_ = 	snop  }
0x3c: {  	p2 =	seq.s32 s10, $0x1;
	s10 =	sld [smem:$0x3FAE]  }
0x3d: {  	_ =	shalt  }
0x3e: {  	_ =	shalt  }
0x3f: {  	_ =	shalt  }
0x40: {  	_ =	shalt  }
0x41: {  	_ =	shalt  }
0x42: {  	_ =	shalt  }
0x43: {  	_ =	shalt  }
0x44: {  	_ =	shalt  }
0x45: {  	_ =	shalt  }
0x46: {  	_ =	shalt  }
0x47: {  	_ =	shalt  }
0x48: {  	_ =	shalt  }
0x49: {  	_ =	shalt  }
0x4a: {  	_ =	shalt  }
0x4b: {  	_ =	shalt  }
0x4c: {  	_ =	shalt  }
0x4d: {  	_ =	shalt  }
0x4e: {  	_ =	shalt  }
0x4f: {  	_ =	shalt  }
0x50: {  	_ =	shalt  }
0x51: {  	_ =	shalt  }
0x52: {  	_ =	shalt  }
0x53: {  	_ =	shalt  }
0x54: {  	_ =	shalt  }
0x55: {  	_ =	shalt  }
0x56: {  	_ =	shalt  }
0x57: {  	_ =	shalt  }
0x58: {  	_ =	shalt  }
0x59: {  	_ =	shalt  }
0x5a: {  	_ =	shalt  }
0x5b: {  	_ =	shalt  }
0x5c: {  	_ =	shalt  }
0x5d: {  	_ =	shalt  }
0x5e: {  	_ =	shalt  }
0x5f: {  	_ =	shalt  }
0x60: {  	_ =	shalt  }
0x61: {  	_ =	shalt  }
0x62: {  	_ =	shalt  }
0x63: {  	_ =	shalt  }
0x64: {  	_ =	shalt  }
0x65: {  	_ =	shalt  }
0x66: {  	_ =	shalt  }
0x67: {  	_ =	shalt  }
0x68: {  	_ =	shalt  }
0x69: {  	_ =	shalt  }
0x6a: {  	_ =	shalt  }
0x6b: {  	_ =	shalt  }
0x6c: {  	_ =	shalt  }
0x6d: {  	_ =	shalt  }
0x6e: {  	_ =	shalt  }
0x6f: {  	_ =	shalt  }
0x70: {  	_ =	shalt  }
0x71: {  	_ =	shalt  }
0x72: {  	_ =	shalt  }
0x73: {  	_ =	shalt  }
0x74: {  	_ =	shalt  }
0x75: {  	_ =	shalt  }
0x76: {  	_ =	shalt  }
0x77: {  	_ =	shalt  }
0x78: {  	_ =	shalt  }
0x79: {  	_ =	shalt  }
0x7a: {  	_ =	shalt  }
0x7b: {  	_ =	shalt  }
0x7c: {  	_ =	shalt  }
0x7d: {  	_ =	shalt  }
0x7e: {  	_ =	shalt  }
0x7f: {  	_ =	shalt  }
0x80: {  	_ =	shalt  }
0x81: {  	_ =	shalt  }
0x82: {  	_ =	shalt  }
0x83: {  	_ =	shalt  }
0x84: {  	_ =	shalt  }
0x85: {  	_ =	shalt  }
0x86: {  	_ =	shalt  }
0x87: {  	_ =	shalt  }
.Lfunc_end0:
.L_simem_size_0:
called_computation_lowered:
.L_overlay_start_0:
0x88: {  	s2 =	sld [smem:$0x3FD9]  }
0x89: {  	s3 =	sld [smem:$0x3FFE];
	_ =	sdelay $0x1  }
0x8a: {  	s1 =	srdreg.scid  }
0x8b: {  	s0 =	sand.u32 $0x1, s1  }
0x8c: {  	s15 =	sshll.u32 s0, $0xA;
	s2 =	sadd.s32 s3, s2  }
0x8d: {  	s2 =	sadd.s32 s2, s15  }
0x8e: {  	[smem:$0x3FBA] =	sst s2  }
0x8f: {  	_ = 	snop  }
0x90: {  	s16 =	sld [smem:$0x3FD0];
	_ =	sdelay $0x2  }
0x91: {  	s4 =	simm.s32 $0xB;
	s5 =	simm.s32 $0x10;
	s2 =	sld [smem:$0x3FC7]  }
0x92: {  	[smem:s5], [sflag:s4] =	dma.local [hbm:s16], $0x1  }
0x93: {  	_ =	swait.eq [sflag:s4], $0x1  }
0x94: {  	[sflag:s4] =	ssyncset.done $0x0  }
0x95: {  	[sflag:s4] =	ssyncadd.s32 $0xFFFFFFFF  }
0x96: {  	s17 =	sld [smem:$0x11];
	(tm) =	ssettm $0x1  }
0x97: {  	s18 =	sld [smem:$0x3FFB];
	_ =	sdelay $0x3  }
0x98: {  	_ =	strace s18  }
0x99: {  	s3 =	sld [smem:$0x3FFC];
	_ =	sdelay $0x3  }
0x9a: {  	_ =	strace s3  }
0x9b: {  	s3 =	sld [smem:$0x3FFD];
	_ =	sdelay $0x3  }
0x9c: {  	_ =	strace s3  }
0x9d: {  	_ =	strace $0x8FFFFFFF  }
0x9e: {  	s19 =	sld [smem:$0x3FDB];
	_ =	sdelay $0x1  }
0x9f: {  	s20 =	simm.s32 $_scs_section_size  }
0xa0: {  	s6 =	simm.s32 $_size__tile_overlayer_lowered;
	s7 =	simm.s32 $_tile_overlayer_lowered  }
0xa1: {  	s8 =	simm.s32 $0x1BFF;
	s21 =	sshll.u32 s7, $0x1;
	s5 =	sadd.s32 s20, s19  }
0xa2: {  	s22 =	simm.s32 $0x0;
	s6 =	sshll.u32 s6, $0x1;
	s7 =	sadd.s32 s21, s5  }
0xa3: {  	[timem:s22], [sflag:s8] =	dma.local [hbm:s7], s6  }
0xa4: {  	_ =	swait.ge [sflag:s8], s6  }
0xa5: {  	s6 =	ssub.s32 $0x0, s6;
	[sflag:s8] =	ssyncset.done $0x0  }
0xa6: {  	[sflag:s8] =	ssyncadd.s32 s6;
	_ =	sdelay $0x1  }
0xa7: {  	s23 =	simm.s32 $0x1B8B  }
0xa8: {  	_ =	swait.ge [sflag:s23], $0x1  }
0xa9: {  	[sflag:s23] =	ssyncset.done $0x0  }
0xaa: {  	[sflag:s23] =	ssyncadd.s32 $0xFFFFFFFF  }
0xab: {  	s6 =	sld [smem:$0x0]  }
0xac: {  	s7 =	sand.u32 $0xFFFFFFFE, s1  }
0xad: {  	p0 =	sne.s32 s1, s7  }
0xae: {  	s7 =	sshll.u32 @p0 s7, $0xE  }
0xaf: {  	s7 =	sadd.s32 @p0 $0x11B8D, s7;
	s8 =	sshll.u32 @p0 s6, $0x11  }
0xb0: {  	s7 =	sor.u32 @p0 s8, s7  }
0xb1: {  	[sflag:s7] =	ssyncadd.remote.s32 @p0 $0x1;
	_ =	sdelay $0x1  }
0xb2: {  	s7 =	simm.s32 @p0 $0x1B8D  }
0xb3: {  	_ =	swait.eq @p0 [sflag:s7], $0x1  }
0xb4: {  	[sflag:s7] =	ssyncadd.s32 @p0 $0xFFFFFFFF  }
0xb5: {  	s8 =	sshll.u32 @!p0 s1, $0xE  }
0xb6: {  	s8 =	sor.u32 @!p0 $0x4000, s8;
	s7 =	simm.s32 @!p0 $0x1B8D  }
0xb7: {  	s6 =	sshll.u32 @!p0 s6, $0x11;
	s8 =	sadd.s32 @!p0 $0x11B8D, s8;
	_ =	swait.eq @!p0 [sflag:s7], $0x1  }
0xb8: {  	s6 =	sor.u32 @!p0 s6, s8;
	[sflag:s7] =	ssyncadd.s32 @!p0 $0xFFFFFFFF  }
0xb9: {  	s25 =	simm.s32 $0x1B8E;
	s24 =	sld [smem:$0x3FFE];
	[sflag:s6] =	ssyncadd.remote.s32 @!p0 $0x1  }
0xba: {  	s26 =	simm.s32 $execute0_lowered;
	[smem:$0x3FD2] =	sst s25  }
0xbb: {  	s7 =	sshll.u32 s26, $0x1;
	_ =	strace $0x80000049;
	[dreg:$0x1] =	wrdreg $0xFFFFFFFF  }
0xbc: {  	s28 =	simm.s32 $_size_execute0_lowered;
	s5 =	sadd.s32 s5, s7;
	[dreg:$0x0] =	wrdreg $0x0  }
0xbd: {  	s7 =	sshll.u32 s28, $0x1;
	[dreg:$0x2] =	wrdreg s5  }
0xbe: {  	[dreg:$0x3] =	wrdreg s7  }
0xbf: {  	[dreg:$0x4] =	wrdreg $0xC0  }
0xc0: {  	_ =	task [dreg:s22], $0x5FFFF  }
0xc1: {  	[dreg:$0x1] =	wrdreg $0xFFFFFFFF  }
0xc2: {  	[dreg:$0x0] =	wrdreg $0x60  }
0xc3: {  	[dreg:$0x2] =	wrdreg s17  }
0xc4: {  	[dreg:$0x3] =	wrdreg s2  }
0xc5: {  	[dreg:$0x4] =	wrdreg s24  }
0xc6: {  	[dreg:$0x5] =	wrdreg $0x9  }
0xc7: {  	_ =	task.clear_ibuf [dreg:s22], $0x6FFFF;
	_ =	strace $0x90000049  }
0xc8: {  	s29 =	simm.s32 $0x9;
	_ =	strace $0x8000004B  }
0xc9: {  	_ =	swait.ge [sflag:s29], $0x1  }
0xca: {  	[sflag:s29] =	ssyncadd.s32 $0xFFFFFFFF  }
0xcb: {  	_ =	strace $0x9000004B  }
0xcc: {  	_ =	sfence  }
0xcd: {  	s30 =	sld [smem:$0x0];
	_ =	sdelay $0x2  }
0xce: {  	s31 =	sshll.u32 s1, $0xD;
	s1 =	sshrl.u32 s1, $0x2  }
0xcf: {  	s4 =	sand.u32 $0x4000, s31;
	s1 =	sadd.s32 s1, s30  }
0xd0: {  	s0 =	sor.u32 s4, s0;
	s1 =	sshll.u32 s1, $0x11  }
0xd1: {  	s0 =	sor.u32 s1, s0  }
0xd2: {  	s0 =	sadd.s32 $0x8F2B, s0  }
0xd3: {  	[sflag:s0] =	ssyncadd.remote.s32 $0x1  }
0xd4: {  	_ =	sfence.sel $0xFFFF  }
0xd5: {  	[dreg:$0x0] =	wrdreg $0xFFFFFFFF;
	(pc) =	sbr.abs _section_cstart, $3  }
0xd6: {  	[dreg:$0x1] =	wrdreg $0xFFFFFFFF  }
0xd7: {  	_ =	task.clear_ibuf [dreg:s22], $0x2FFFF;
	_ =	strace $0x9FFFFFFF  }
0xd8: {  	(tm) =	ssettm $0x7FFFFFFF  }
0xd9: {  	_ =	shalt  }
tec
execute0_lowered:
.L_overlay_start_1:
0x0: {  	(tag) =	ssettag $0x1  }
0x1: {  	s1 =	srdreg.scid  }
0x2: {  	s4 =	rddreg [dreg:$0x0];
	s0 =	stileid.u32;
	s1 =	sand.u32 $0x1, s1  }
0x3: {  	s2 =	rddreg [dreg:$0x1];
	s6 =	sshll.u32 s0, $0xC;
	s7 =	sshll.u32 s1, $0xB  }
0x4: {  	s5 =	rddreg [dreg:$0x2];
	s6 =	sor.u32 s7, s6  }
0x5: {  	s3 =	simm.s32 $0x0;
	s7 =	sshll.u32 s6, $0x4;
	s6 =	sshrl.u32 s6, $0x3  }
0x6: {  	[smem:$0x7FF] =	sst s3;
	s31 =	sadd.s32 s7, s5;
	s4 =	sadd.s32 s4, s6  }
0x7: {  	_ =	strace $0x8000004A;
	[dreg:$0x4] =	wrdreg s4;
	s15 =	sadd.s32 $0x102600, s31  }
0x8: {  	s16 =	sadd.s32 $0x102E00, s31;
	[dreg:$0x5] =	wrdreg s15  }
0x9: {  	s17 =	sadd.s32 $0x103600, s31;
	[dreg:$0x6] =	wrdreg s16  }
0xa: {  	s18 =	sadd.s32 $0x103E00, s31;
	[dreg:$0x7] =	wrdreg s17  }
0xb: {  	s19 =	sadd.s32 $0x104600, s31;
	[dreg:$0x8] =	wrdreg s18  }
0xc: {  	s20 =	sadd.s32 $0x104E00, s31;
	[dreg:$0x9] =	wrdreg s19  }
0xd: {  	s21 =	sadd.s32 $0x105600, s31;
	[dreg:$0xa] =	wrdreg s20  }
0xe: {  	s22 =	sadd.s32 $0x105E00, s31;
	[dreg:$0xb] =	wrdreg s21  }
0xf: {  	s23 =	sadd.s32 $0x106600, s31;
	[dreg:$0xc] =	wrdreg s22  }
0x10: {  	[dreg:$0xd] =	wrdreg s23  }
0x11: {  	s24 =	sadd.s32 $0x106E00, s31;
	s25 =	rddreg [dreg:$0x4]  }
0x12: {  	s26 =	sadd.s32 $0x107600, s31;
	[dreg:$0xe] =	wrdreg s24  }
0x13: {  	s4 =	simm.s32 $0x5;
	[dreg:$0xf] =	wrdreg s26  }
0x14: {  	[tilespmem:s3], [sflag:$0x5] =	stream.linear.gather [hbm4b:s25+s3], $0x800, $0x38;
	[tilespmem:$0x8800] =	vst v63  }
0x15: {  	_ =	swait.ge [sflag:s4], $0x800  }
0x16: {  	s5 =	simm.s32 $0x80;
	[sflag:s4] =	ssyncset.done $0x0  }
0x17: {  	s6 =	simm.s32 $0x800;
	s7 =	simm.s32 $0x1;
	[sflag:s4] =	ssyncadd.s32 $0xFFFFF800  }
0x18: {  	[tilespmem:s6], [sflag:$0x1] =	stream.indirect.gather [hbm4b:s2+s5], $0x80, s3, s5, $0xb8;
	[tilespmem:$0x8800] =	vst v63  }
0x19: {  	_ =	swait.ge [sflag:s7], $0x4000  }
0x1a: {  	[sflag:s7] =	ssyncset.done $0x0  }
0x1b: {  	s8 =	rddreg [dreg:$0x5];
	[sflag:s7] =	ssyncadd.s32 $0xFFFFC000  }
0x1c: {  	[hbm4b:s8+s3] =	stream.linear.scatter [tilespmem:s6], [sflag:$0x3], $0x4000, $0x38;
	[tilespmem:$0x8800] =	vst v63  }
0x1d: {  	s9 =	simm.s32 $0x2;
	s8 =	simm.s32 $0x4800  }
0x1e: {  	[tilespmem:s8], [sflag:$0x2] =	stream.indirect.gather [hbm4b:s2+s5], $0x80, s5, s5, $0xb8;
	[tilespmem:$0x8800] =	vst v63  }
0x1f: {  	_ =	swait.ge [sflag:s9], $0x4000  }
0x20: {  	[sflag:s9] =	ssyncset.done $0x0  }
0x21: {  	s10 =	simm.s32 $0x3;
	s11 =	rddreg [dreg:$0x6];
	[sflag:s9] =	ssyncadd.s32 $0xFFFFC000  }
0x22: {  	[hbm4b:s11+s3] =	stream.linear.scatter [tilespmem:s8], [sflag:$0x4], $0x4000, $0x38;
	[tilespmem:$0x8800] =	vst v63  }
0x23: {  	_ =	swait.ge [sflag:s10], $0x4000  }
0x24: {  	[sflag:s10] =	ssyncset.done $0x0  }
0x25: {  	s11 =	simm.s32 $0x100;
	[sflag:s10] =	ssyncadd.s32 $0xFFFFC000  }
0x26: {  	[tilespmem:s6], [sflag:$0x1] =	stream.indirect.gather [hbm4b:s2+s5], $0x80, s11, s5, $0xb8;
	[tilespmem:$0x8800] =	vst v63  }
0x27: {  	_ =	swait.ge [sflag:s7], $0x4000  }
0x28: {  	[sflag:s7] =	ssyncset.done $0x0  }
0x29: {  	s12 =	simm.s32 $0x4;
	s13 =	rddreg [dreg:$0x7];
	[sflag:s7] =	ssyncadd.s32 $0xFFFFC000  }
0x2a: {  	[hbm4b:s13+s3] =	stream.linear.scatter [tilespmem:s6], [sflag:$0x3], $0x4000, $0x38;
	[tilespmem:$0x8800] =	vst v63  }
0x2b: {  	_ =	swait.ge [sflag:s12], $0x4000  }
0x2c: {  	[sflag:s12] =	ssyncset.done $0x0  }
0x2d: {  	s13 =	simm.s32 $0x180;
	[sflag:s12] =	ssyncadd.s32 $0xFFFFC000  }
0x2e: {  	[tilespmem:s8], [sflag:$0x2] =	stream.indirect.gather [hbm4b:s2+s5], $0x80, s13, s5, $0xb8;
	[tilespmem:$0x8800] =	vst v63  }
0x2f: {  	_ =	swait.ge [sflag:s9], $0x4000  }
0x30: {  	[sflag:s9] =	ssyncset.done $0x0  }
0x31: {  	s14 =	rddreg [dreg:$0x8];
	[sflag:s9] =	ssyncadd.s32 $0xFFFFC000  }
0x32: {  	[hbm4b:s14+s3] =	stream.linear.scatter [tilespmem:s8], [sflag:$0x4], $0x4000, $0x38;
	[tilespmem:$0x8800] =	vst v63  }
0x33: {  	_ =	swait.ge [sflag:s10], $0x4000  }
0x34: {  	[sflag:s10] =	ssyncset.done $0x0  }
0x35: {  	s14 =	simm.s32 $0x200;
	[sflag:s10] =	ssyncadd.s32 $0xFFFFC000  }
0x36: {  	[tilespmem:s6], [sflag:$0x1] =	stream.indirect.gather [hbm4b:s2+s5], $0x80, s14, s5, $0xb8;
	[tilespmem:$0x8800] =	vst v63  }
0x37: {  	_ =	swait.ge [sflag:s7], $0x4000  }
0x38: {  	[sflag:s7] =	ssyncset.done $0x0  }
0x39: {  	s15 =	rddreg [dreg:$0x9];
	[sflag:s7] =	ssyncadd.s32 $0xFFFFC000  }
0x3a: {  	[hbm4b:s15+s3] =	stream.linear.scatter [tilespmem:s6], [sflag:$0x3], $0x4000, $0x38;
	[tilespmem:$0x8800] =	vst v63  }
0x3b: {  	_ =	swait.ge [sflag:s12], $0x4000  }
0x3c: {  	[sflag:s12] =	ssyncset.done $0x0  }
0x3d: {  	s15 =	simm.s32 $0x280;
	[sflag:s12] =	ssyncadd.s32 $0xFFFFC000  }
0x3e: {  	[tilespmem:s8], [sflag:$0x2] =	stream.indirect.gather [hbm4b:s2+s5], $0x80, s15, s5, $0xb8;
	[tilespmem:$0x8800] =	vst v63  }
0x3f: {  	_ =	swait.ge [sflag:s9], $0x4000  }
0x40: {  	[sflag:s9] =	ssyncset.done $0x0  }
0x41: {  	s16 =	rddreg [dreg:$0xa];
	[sflag:s9] =	ssyncadd.s32 $0xFFFFC000  }
0x42: {  	[hbm4b:s16+s3] =	stream.linear.scatter [tilespmem:s8], [sflag:$0x4], $0x4000, $0x38;
	[tilespmem:$0x8800] =	vst v63  }
0x43: {  	_ =	swait.ge [sflag:s10], $0x4000  }
0x44: {  	[sflag:s10] =	ssyncset.done $0x0  }
0x45: {  	s16 =	simm.s32 $0x300;
	[sflag:s10] =	ssyncadd.s32 $0xFFFFC000  }
0x46: {  	[tilespmem:s6], [sflag:$0x1] =	stream.indirect.gather [hbm4b:s2+s5], $0x80, s16, s5, $0xb8;
	[tilespmem:$0x8800] =	vst v63  }
0x47: {  	_ =	swait.ge [sflag:s7], $0x4000  }
0x48: {  	[sflag:s7] =	ssyncset.done $0x0  }
0x49: {  	s17 =	rddreg [dreg:$0xb];
	[sflag:s7] =	ssyncadd.s32 $0xFFFFC000  }
0x4a: {  	[hbm4b:s17+s3] =	stream.linear.scatter [tilespmem:s6], [sflag:$0x3], $0x4000, $0x38;
	[tilespmem:$0x8800] =	vst v63  }
0x4b: {  	_ =	swait.ge [sflag:s12], $0x4000  }
0x4c: {  	[sflag:s12] =	ssyncset.done $0x0  }
0x4d: {  	s17 =	simm.s32 $0x380;
	[sflag:s12] =	ssyncadd.s32 $0xFFFFC000  }
0x4e: {  	[tilespmem:s8], [sflag:$0x2] =	stream.indirect.gather [hbm4b:s2+s5], $0x80, s17, s5, $0xb8;
	[tilespmem:$0x8800] =	vst v63  }
0x4f: {  	_ =	swait.ge [sflag:s9], $0x4000  }
0x50: {  	[sflag:s9] =	ssyncset.done $0x0  }
0x51: {  	s18 =	rddreg [dreg:$0xc];
	[sflag:s9] =	ssyncadd.s32 $0xFFFFC000  }
0x52: {  	[hbm4b:s18+s3] =	stream.linear.scatter [tilespmem:s8], [sflag:$0x4], $0x4000, $0x38;
	[tilespmem:$0x8800] =	vst v63  }
0x53: {  	_ =	swait.ge [sflag:s10], $0x4000  }
0x54: {  	[sflag:s10] =	ssyncset.done $0x0  }
0x55: {  	s18 =	simm.s32 $0x400;
	[sflag:s10] =	ssyncadd.s32 $0xFFFFC000  }
0x56: {  	[tilespmem:s6], [sflag:$0x1] =	stream.indirect.gather [hbm4b:s2+s5], $0x80, s18, s5, $0xb8;
	[tilespmem:$0x8800] =	vst v63  }
0x57: {  	_ =	swait.ge [sflag:s7], $0x4000  }
0x58: {  	[sflag:s7] =	ssyncset.done $0x0  }
0x59: {  	s19 =	rddreg [dreg:$0xd];
	[sflag:s7] =	ssyncadd.s32 $0xFFFFC000  }
0x5a: {  	[hbm4b:s19+s3] =	stream.linear.scatter [tilespmem:s6], [sflag:$0x3], $0x4000, $0x38;
	[tilespmem:$0x8800] =	vst v63  }
0x5b: {  	_ =	swait.ge [sflag:s12], $0x4000  }
0x5c: {  	[sflag:s12] =	ssyncset.done $0x0  }
0x5d: {  	s19 =	simm.s32 $0x480;
	[sflag:s12] =	ssyncadd.s32 $0xFFFFC000  }
0x5e: {  	[tilespmem:s8], [sflag:$0x2] =	stream.indirect.gather [hbm4b:s2+s5], $0x80, s19, s5, $0xb8;
	[tilespmem:$0x8800] =	vst v63  }
0x5f: {  	_ =	swait.ge [sflag:s9], $0x4000  }
0x60: {  	[sflag:s9] =	ssyncset.done $0x0  }
0x61: {  	s20 =	rddreg [dreg:$0xe];
	[sflag:s9] =	ssyncadd.s32 $0xFFFFC000  }
0x62: {  	[hbm4b:s20+s3] =	stream.linear.scatter [tilespmem:s8], [sflag:$0x4], $0x4000, $0x38;
	[tilespmem:$0x8800] =	vst v63  }
0x63: {  	_ =	swait.ge [sflag:s10], $0x4000  }
0x64: {  	[sflag:s10] =	ssyncset.done $0x0  }
0x65: {  	s20 =	simm.s32 $0x500;
	[sflag:s10] =	ssyncadd.s32 $0xFFFFC000  }
0x66: {  	[tilespmem:s6], [sflag:$0x1] =	stream.indirect.gather [hbm4b:s2+s5], $0x80, s20, s5, $0xb8;
	[tilespmem:$0x8800] =	vst v63  }
0x67: {  	_ =	swait.ge [sflag:s7], $0x4000  }
0x68: {  	[sflag:s7] =	ssyncset.done $0x0  }
0x69: {  	s21 =	rddreg [dreg:$0xf];
	[sflag:s7] =	ssyncadd.s32 $0xFFFFC000  }
0x6a: {  	[hbm4b:s21+s3] =	stream.linear.scatter [tilespmem:s6], [sflag:$0x3], $0x4000, $0x38;
	[tilespmem:$0x8800] =	vst v63  }
0x6b: {  	_ =	swait.ge [sflag:s12], $0x4000  }
0x6c: {  	[sflag:s12] =	ssyncset.done $0x0  }
0x6d: {  	s21 =	simm.s32 $0x580;
	[sflag:s12] =	ssyncadd.s32 $0xFFFFC000  }
0x6e: {  	[tilespmem:s8], [sflag:$0x2] =	stream.indirect.gather [hbm4b:s2+s5], $0x80, s21, s5, $0xb8;
	[tilespmem:$0x8800] =	vst v63  }
0x6f: {  	_ =	swait.ge [sflag:s9], $0x4000  }
0x70: {  	[sflag:s9] =	ssyncset.done $0x0  }
0x71: {  	s22 =	sadd.s32 $0x107E00, s31;
	[sflag:s9] =	ssyncadd.s32 $0xFFFFC000  }
0x72: {  	[hbm4b:s22+s3] =	stream.linear.scatter [tilespmem:s8], [sflag:$0x4], $0x4000, $0x38;
	[tilespmem:$0x8800] =	vst v63  }
0x73: {  	_ =	swait.ge [sflag:s10], $0x4000  }
0x74: {  	[sflag:s10] =	ssyncset.done $0x0  }
0x75: {  	s23 =	simm.s32 $0x600;
	[sflag:s10] =	ssyncadd.s32 $0xFFFFC000  }
0x76: {  	[tilespmem:s6], [sflag:$0x1] =	stream.indirect.gather [hbm4b:s2+s5], $0x80, s23, s5, $0xb8;
	[tilespmem:$0x8800] =	vst v63  }
0x77: {  	_ =	swait.ge [sflag:s7], $0x4000  }
0x78: {  	[sflag:s7] =	ssyncset.done $0x0  }
0x79: {  	s24 =	sadd.s32 $0x108600, s31;
	[sflag:s7] =	ssyncadd.s32 $0xFFFFC000  }
0x7a: {  	[hbm4b:s24+s3] =	stream.linear.scatter [tilespmem:s6], [sflag:$0x3], $0x4000, $0x38;
	[tilespmem:$0x8800] =	vst v63  }
0x7b: {  	_ =	swait.ge [sflag:s12], $0x4000  }
0x7c: {  	[sflag:s12] =	ssyncset.done $0x0  }
0x7d: {  	s25 =	simm.s32 $0x680;
	[sflag:s12] =	ssyncadd.s32 $0xFFFFC000  }
0x7e: {  	[tilespmem:s8], [sflag:$0x2] =	stream.indirect.gather [hbm4b:s2+s5], $0x80, s25, s5, $0xb8;
	[tilespmem:$0x8800] =	vst v63  }
0x7f: {  	_ =	swait.ge [sflag:s9], $0x4000  }
0x80: {  	[sflag:s9] =	ssyncset.done $0x0  }
0x81: {  	s26 =	sadd.s32 $0x108E00, s31;
	[sflag:s9] =	ssyncadd.s32 $0xFFFFC000  }
0x82: {  	[hbm4b:s26+s3] =	stream.linear.scatter [tilespmem:s8], [sflag:$0x4], $0x4000, $0x38;
	[tilespmem:$0x8800] =	vst v63  }
0x83: {  	_ =	swait.ge [sflag:s10], $0x4000  }
0x84: {  	[sflag:s10] =	ssyncset.done $0x0  }
0x85: {  	s28 =	simm.s32 $0x700;
	[sflag:s10] =	ssyncadd.s32 $0xFFFFC000  }
0x86: {  	[tilespmem:s6], [sflag:$0x1] =	stream.indirect.gather [hbm4b:s2+s5], $0x80, s28, s5, $0xb8;
	[tilespmem:$0x8800] =	vst v63  }
0x87: {  	_ =	swait.ge [sflag:s7], $0x4000  }
0x88: {  	[sflag:s7] =	ssyncset.done $0x0  }
0x89: {  	s29 =	sadd.s32 $0x109600, s31;
	[sflag:s7] =	ssyncadd.s32 $0xFFFFC000  }
0x8a: {  	[hbm4b:s29+s3] =	stream.linear.scatter [tilespmem:s6], [sflag:$0x3], $0x4000, $0x38;
	[tilespmem:$0x8800] =	vst v63  }
0x8b: {  	_ =	swait.ge [sflag:s12], $0x4000  }
0x8c: {  	s1 =	ssub.s32 $0x2, s1;
	[sflag:s12] =	ssyncset.done $0x0  }
0x8d: {  	s30 =	simm.s32 $0x780;
	s0 =	sshrl.u32 s1, $0x1;
	[sflag:s12] =	ssyncadd.s32 $0xFFFFC000  }
0x8e: {  	[tilespmem:s8], [sflag:$0x2] =	stream.indirect.gather [hbm4b:s2+s5], $0x80, s30, s5, $0xb8;
	[tilespmem:$0x8800] =	vst v63  }
0x8f: {  	s0 =	ssub.s32 s1, s0;
	_ =	swait.ge [sflag:s9], $0x4000  }
0x90: {  	s0 =	smax.u32 s0, $0x1;
	[sflag:s9] =	ssyncset.done $0x0  }
0x91: {  	p0 =	sne.s32 s0, $0x1;
	s31 =	sadd.s32 $0x109E00, s31;
	[sflag:s9] =	ssyncadd.s32 $0xFFFFC000  }
0x92: {  	[hbm4b:s31+s3] =	stream.linear.scatter [tilespmem:s8], [sflag:$0x4], $0x4000, $0x38;
	[tilespmem:$0x8800] =	vst v63  }
.Ltmp0:
0x93: {  	_ =	swait.ge [sflag:s12], $0x4000;
	(pc) =	sbr.rel @!p0 .LBB2_2-.Ltmp0, $4  }
0x94: {  	[sflag:s12] =	ssyncset.done $0x0  }
0x95: {  	[sflag:s12] =	ssyncadd.s32 $0xFFFFC000  }
0x96: {  	_ =	swait.ge [sflag:s10], $0x4000  }
0x97: {  	s1 =	sadd.s32 $0xFFFFFFFF, s0;
	[sflag:s10] =	ssyncset.done $0x0  }
.LBB2_1:
0x98: {  	s0 =	rddreg [dreg:$0x4];
	[sflag:s10] =	ssyncadd.s32 $0xFFFFC000  }
0x99: {  	[tilespmem:s3], [sflag:$0x5] =	stream.linear.gather [hbm4b:s0+s3], $0x800, $0x38;
	[tilespmem:$0x8800] =	vst v63  }
0x9a: {  	_ =	swait.ge [sflag:s4], $0x800  }
0x9b: {  	[sflag:s4] =	ssyncset.done $0x0  }
0x9c: {  	[sflag:s4] =	ssyncadd.s32 $0xFFFFF800  }
0x9d: {  	[tilespmem:s6], [sflag:$0x1] =	stream.indirect.gather [hbm4b:s2+s5], $0x80, s3, s5, $0xb8;
	[tilespmem:$0x8800] =	vst v63  }
0x9e: {  	_ =	swait.ge [sflag:s7], $0x4000  }
0x9f: {  	[sflag:s7] =	ssyncset.done $0x0  }
0xa0: {  	s0 =	rddreg [dreg:$0x5];
	[sflag:s7] =	ssyncadd.s32 $0xFFFFC000  }
0xa1: {  	[hbm4b:s0+s3] =	stream.linear.scatter [tilespmem:s6], [sflag:$0x3], $0x4000, $0x38;
	[tilespmem:$0x8800] =	vst v63  }
0xa2: {  	_ = 	snop  }
0xa3: {  	[tilespmem:s8], [sflag:$0x2] =	stream.indirect.gather [hbm4b:s2+s5], $0x80, s5, s5, $0xb8;
	[tilespmem:$0x8800] =	vst v63  }
0xa4: {  	_ =	swait.ge [sflag:s9], $0x4000  }
0xa5: {  	[sflag:s9] =	ssyncset.done $0x0  }
0xa6: {  	s0 =	rddreg [dreg:$0x6];
	[sflag:s9] =	ssyncadd.s32 $0xFFFFC000  }
0xa7: {  	[hbm4b:s0+s3] =	stream.linear.scatter [tilespmem:s8], [sflag:$0x4], $0x4000, $0x38;
	[tilespmem:$0x8800] =	vst v63  }
0xa8: {  	_ =	swait.ge [sflag:s10], $0x4000  }
0xa9: {  	[sflag:s10] =	ssyncset.done $0x0  }
0xaa: {  	[sflag:s10] =	ssyncadd.s32 $0xFFFFC000  }
0xab: {  	[tilespmem:s6], [sflag:$0x1] =	stream.indirect.gather [hbm4b:s2+s5], $0x80, s11, s5, $0xb8;
	[tilespmem:$0x8800] =	vst v63  }
0xac: {  	_ =	swait.ge [sflag:s7], $0x4000  }
0xad: {  	[sflag:s7] =	ssyncset.done $0x0  }
0xae: {  	s0 =	rddreg [dreg:$0x7];
	[sflag:s7] =	ssyncadd.s32 $0xFFFFC000  }
0xaf: {  	[hbm4b:s0+s3] =	stream.linear.scatter [tilespmem:s6], [sflag:$0x3], $0x4000, $0x38;
	[tilespmem:$0x8800] =	vst v63  }
0xb0: {  	_ =	swait.ge [sflag:s12], $0x4000  }
0xb1: {  	[sflag:s12] =	ssyncset.done $0x0  }
0xb2: {  	[sflag:s12] =	ssyncadd.s32 $0xFFFFC000  }
0xb3: {  	[tilespmem:s8], [sflag:$0x2] =	stream.indirect.gather [hbm4b:s2+s5], $0x80, s13, s5, $0xb8;
	[tilespmem:$0x8800] =	vst v63  }
0xb4: {  	_ =	swait.ge [sflag:s9], $0x4000  }
0xb5: {  	[sflag:s9] =	ssyncset.done $0x0  }
0xb6: {  	s0 =	rddreg [dreg:$0x8];
	[sflag:s9] =	ssyncadd.s32 $0xFFFFC000  }
0xb7: {  	[hbm4b:s0+s3] =	stream.linear.scatter [tilespmem:s8], [sflag:$0x4], $0x4000, $0x38;
	[tilespmem:$0x8800] =	vst v63  }
0xb8: {  	_ =	swait.ge [sflag:s10], $0x4000  }
0xb9: {  	[sflag:s10] =	ssyncset.done $0x0  }
0xba: {  	[sflag:s10] =	ssyncadd.s32 $0xFFFFC000  }
0xbb: {  	[tilespmem:s6], [sflag:$0x1] =	stream.indirect.gather [hbm4b:s2+s5], $0x80, s14, s5, $0xb8;
	[tilespmem:$0x8800] =	vst v63  }
0xbc: {  	_ =	swait.ge [sflag:s7], $0x4000  }
0xbd: {  	[sflag:s7] =	ssyncset.done $0x0  }
0xbe: {  	s0 =	rddreg [dreg:$0x9];
	[sflag:s7] =	ssyncadd.s32 $0xFFFFC000  }
0xbf: {  	[hbm4b:s0+s3] =	stream.linear.scatter [tilespmem:s6], [sflag:$0x3], $0x4000, $0x38;
	[tilespmem:$0x8800] =	vst v63  }
0xc0: {  	_ =	swait.ge [sflag:s12], $0x4000  }
0xc1: {  	[sflag:s12] =	ssyncset.done $0x0  }
0xc2: {  	[sflag:s12] =	ssyncadd.s32 $0xFFFFC000  }
0xc3: {  	[tilespmem:s8], [sflag:$0x2] =	stream.indirect.gather [hbm4b:s2+s5], $0x80, s15, s5, $0xb8;
	[tilespmem:$0x8800] =	vst v63  }
0xc4: {  	_ =	swait.ge [sflag:s9], $0x4000  }
0xc5: {  	[sflag:s9] =	ssyncset.done $0x0  }
0xc6: {  	s0 =	rddreg [dreg:$0xa];
	[sflag:s9] =	ssyncadd.s32 $0xFFFFC000  }
0xc7: {  	[hbm4b:s0+s3] =	stream.linear.scatter [tilespmem:s8], [sflag:$0x4], $0x4000, $0x38;
	[tilespmem:$0x8800] =	vst v63  }
0xc8: {  	_ =	swait.ge [sflag:s10], $0x4000  }
0xc9: {  	[sflag:s10] =	ssyncset.done $0x0  }
0xca: {  	[sflag:s10] =	ssyncadd.s32 $0xFFFFC000  }
0xcb: {  	[tilespmem:s6], [sflag:$0x1] =	stream.indirect.gather [hbm4b:s2+s5], $0x80, s16, s5, $0xb8;
	[tilespmem:$0x8800] =	vst v63  }
0xcc: {  	_ =	swait.ge [sflag:s7], $0x4000  }
0xcd: {  	[sflag:s7] =	ssyncset.done $0x0  }
0xce: {  	s0 =	rddreg [dreg:$0xb];
	[sflag:s7] =	ssyncadd.s32 $0xFFFFC000  }
0xcf: {  	[hbm4b:s0+s3] =	stream.linear.scatter [tilespmem:s6], [sflag:$0x3], $0x4000, $0x38;
	[tilespmem:$0x8800] =	vst v63  }
0xd0: {  	_ =	swait.ge [sflag:s12], $0x4000  }
0xd1: {  	[sflag:s12] =	ssyncset.done $0x0  }
0xd2: {  	[sflag:s12] =	ssyncadd.s32 $0xFFFFC000  }
0xd3: {  	[tilespmem:s8], [sflag:$0x2] =	stream.indirect.gather [hbm4b:s2+s5], $0x80, s17, s5, $0xb8;
	[tilespmem:$0x8800] =	vst v63  }
0xd4: {  	_ =	swait.ge [sflag:s9], $0x4000  }
0xd5: {  	[sflag:s9] =	ssyncset.done $0x0  }
0xd6: {  	s0 =	rddreg [dreg:$0xc];
	[sflag:s9] =	ssyncadd.s32 $0xFFFFC000  }
0xd7: {  	[hbm4b:s0+s3] =	stream.linear.scatter [tilespmem:s8], [sflag:$0x4], $0x4000, $0x38;
	[tilespmem:$0x8800] =	vst v63  }
0xd8: {  	_ =	swait.ge [sflag:s10], $0x4000  }
0xd9: {  	[sflag:s10] =	ssyncset.done $0x0  }
0xda: {  	[sflag:s10] =	ssyncadd.s32 $0xFFFFC000  }
0xdb: {  	[tilespmem:s6], [sflag:$0x1] =	stream.indirect.gather [hbm4b:s2+s5], $0x80, s18, s5, $0xb8;
	[tilespmem:$0x8800] =	vst v63  }
0xdc: {  	_ =	swait.ge [sflag:s7], $0x4000  }
0xdd: {  	[sflag:s7] =	ssyncset.done $0x0  }
0xde: {  	s0 =	rddreg [dreg:$0xd];
	[sflag:s7] =	ssyncadd.s32 $0xFFFFC000  }
0xdf: {  	[hbm4b:s0+s3] =	stream.linear.scatter [tilespmem:s6], [sflag:$0x3], $0x4000, $0x38;
	[tilespmem:$0x8800] =	vst v63  }
0xe0: {  	_ =	swait.ge [sflag:s12], $0x4000  }
0xe1: {  	[sflag:s12] =	ssyncset.done $0x0  }
0xe2: {  	[sflag:s12] =	ssyncadd.s32 $0xFFFFC000  }
0xe3: {  	[tilespmem:s8], [sflag:$0x2] =	stream.indirect.gather [hbm4b:s2+s5], $0x80, s19, s5, $0xb8;
	[tilespmem:$0x8800] =	vst v63  }
0xe4: {  	_ =	swait.ge [sflag:s9], $0x4000  }
0xe5: {  	[sflag:s9] =	ssyncset.done $0x0  }
0xe6: {  	s0 =	rddreg [dreg:$0xe];
	[sflag:s9] =	ssyncadd.s32 $0xFFFFC000  }
0xe7: {  	[hbm4b:s0+s3] =	stream.linear.scatter [tilespmem:s8], [sflag:$0x4], $0x4000, $0x38;
	[tilespmem:$0x8800] =	vst v63  }
0xe8: {  	_ =	swait.ge [sflag:s10], $0x4000  }
0xe9: {  	[sflag:s10] =	ssyncset.done $0x0  }
0xea: {  	[sflag:s10] =	ssyncadd.s32 $0xFFFFC000  }
0xeb: {  	[tilespmem:s6], [sflag:$0x1] =	stream.indirect.gather [hbm4b:s2+s5], $0x80, s20, s5, $0xb8;
	[tilespmem:$0x8800] =	vst v63  }
0xec: {  	_ =	swait.ge [sflag:s7], $0x4000  }
0xed: {  	[sflag:s7] =	ssyncset.done $0x0  }
0xee: {  	s0 =	rddreg [dreg:$0xf];
	[sflag:s7] =	ssyncadd.s32 $0xFFFFC000  }
0xef: {  	[hbm4b:s0+s3] =	stream.linear.scatter [tilespmem:s6], [sflag:$0x3], $0x4000, $0x38;
	[tilespmem:$0x8800] =	vst v63  }
0xf0: {  	_ =	swait.ge [sflag:s12], $0x4000  }
0xf1: {  	[sflag:s12] =	ssyncset.done $0x0  }
0xf2: {  	[sflag:s12] =	ssyncadd.s32 $0xFFFFC000  }
0xf3: {  	[tilespmem:s8], [sflag:$0x2] =	stream.indirect.gather [hbm4b:s2+s5], $0x80, s21, s5, $0xb8;
	[tilespmem:$0x8800] =	vst v63  }
0xf4: {  	_ =	swait.ge [sflag:s9], $0x4000  }
0xf5: {  	[sflag:s9] =	ssyncset.done $0x0  }
0xf6: {  	[sflag:s9] =	ssyncadd.s32 $0xFFFFC000  }
0xf7: {  	[hbm4b:s22+s3] =	stream.linear.scatter [tilespmem:s8], [sflag:$0x4], $0x4000, $0x38;
	[tilespmem:$0x8800] =	vst v63  }
0xf8: {  	_ =	swait.ge [sflag:s10], $0x4000  }
0xf9: {  	[sflag:s10] =	ssyncset.done $0x0  }
0xfa: {  	[sflag:s10] =	ssyncadd.s32 $0xFFFFC000  }
0xfb: {  	[tilespmem:s6], [sflag:$0x1] =	stream.indirect.gather [hbm4b:s2+s5], $0x80, s23, s5, $0xb8;
	[tilespmem:$0x8800] =	vst v63  }
0xfc: {  	_ =	swait.ge [sflag:s7], $0x4000  }
0xfd: {  	[sflag:s7] =	ssyncset.done $0x0  }
0xfe: {  	[sflag:s7] =	ssyncadd.s32 $0xFFFFC000  }
0xff: {  	[hbm4b:s24+s3] =	stream.linear.scatter [tilespmem:s6], [sflag:$0x3], $0x4000, $0x38;
	[tilespmem:$0x8800] =	vst v63  }
0x100: {  	_ =	swait.ge [sflag:s12], $0x4000  }
0x101: {  	[sflag:s12] =	ssyncset.done $0x0  }
0x102: {  	[sflag:s12] =	ssyncadd.s32 $0xFFFFC000  }
0x103: {  	[tilespmem:s8], [sflag:$0x2] =	stream.indirect.gather [hbm4b:s2+s5], $0x80, s25, s5, $0xb8;
	[tilespmem:$0x8800] =	vst v63  }
0x104: {  	_ =	swait.ge [sflag:s9], $0x4000  }
0x105: {  	[sflag:s9] =	ssyncset.done $0x0  }
0x106: {  	[sflag:s9] =	ssyncadd.s32 $0xFFFFC000  }
0x107: {  	[hbm4b:s26+s3] =	stream.linear.scatter [tilespmem:s8], [sflag:$0x4], $0x4000, $0x38;
	[tilespmem:$0x8800] =	vst v63  }
0x108: {  	_ =	swait.ge [sflag:s10], $0x4000  }
0x109: {  	[sflag:s10] =	ssyncset.done $0x0  }
0x10a: {  	[sflag:s10] =	ssyncadd.s32 $0xFFFFC000  }
0x10b: {  	[tilespmem:s6], [sflag:$0x1] =	stream.indirect.gather [hbm4b:s2+s5], $0x80, s28, s5, $0xb8;
	[tilespmem:$0x8800] =	vst v63  }
0x10c: {  	_ =	swait.ge [sflag:s7], $0x4000  }
0x10d: {  	[sflag:s7] =	ssyncset.done $0x0  }
0x10e: {  	[sflag:s7] =	ssyncadd.s32 $0xFFFFC000  }
0x10f: {  	[hbm4b:s29+s3] =	stream.linear.scatter [tilespmem:s6], [sflag:$0x3], $0x4000, $0x38;
	[tilespmem:$0x8800] =	vst v63  }
0x110: {  	_ =	swait.ge [sflag:s12], $0x4000  }
0x111: {  	[sflag:s12] =	ssyncset.done $0x0  }
0x112: {  	[sflag:s12] =	ssyncadd.s32 $0xFFFFC000  }
0x113: {  	[tilespmem:s8], [sflag:$0x2] =	stream.indirect.gather [hbm4b:s2+s5], $0x80, s30, s5, $0xb8;
	[tilespmem:$0x8800] =	vst v63  }
0x114: {  	_ =	swait.ge [sflag:s9], $0x4000  }
0x115: {  	[sflag:s9] =	ssyncset.done $0x0  }
0x116: {  	p0 =	sne.s32 s1, $0x1;
	[sflag:s9] =	ssyncadd.s32 $0xFFFFC000  }
0x117: {  	[hbm4b:s31+s3] =	stream.linear.scatter [tilespmem:s8], [sflag:$0x4], $0x4000, $0x38;
	[tilespmem:$0x8800] =	vst v63  }
.Ltmp1:
0x118: {  	_ =	swait.ge [sflag:s12], $0x4000;
	(pc) =	sbr.rel @p0 .LBB2_1-.Ltmp1, $4  }
0x119: {  	[sflag:s12] =	ssyncset.done $0x0  }
0x11a: {  	[sflag:s12] =	ssyncadd.s32 $0xFFFFC000  }
0x11b: {  	_ =	swait.ge [sflag:s10], $0x4000  }
0x11c: {  	s1 =	sadd.s32 $0xFFFFFFFF, s1;
	[sflag:s10] =	ssyncset.done $0x0  }
.LBB2_2:
0x11d: {  	[sflag:s10] =	ssyncadd.s32 $0xFFFFC000  }
0x11e: {  	_ =	sfence.sel $0x180000  }
0x11f: {  	[bflag:$0x0] =	sbarrier.arrive $0xFFFF  }
0x120: {  	_ =	strace $0x9000004A  }
0x121: {  	s0 =	stileid.u32;
	[bflag:$0x2] =	sbarrier.arrive $0xFFFF  }
0x122: {  	p0 =	sne.s32 s0, $0x0;
	s0 =	rddreg [dreg:$0x3]  }
0x123: {  	s0 =	sadd.s32 @!p0 $0x100000, s0  }
0x124: {  	[sflag:s0] =	ssyncadd.tile.s32 @!p0 $0x1;
	_ =	shalt  }
.Lfunc_end2:
_tile_overlayer_lowered:
.L_overlay_start_2:
0x125: {  	(tag) =	ssettag $0x2  }
0x126: {  	s0 =	rddreg [dreg:$0x0];
	s2 =	stileid.u32  }
0x127: {  	s1 =	rddreg [dreg:$0x1];
	p0 =	sne.s32 s2, $0x0  }
0x128: {  	s3 =	rddreg [dreg:$0x2];
	[bflag:$0x3] =	sbarrier.arrive $0xFFFF;
	s2 =	simm.s32 @!p0 $0x1C05  }
0x129: {  	[timem:s3], [sflag:s2] =	dma.local @!p0 [hbm:s0], s1  }
0x12a: {  	s0 =	simm.s32 @!p0 $0x5  }
0x12b: {  	_ =	swait.ge @!p0 [sflag:s0], s1  }
0x12c: {  	s1 =	ssub.s32 @!p0 $0x0, s1;
	[sflag:s0] =	ssyncset.done @!p0 $0x0  }
0x12d: {  	[sflag:s0] =	ssyncadd.s32 @!p0 s1  }
0x12e: {  	[bflag:$0x3] =	sbarrier.arrive $0xFFFF  }
0x12f: {  	_ =	shalt  }

</sc_bundles>
